<compile_context>
chip_gen: v7x
topology: tpu7x:2x2x1
jax: 0.10.2.dev20260603
libtpu: 0.0.44.dev20260713+nightly
codegen_flags: <defaults>
</compile_context>

<pallas_src>
import functools

import jax
import jax.numpy as jnp
from jax import lax
from jax.experimental import pallas as pl
from jax.experimental.pallas import tpu as pltpu
from jax.experimental.pallas import tpu_sc as plsc

B, HW, DIM = 64, 1024, 64
K = 9 * 114
KPAD = 1152
T = B * HW

NCH = 4
TCH = T // NCH
TB = 4096
NB = TCH // TB

NW = 32
RPW = TCH // NW
CH = 128
NSTREAM = RPW // CH


def _idx_body(zt_ref, a_ref, o_ref):
    zt = zt_ref[...]
    nrm = jnp.sqrt(jnp.sum(zt * zt, axis=0, keepdims=True))
    zn = zt / jnp.maximum(nrm, 1e-12)
    simsT = jnp.dot(a_ref[...], zn.astype(jnp.bfloat16),
                    preferred_element_type=jnp.float32)
    o_ref[0, 0] = (KPAD - 1) - jnp.argmax(simsT, axis=0).astype(jnp.int32)


def _gather_body(a_hbm, idx_hbm, out_hbm, idx_v, rows_v, cmp_v, sem0, sem1):
    wid = lax.axis_index("s") * 2 + lax.axis_index("c")
    base = wid * RPW
    g = base // HW
    h0 = base % HW
    pltpu.sync_copy(idx_hbm.at[pl.ds(base, RPW)], idx_v)
    sems = (sem0, sem1)
    cps = [None, None]
    cps[0] = pltpu.async_copy(a_hbm.at[idx_v.at[pl.ds(0, CH)]],
                              rows_v.at[0], sems[0])
    for j in range(NSTREAM):
        nxt = (j + 1) % 2
        if j + 1 < NSTREAM:
            cps[nxt] = pltpu.async_copy(
                a_hbm.at[idx_v.at[pl.ds((j + 1) * CH, CH)]],
                rows_v.at[nxt], sems[nxt])
        cps[j % 2].wait()

        def compact(r, carry, j=j):
            for cidx in range(DIM // 16):
                cmp_v[r, pl.ds(cidx * 16, 16)] = (
                    rows_v[j % 2, r, pl.ds(cidx * 16, 16)])
            return carry

        lax.fori_loop(0, CH, compact, 0)
        pltpu.sync_copy(cmp_v, out_hbm.at[g, pl.ds(h0 + j * CH, CH)])


_sc_gather = functools.partial(
    pl.kernel,
    mesh=plsc.VectorSubcoreMesh(core_axis_name="c", subcore_axis_name="s"),
    out_type=jax.ShapeDtypeStruct((TCH // HW, HW, DIM), jnp.float32),
    scratch_types=[
        pltpu.VMEM((RPW,), jnp.int32),
        pltpu.VMEM((2, CH, 128), jnp.float32),
        pltpu.VMEM((CH, DIM), jnp.float32),
        pltpu.SemaphoreType.DMA,
        pltpu.SemaphoreType.DMA,
    ],
)(_gather_body)


def kernel(z, attractors):
    A = attractors.reshape(-1, DIM)
    a_pad = jnp.concatenate(
        [A, jnp.broadcast_to(A[:1], (KPAD - K, DIM))], axis=0)
    a_rev = a_pad[::-1].astype(jnp.bfloat16)
    a_wide = jnp.pad(a_pad, ((0, 0), (0, 128 - DIM)))
    zt = z.reshape(T, DIM).T
    outs = []
    for c in range(NCH):
        idx_c = pl.pallas_call(
            _idx_body,
            grid=(NB,),
            in_specs=[
                pl.BlockSpec((DIM, TB), lambda i, c=c: (0, c * NB + i)),
                pl.BlockSpec((KPAD, DIM), lambda i: (0, 0)),
            ],
            out_specs=pl.BlockSpec((1, 1, TB), lambda i: (i, 0, 0)),
            out_shape=jax.ShapeDtypeStruct((NB, 1, TB), jnp.int32),
        )(zt, a_rev)
        outs.append(_sc_gather(a_wide, idx_c.reshape(TCH)))
    return jnp.concatenate(outs, axis=0)

# --- scband reference (transcript-rebuilt; emitter-appended) ---
"""Pipeline reference for scband-grounded-primitive-memory-37804302139880 (READ-ONLY COPY).

The authoritative reference and input builder live on the scoring server;
editing this copy changes nothing except your own understanding.
"""

import jax, jax.numpy as jnp
import numpy as np

B, HW, DIM = 64, 1024, 64
K_PER = 114
N_PRIM = 9  # number of LogicPrimitive members
EPS = 1e-12


def setup_inputs(seed: int = 0) -> dict:
    key = jax.random.key(seed)
    kz, ka = jax.random.split(key)
    z = jax.random.normal(kz, (B, HW, DIM), dtype=jnp.float32)
    # learned parameters: one attractor bank per logic primitive, unit-normalized
    # (mirrors nn.Parameter(torch.randn(k, dim)) followed by _normalize_all)
    att = jax.random.normal(ka, (N_PRIM, K_PER, DIM), dtype=jnp.float32)
    att = att / jnp.maximum(jnp.linalg.norm(att, axis=-1, keepdims=True), EPS)
    return {"z": z, "attractors": att}


def reference(z, attractors):
    # Faithful translation of the nearest-attractor matching used by
    # GroundedPrimitiveMemory.update_from_example, batched over tokens:
    #   activation_norm = F.normalize(activation)
    #   sims = activation_norm @ attractors.T
    #   nearest = sims.argmax()
    # and the grounded representation is the selected attractor (VQ lookup).
    A = attractors.reshape(-1, attractors.shape[-1])  # [N_PRIM*K_PER, DIM]
    zn = z / jnp.maximum(jnp.linalg.norm(z, axis=-1, keepdims=True), EPS)
    sims = jnp.einsum('bhd,kd->bhk', zn, A)  # [B, HW, K]
    idx = jnp.argmax(sims, axis=-1)          # [B, HW]
    quantized = jnp.take(A, idx, axis=0)     # [B, HW, DIM] gather from codebook
    return quantized

if __name__ == "__main__":
    import jax
    _d = setup_inputs()
    print(jax.jit(kernel)(*tuple(_d.values())))

</pallas_src>

<mosaic_0001>
#map = affine_map<(d0, d1) -> (0, 0)>
#map1 = affine_map<(d0, d1) -> (0)>
#map2 = affine_map<(d0, d1) -> (0, 0, 0)>
module attributes {stable_mosaic.version = 14 : i64} {
  func.func @_gather_body(%arg0: i32, %arg1: i32, %arg2: memref<1152x128xf32, #tpu.memory_space<hbm>>, %arg3: memref<16384xi32, #tpu.memory_space<hbm>>, %arg4: memref<16x1024x64xf32, #tpu.memory_space<hbm>>, %arg5: memref<512xi32, #tpu.memory_space<vmem>>, %arg6: memref<2x128x128xf32, #tpu.memory_space<vmem>>, %arg7: memref<128x64xf32, #tpu.memory_space<vmem>>, %arg8: memref<!tpu.dma_semaphore, #tpu.memory_space<semaphore_mem>>, %arg9: memref<!tpu.dma_semaphore, #tpu.memory_space<semaphore_mem>>) attributes {dimension_semantics = [#tpu.dimension_semantics<core_parallel>, #tpu.dimension_semantics<subcore_parallel>], iteration_bounds = array<i64: 2, 16>, scalar_prefetch = 0 : i64, scratch_operands = 5 : i64, tpu.core_type = #tpu.core_type<sc_vector_subcore>, window_params = [{transform_indices = #map}, {transform_indices = #map1}, {transform_indices = #map2}]} {
    %mul3A = arith.constant 2 : i32
    %mul3A_0 = arith.muli %arg1, %mul3A : i32
    %add3A = arith.addi %mul3A_0, %arg0 : i32
    %mul3A_1 = arith.constant 512 : i32
    %mul3A_2 = arith.muli %add3A, %mul3A_1 : i32
    %jit3A = arith.constant 1024 : i32
    %div3A = arith.divsi %mul3A_2, %jit3A : i32
    %sign3A = arith.constant 0 : i32
    %sign3A_3 = arith.cmpi sgt, %mul3A_2, %sign3A : i32
    %sign3A_4 = arith.extui %sign3A_3 : i1 to i32
    %sign3A_5 = arith.constant 0 : i32
    %sign3A_6 = arith.cmpi slt, %mul3A_2, %sign3A_5 : i32
    %sign3A_7 = arith.extui %sign3A_6 : i1 to i32
    %sign3A_8 = arith.subi %sign3A_4, %sign3A_7 : i32
    %sign3A_9 = arith.constant 0 : i32
    %sign3A_10 = arith.cmpi sgt, %jit3A, %sign3A_9 : i32
    %sign3A_11 = arith.extui %sign3A_10 : i1 to i32
    %sign3A_12 = arith.constant 0 : i32
    %sign3A_13 = arith.cmpi slt, %jit3A, %sign3A_12 : i32
    %sign3A_14 = arith.extui %sign3A_13 : i1 to i32
    %sign3A_15 = arith.subi %sign3A_11, %sign3A_14 : i32
    %ne3A = arith.cmpi ne, %sign3A_8, %sign3A_15 : i32
    %rem3A = arith.remsi %mul3A_2, %jit3A : i32
    %ne3A_16 = arith.constant 0 : i32
    %ne3A_17 = arith.cmpi ne, %rem3A, %ne3A_16 : i32
    %and3A = arith.andi %ne3A, %ne3A_17 : i1
    %sub3A = arith.constant 1 : i32
    %sub3A_18 = arith.subi %div3A, %sub3A : i32
    %select_n3A = arith.select %and3A, %sub3A_18, %div3A : i32
    %jit3A_19 = arith.constant 1024 : i32
    %eq3A = arith.constant 0 : i32
    %eq3A_20 = arith.cmpi eq, %jit3A_19, %eq3A : i32
    %jit3A_21 = arith.constant 1 : i32
    %select_n3A_22 = arith.select %eq3A_20, %jit3A_21, %jit3A_19 : i32
    %rem3A_23 = arith.remsi %mul3A_2, %select_n3A_22 : i32
    %ne3A_24 = arith.constant 0 : i32
    %ne3A_25 = arith.cmpi ne, %rem3A_23, %ne3A_24 : i32
    %lt3A = arith.constant 0 : i32
    %lt3A_26 = arith.cmpi slt, %rem3A_23, %lt3A : i32
    %lt3A_27 = arith.constant 0 : i32
    %lt3A_28 = arith.cmpi slt, %select_n3A_22, %lt3A_27 : i32
    %ne3A_29 = arith.xori %lt3A_26, %lt3A_28 : i1
    %and3A_30 = arith.andi %ne3A_29, %ne3A_25 : i1
    %add3A_31 = arith.addi %rem3A_23, %select_n3A_22 : i32
    %select_n3A_32 = arith.select %and3A_30, %add3A_31, %rem3A_23 : i32
    "tpu.region"() ({
      %run_scoped3A = tpu.sem_alloc : memref<!tpu.dma_semaphore, #tpu.memory_space<semaphore_mem>>
      %dma_start3A_142 = tpu.memref_slice %arg3[%mul3A_2] : memref<16384xi32, #tpu.memory_space<hbm>> -> memref<512xi32, #tpu.memory_space<hbm>>
      %dma_start3A_143 = tpu.memref_slice %arg3[%mul3A_2] : memref<16384xi32, #tpu.memory_space<hbm>> -> memref<512xi32, #tpu.memory_space<hbm>>
      tpu.enqueue_dma source(%dma_start3A_143 : memref<512xi32, #tpu.memory_space<hbm>>) target(%arg5 : memref<512xi32, #tpu.memory_space<vmem>>) target_semaphore(%run_scoped3A : memref<!tpu.dma_semaphore, #tpu.memory_space<semaphore_mem>>)
      %dma_wait3A_144 = tpu.memref_slice %arg3[%mul3A_2] : memref<16384xi32, #tpu.memory_space<hbm>> -> memref<512xi32, #tpu.memory_space<hbm>>
      %dma_wait3A_145 = tpu.memref_slice %arg3[%mul3A_2] : memref<16384xi32, #tpu.memory_space<hbm>> -> memref<512xi32, #tpu.memory_space<hbm>>
      tpu.wait_dma2 semaphore(%run_scoped3A : memref<!tpu.dma_semaphore, #tpu.memory_space<semaphore_mem>>) src(%dma_wait3A_145 : memref<512xi32, #tpu.memory_space<hbm>>) dst(%arg5 : memref<512xi32, #tpu.memory_space<vmem>>)
      tpu.yield
    }) : () -> ()
    %dma_start3A = arith.constant 0 : i32
    %dma_start3A_33 = arith.constant 0 : i32
    %dma_start3A_34 = arith.constant 0 : i32
    %dma_start3A_35 = tpu.memref_slice %arg6[%dma_start3A, %dma_start3A_33, %dma_start3A_34] : memref<2x128x128xf32, #tpu.memory_space<vmem>> -> memref<1x128x128xf32, #tpu.memory_space<vmem>>
    %dma_start3A_36 = tpu.memref_squeeze %dma_start3A_35 : memref<1x128x128xf32, #tpu.memory_space<vmem>> -> memref<128x128xf32, #tpu.memory_space<vmem>>
    %dma_start3A_37 = arith.constant 0 : i32
    %dma_start3A_38 = tpu.memref_slice %arg5[%dma_start3A_37] : memref<512xi32, #tpu.memory_space<vmem>> -> memref<128xi32, #tpu.memory_space<vmem>>
    %dma_start3A_39 = arith.constant 0 : i32
    %dma_start3A_40 = arith.constant 0 : i32
    %dma_start3A_41 = tpu.memref_slice %arg2[%dma_start3A_39, %dma_start3A_40] : memref<1152x128xf32, #tpu.memory_space<hbm>> -> memref<1152x128xf32, #tpu.memory_space<hbm>>
    tpu.enqueue_indirect_dma source(%dma_start3A_41 : memref<1152x128xf32, #tpu.memory_space<hbm>>) target(%dma_start3A_36 : memref<128x128xf32, #tpu.memory_space<vmem>>) offsets(%dma_start3A_38 : memref<128xi32, #tpu.memory_space<vmem>>) semaphore(%arg8 : memref<!tpu.dma_semaphore, #tpu.memory_space<semaphore_mem>>)
    %dma_start3A_42 = arith.constant 1 : i32
    %dma_start3A_43 = arith.constant 0 : i32
    %dma_start3A_44 = arith.constant 0 : i32
    %dma_start3A_45 = tpu.memref_slice %arg6[%dma_start3A_42, %dma_start3A_43, %dma_start3A_44] : memref<2x128x128xf32, #tpu.memory_space<vmem>> -> memref<1x128x128xf32, #tpu.memory_space<vmem>>
    %dma_start3A_46 = tpu.memref_squeeze %dma_start3A_45 : memref<1x128x128xf32, #tpu.memory_space<vmem>> -> memref<128x128xf32, #tpu.memory_space<vmem>>
    %dma_start3A_47 = arith.constant 128 : i32
    %dma_start3A_48 = tpu.memref_slice %arg5[%dma_start3A_47] : memref<512xi32, #tpu.memory_space<vmem>> -> memref<128xi32, #tpu.memory_space<vmem>>
    %dma_start3A_49 = arith.constant 0 : i32
    %dma_start3A_50 = arith.constant 0 : i32
    %dma_start3A_51 = tpu.memref_slice %arg2[%dma_start3A_49, %dma_start3A_50] : memref<1152x128xf32, #tpu.memory_space<hbm>> -> memref<1152x128xf32, #tpu.memory_space<hbm>>
    tpu.enqueue_indirect_dma source(%dma_start3A_51 : memref<1152x128xf32, #tpu.memory_space<hbm>>) target(%dma_start3A_46 : memref<128x128xf32, #tpu.memory_space<vmem>>) offsets(%dma_start3A_48 : memref<128xi32, #tpu.memory_space<vmem>>) semaphore(%arg9 : memref<!tpu.dma_semaphore, #tpu.memory_space<semaphore_mem>>)
    %dma_wait3A = arith.constant 0 : i32
    %dma_wait3A_52 = arith.constant 0 : i32
    %dma_wait3A_53 = arith.constant 0 : i32
    %dma_wait3A_54 = tpu.memref_slice %arg6[%dma_wait3A, %dma_wait3A_52, %dma_wait3A_53] : memref<2x128x128xf32, #tpu.memory_space<vmem>> -> memref<1x128x128xf32, #tpu.memory_space<vmem>>
    %dma_wait3A_55 = tpu.memref_squeeze %dma_wait3A_54 : memref<1x128x128xf32, #tpu.memory_space<vmem>> -> memref<128x128xf32, #tpu.memory_space<vmem>>
    %dma_wait3A_56 = arith.constant 0 : i32
    %dma_wait3A_57 = tpu.memref_slice %arg5[%dma_wait3A_56] : memref<512xi32, #tpu.memory_space<vmem>> -> memref<128xi32, #tpu.memory_space<vmem>>
    %dma_wait3A_58 = arith.constant 0 : i32
    %dma_wait3A_59 = arith.constant 0 : i32
    %dma_wait3A_60 = tpu.memref_slice %arg2[%dma_wait3A_58, %dma_wait3A_59] : memref<1152x128xf32, #tpu.memory_space<hbm>> -> memref<1152x128xf32, #tpu.memory_space<hbm>>
    tpu.wait_indirect_dma semaphore(%arg8 : memref<!tpu.dma_semaphore, #tpu.memory_space<semaphore_mem>>) src(%dma_wait3A_60 : memref<1152x128xf32, #tpu.memory_space<hbm>>) dst(%dma_wait3A_55 : memref<128x128xf32, #tpu.memory_space<vmem>>)
    %scan3A = arith.constant 0 : i32
    %scan3A_61 = arith.constant 0 : i32
    %scan3A_62 = arith.constant 128 : i32
    %scan3A_63 = arith.addi %scan3A_61, %scan3A_62 : i32
    %scan3A_64 = arith.constant 1 : i32
    scf.for %scan3A_142 = %scan3A_61 to %scan3A_63 step %scan3A_64  : i32 {
      %get3A = arith.constant 0 : i32
      %get3A_143 = arith.index_cast %get3A : i32 to index
      %get3A_144 = arith.index_cast %scan3A_142 : i32 to index
      %get3A_145 = arith.constant 0 : index
      %get3A_146 = tpu.vector_load %arg6[%get3A_143, %get3A_144, %get3A_145] {strides = array<i32>} : memref<2x128x128xf32, #tpu.memory_space<vmem>>, vector<1x1x16xf32>,
      %get3A_147 = vector.shape_cast %get3A_146 : vector<1x1x16xf32> to vector<16xf32>
      %swap3A = arith.index_cast %scan3A_142 : i32 to index
      %swap3A_148 = arith.constant 0 : index
      %swap3A_149 = tpu.vector_load %arg7[%swap3A, %swap3A_148] {strides = array<i32>} : memref<128x64xf32, #tpu.memory_space<vmem>>, vector<1x16xf32>,
      %swap3A_150 = vector.shape_cast %swap3A_149 : vector<1x16xf32> to vector<16xf32>
      %swap3A_151 = vector.shape_cast %get3A_147 : vector<16xf32> to vector<1x16xf32>
      tpu.vector_store %arg7[%swap3A, %swap3A_148], %swap3A_151 {strides = array<i32>} : memref<128x64xf32, #tpu.memory_space<vmem>>, vector<1x16xf32>,
      %get3A_152 = arith.constant 0 : i32
      %get3A_153 = arith.index_cast %get3A_152 : i32 to index
      %get3A_154 = arith.index_cast %scan3A_142 : i32 to index
      %get3A_155 = arith.constant 16 : index
      %get3A_156 = tpu.vector_load %arg6[%get3A_153, %get3A_154, %get3A_155] {strides = array<i32>} : memref<2x128x128xf32, #tpu.memory_space<vmem>>, vector<1x1x16xf32>,
      %get3A_157 = vector.shape_cast %get3A_156 : vector<1x1x16xf32> to vector<16xf32>
      %swap3A_158 = arith.index_cast %scan3A_142 : i32 to index
      %swap3A_159 = arith.constant 16 : index
      %swap3A_160 = tpu.vector_load %arg7[%swap3A_158, %swap3A_159] {strides = array<i32>} : memref<128x64xf32, #tpu.memory_space<vmem>>, vector<1x16xf32>,
      %swap3A_161 = vector.shape_cast %swap3A_160 : vector<1x16xf32> to vector<16xf32>
      %swap3A_162 = vector.shape_cast %get3A_157 : vector<16xf32> to vector<1x16xf32>
      tpu.vector_store %arg7[%swap3A_158, %swap3A_159], %swap3A_162 {strides = array<i32>} : memref<128x64xf32, #tpu.memory_space<vmem>>, vector<1x16xf32>,
      %get3A_163 = arith.constant 0 : i32
      %get3A_164 = arith.index_cast %get3A_163 : i32 to index
      %get3A_165 = arith.index_cast %scan3A_142 : i32 to index
      %get3A_166 = arith.constant 32 : index
      %get3A_167 = tpu.vector_load %arg6[%get3A_164, %get3A_165, %get3A_166] {strides = array<i32>} : memref<2x128x128xf32, #tpu.memory_space<vmem>>, vector<1x1x16xf32>,
      %get3A_168 = vector.shape_cast %get3A_167 : vector<1x1x16xf32> to vector<16xf32>
      %swap3A_169 = arith.index_cast %scan3A_142 : i32 to index
      %swap3A_170 = arith.constant 32 : index
      %swap3A_171 = tpu.vector_load %arg7[%swap3A_169, %swap3A_170] {strides = array<i32>} : memref<128x64xf32, #tpu.memory_space<vmem>>, vector<1x16xf32>,
      %swap3A_172 = vector.shape_cast %swap3A_171 : vector<1x16xf32> to vector<16xf32>
      %swap3A_173 = vector.shape_cast %get3A_168 : vector<16xf32> to vector<1x16xf32>
      tpu.vector_store %arg7[%swap3A_169, %swap3A_170], %swap3A_173 {strides = array<i32>} : memref<128x64xf32, #tpu.memory_space<vmem>>, vector<1x16xf32>,
      %get3A_174 = arith.constant 0 : i32
      %get3A_175 = arith.index_cast %get3A_174 : i32 to index
      %get3A_176 = arith.index_cast %scan3A_142 : i32 to index
      %get3A_177 = arith.constant 48 : index
      %get3A_178 = tpu.vector_load %arg6[%get3A_175, %get3A_176, %get3A_177] {strides = array<i32>} : memref<2x128x128xf32, #tpu.memory_space<vmem>>, vector<1x1x16xf32>,
      %get3A_179 = vector.shape_cast %get3A_178 : vector<1x1x16xf32> to vector<16xf32>
      %swap3A_180 = arith.index_cast %scan3A_142 : i32 to index
      %swap3A_181 = arith.constant 48 : index
      %swap3A_182 = tpu.vector_load %arg7[%swap3A_180, %swap3A_181] {strides = array<i32>} : memref<128x64xf32, #tpu.memory_space<vmem>>, vector<1x16xf32>,
      %swap3A_183 = vector.shape_cast %swap3A_182 : vector<1x16xf32> to vector<16xf32>
      %swap3A_184 = vector.shape_cast %get3A_179 : vector<16xf32> to vector<1x16xf32>
      tpu.vector_store %arg7[%swap3A_180, %swap3A_181], %swap3A_184 {strides = array<i32>} : memref<128x64xf32, #tpu.memory_space<vmem>>, vector<1x16xf32>,
    }
    %scan3A_65 = arith.constant 128 : i32
    %add3A_66 = arith.constant 0 : i32
    %add3A_67 = arith.addi %select_n3A_32, %add3A_66 : i32
    "tpu.region"() ({
      %run_scoped3A = tpu.sem_alloc : memref<!tpu.dma_semaphore, #tpu.memory_space<semaphore_mem>>
      %dma_start3A_142 = arith.constant 0 : i32
      %dma_start3A_143 = tpu.memref_slice %arg4[%select_n3A, %add3A_67, %dma_start3A_142] : memref<16x1024x64xf32, #tpu.memory_space<hbm>> -> memref<1x128x64xf32, #tpu.memory_space<hbm>>
      %dma_start3A_144 = tpu.memref_squeeze %dma_start3A_143 : memref<1x128x64xf32, #tpu.memory_space<hbm>> -> memref<128x64xf32, #tpu.memory_space<hbm>>
      %dma_start3A_145 = arith.constant 0 : i32
      %dma_start3A_146 = tpu.memref_slice %arg4[%select_n3A, %add3A_67, %dma_start3A_145] : memref<16x1024x64xf32, #tpu.memory_space<hbm>> -> memref<1x128x64xf32, #tpu.memory_space<hbm>>
      %dma_start3A_147 = tpu.memref_squeeze %dma_start3A_146 : memref<1x128x64xf32, #tpu.memory_space<hbm>> -> memref<128x64xf32, #tpu.memory_space<hbm>>
      tpu.enqueue_dma source(%arg7 : memref<128x64xf32, #tpu.memory_space<vmem>>) target(%dma_start3A_147 : memref<128x64xf32, #tpu.memory_space<hbm>>) target_semaphore(%run_scoped3A : memref<!tpu.dma_semaphore, #tpu.memory_space<semaphore_mem>>)
      %dma_wait3A_148 = arith.constant 0 : i32
      %dma_wait3A_149 = tpu.memref_slice %arg4[%select_n3A, %add3A_67, %dma_wait3A_148] : memref<16x1024x64xf32, #tpu.memory_space<hbm>> -> memref<1x128x64xf32, #tpu.memory_space<hbm>>
      %dma_wait3A_150 = tpu.memref_squeeze %dma_wait3A_149 : memref<1x128x64xf32, #tpu.memory_space<hbm>> -> memref<128x64xf32, #tpu.memory_space<hbm>>
      %dma_wait3A_151 = arith.constant 0 : i32
      %dma_wait3A_152 = tpu.memref_slice %arg4[%select_n3A, %add3A_67, %dma_wait3A_151] : memref<16x1024x64xf32, #tpu.memory_space<hbm>> -> memref<1x128x64xf32, #tpu.memory_space<hbm>>
      %dma_wait3A_153 = tpu.memref_squeeze %dma_wait3A_152 : memref<1x128x64xf32, #tpu.memory_space<hbm>> -> memref<128x64xf32, #tpu.memory_space<hbm>>
      tpu.wait_dma2 semaphore(%run_scoped3A : memref<!tpu.dma_semaphore, #tpu.memory_space<semaphore_mem>>) src(%arg7 : memref<128x64xf32, #tpu.memory_space<vmem>>) dst(%dma_wait3A_153 : memref<128x64xf32, #tpu.memory_space<hbm>>)
      tpu.yield
    }) : () -> ()
    %dma_start3A_68 = arith.constant 0 : i32
    %dma_start3A_69 = arith.constant 0 : i32
    %dma_start3A_70 = arith.constant 0 : i32
    %dma_start3A_71 = tpu.memref_slice %arg6[%dma_start3A_68, %dma_start3A_69, %dma_start3A_70] : memref<2x128x128xf32, #tpu.memory_space<vmem>> -> memref<1x128x128xf32, #tpu.memory_space<vmem>>
    %dma_start3A_72 = tpu.memref_squeeze %dma_start3A_71 : memref<1x128x128xf32, #tpu.memory_space<vmem>> -> memref<128x128xf32, #tpu.memory_space<vmem>>
    %dma_start3A_73 = arith.constant 256 : i32
    %dma_start3A_74 = tpu.memref_slice %arg5[%dma_start3A_73] : memref<512xi32, #tpu.memory_space<vmem>> -> memref<128xi32, #tpu.memory_space<vmem>>
    %dma_start3A_75 = arith.constant 0 : i32
    %dma_start3A_76 = arith.constant 0 : i32
    %dma_start3A_77 = tpu.memref_slice %arg2[%dma_start3A_75, %dma_start3A_76] : memref<1152x128xf32, #tpu.memory_space<hbm>> -> memref<1152x128xf32, #tpu.memory_space<hbm>>
    tpu.enqueue_indirect_dma source(%dma_start3A_77 : memref<1152x128xf32, #tpu.memory_space<hbm>>) target(%dma_start3A_72 : memref<128x128xf32, #tpu.memory_space<vmem>>) offsets(%dma_start3A_74 : memref<128xi32, #tpu.memory_space<vmem>>) semaphore(%arg8 : memref<!tpu.dma_semaphore, #tpu.memory_space<semaphore_mem>>)
    %dma_wait3A_78 = arith.constant 1 : i32
    %dma_wait3A_79 = arith.constant 0 : i32
    %dma_wait3A_80 = arith.constant 0 : i32
    %dma_wait3A_81 = tpu.memref_slice %arg6[%dma_wait3A_78, %dma_wait3A_79, %dma_wait3A_80] : memref<2x128x128xf32, #tpu.memory_space<vmem>> -> memref<1x128x128xf32, #tpu.memory_space<vmem>>
    %dma_wait3A_82 = tpu.memref_squeeze %dma_wait3A_81 : memref<1x128x128xf32, #tpu.memory_space<vmem>> -> memref<128x128xf32, #tpu.memory_space<vmem>>
    %dma_wait3A_83 = arith.constant 128 : i32
    %dma_wait3A_84 = tpu.memref_slice %arg5[%dma_wait3A_83] : memref<512xi32, #tpu.memory_space<vmem>> -> memref<128xi32, #tpu.memory_space<vmem>>
    %dma_wait3A_85 = arith.constant 0 : i32
    %dma_wait3A_86 = arith.constant 0 : i32
    %dma_wait3A_87 = tpu.memref_slice %arg2[%dma_wait3A_85, %dma_wait3A_86] : memref<1152x128xf32, #tpu.memory_space<hbm>> -> memref<1152x128xf32, #tpu.memory_space<hbm>>
    tpu.wait_indirect_dma semaphore(%arg9 : memref<!tpu.dma_semaphore, #tpu.memory_space<semaphore_mem>>) src(%dma_wait3A_87 : memref<1152x128xf32, #tpu.memory_space<hbm>>) dst(%dma_wait3A_82 : memref<128x128xf32, #tpu.memory_space<vmem>>)
    %scan3A_88 = arith.constant 0 : i32
    %scan3A_89 = arith.constant 0 : i32
    %scan3A_90 = arith.constant 128 : i32
    %scan3A_91 = arith.addi %scan3A_89, %scan3A_90 : i32
    %scan3A_92 = arith.constant 1 : i32
    scf.for %scan3A_142 = %scan3A_89 to %scan3A_91 step %scan3A_92  : i32 {
      %get3A = arith.constant 1 : i32
      %get3A_143 = arith.index_cast %get3A : i32 to index
      %get3A_144 = arith.index_cast %scan3A_142 : i32 to index
      %get3A_145 = arith.constant 0 : index
      %get3A_146 = tpu.vector_load %arg6[%get3A_143, %get3A_144, %get3A_145] {strides = array<i32>} : memref<2x128x128xf32, #tpu.memory_space<vmem>>, vector<1x1x16xf32>,
      %get3A_147 = vector.shape_cast %get3A_146 : vector<1x1x16xf32> to vector<16xf32>
      %swap3A = arith.index_cast %scan3A_142 : i32 to index
      %swap3A_148 = arith.constant 0 : index
      %swap3A_149 = tpu.vector_load %arg7[%swap3A, %swap3A_148] {strides = array<i32>} : memref<128x64xf32, #tpu.memory_space<vmem>>, vector<1x16xf32>,
      %swap3A_150 = vector.shape_cast %swap3A_149 : vector<1x16xf32> to vector<16xf32>
      %swap3A_151 = vector.shape_cast %get3A_147 : vector<16xf32> to vector<1x16xf32>
      tpu.vector_store %arg7[%swap3A, %swap3A_148], %swap3A_151 {strides = array<i32>} : memref<128x64xf32, #tpu.memory_space<vmem>>, vector<1x16xf32>,
      %get3A_152 = arith.constant 1 : i32
      %get3A_153 = arith.index_cast %get3A_152 : i32 to index
      %get3A_154 = arith.index_cast %scan3A_142 : i32 to index
      %get3A_155 = arith.constant 16 : index
      %get3A_156 = tpu.vector_load %arg6[%get3A_153, %get3A_154, %get3A_155] {strides = array<i32>} : memref<2x128x128xf32, #tpu.memory_space<vmem>>, vector<1x1x16xf32>,
      %get3A_157 = vector.shape_cast %get3A_156 : vector<1x1x16xf32> to vector<16xf32>
      %swap3A_158 = arith.index_cast %scan3A_142 : i32 to index
      %swap3A_159 = arith.constant 16 : index
      %swap3A_160 = tpu.vector_load %arg7[%swap3A_158, %swap3A_159] {strides = array<i32>} : memref<128x64xf32, #tpu.memory_space<vmem>>, vector<1x16xf32>,
      %swap3A_161 = vector.shape_cast %swap3A_160 : vector<1x16xf32> to vector<16xf32>
      %swap3A_162 = vector.shape_cast %get3A_157 : vector<16xf32> to vector<1x16xf32>
      tpu.vector_store %arg7[%swap3A_158, %swap3A_159], %swap3A_162 {strides = array<i32>} : memref<128x64xf32, #tpu.memory_space<vmem>>, vector<1x16xf32>,
      %get3A_163 = arith.constant 1 : i32
      %get3A_164 = arith.index_cast %get3A_163 : i32 to index
      %get3A_165 = arith.index_cast %scan3A_142 : i32 to index
      %get3A_166 = arith.constant 32 : index
      %get3A_167 = tpu.vector_load %arg6[%get3A_164, %get3A_165, %get3A_166] {strides = array<i32>} : memref<2x128x128xf32, #tpu.memory_space<vmem>>, vector<1x1x16xf32>,
      %get3A_168 = vector.shape_cast %get3A_167 : vector<1x1x16xf32> to vector<16xf32>
      %swap3A_169 = arith.index_cast %scan3A_142 : i32 to index
      %swap3A_170 = arith.constant 32 : index
      %swap3A_171 = tpu.vector_load %arg7[%swap3A_169, %swap3A_170] {strides = array<i32>} : memref<128x64xf32, #tpu.memory_space<vmem>>, vector<1x16xf32>,
      %swap3A_172 = vector.shape_cast %swap3A_171 : vector<1x16xf32> to vector<16xf32>
      %swap3A_173 = vector.shape_cast %get3A_168 : vector<16xf32> to vector<1x16xf32>
      tpu.vector_store %arg7[%swap3A_169, %swap3A_170], %swap3A_173 {strides = array<i32>} : memref<128x64xf32, #tpu.memory_space<vmem>>, vector<1x16xf32>,
      %get3A_174 = arith.constant 1 : i32
      %get3A_175 = arith.index_cast %get3A_174 : i32 to index
      %get3A_176 = arith.index_cast %scan3A_142 : i32 to index
      %get3A_177 = arith.constant 48 : index
      %get3A_178 = tpu.vector_load %arg6[%get3A_175, %get3A_176, %get3A_177] {strides = array<i32>} : memref<2x128x128xf32, #tpu.memory_space<vmem>>, vector<1x1x16xf32>,
      %get3A_179 = vector.shape_cast %get3A_178 : vector<1x1x16xf32> to vector<16xf32>
      %swap3A_180 = arith.index_cast %scan3A_142 : i32 to index
      %swap3A_181 = arith.constant 48 : index
      %swap3A_182 = tpu.vector_load %arg7[%swap3A_180, %swap3A_181] {strides = array<i32>} : memref<128x64xf32, #tpu.memory_space<vmem>>, vector<1x16xf32>,
      %swap3A_183 = vector.shape_cast %swap3A_182 : vector<1x16xf32> to vector<16xf32>
      %swap3A_184 = vector.shape_cast %get3A_179 : vector<16xf32> to vector<1x16xf32>
      tpu.vector_store %arg7[%swap3A_180, %swap3A_181], %swap3A_184 {strides = array<i32>} : memref<128x64xf32, #tpu.memory_space<vmem>>, vector<1x16xf32>,
    }
    %scan3A_93 = arith.constant 128 : i32
    %add3A_94 = arith.constant 128 : i32
    %add3A_95 = arith.addi %select_n3A_32, %add3A_94 : i32
    "tpu.region"() ({
      %run_scoped3A = tpu.sem_alloc : memref<!tpu.dma_semaphore, #tpu.memory_space<semaphore_mem>>
      %dma_start3A_142 = arith.constant 0 : i32
      %dma_start3A_143 = tpu.memref_slice %arg4[%select_n3A, %add3A_95, %dma_start3A_142] : memref<16x1024x64xf32, #tpu.memory_space<hbm>> -> memref<1x128x64xf32, #tpu.memory_space<hbm>>
      %dma_start3A_144 = tpu.memref_squeeze %dma_start3A_143 : memref<1x128x64xf32, #tpu.memory_space<hbm>> -> memref<128x64xf32, #tpu.memory_space<hbm>>
      %dma_start3A_145 = arith.constant 0 : i32
      %dma_start3A_146 = tpu.memref_slice %arg4[%select_n3A, %add3A_95, %dma_start3A_145] : memref<16x1024x64xf32, #tpu.memory_space<hbm>> -> memref<1x128x64xf32, #tpu.memory_space<hbm>>
      %dma_start3A_147 = tpu.memref_squeeze %dma_start3A_146 : memref<1x128x64xf32, #tpu.memory_space<hbm>> -> memref<128x64xf32, #tpu.memory_space<hbm>>
      tpu.enqueue_dma source(%arg7 : memref<128x64xf32, #tpu.memory_space<vmem>>) target(%dma_start3A_147 : memref<128x64xf32, #tpu.memory_space<hbm>>) target_semaphore(%run_scoped3A : memref<!tpu.dma_semaphore, #tpu.memory_space<semaphore_mem>>)
      %dma_wait3A_148 = arith.constant 0 : i32
      %dma_wait3A_149 = tpu.memref_slice %arg4[%select_n3A, %add3A_95, %dma_wait3A_148] : memref<16x1024x64xf32, #tpu.memory_space<hbm>> -> memref<1x128x64xf32, #tpu.memory_space<hbm>>
      %dma_wait3A_150 = tpu.memref_squeeze %dma_wait3A_149 : memref<1x128x64xf32, #tpu.memory_space<hbm>> -> memref<128x64xf32, #tpu.memory_space<hbm>>
      %dma_wait3A_151 = arith.constant 0 : i32
      %dma_wait3A_152 = tpu.memref_slice %arg4[%select_n3A, %add3A_95, %dma_wait3A_151] : memref<16x1024x64xf32, #tpu.memory_space<hbm>> -> memref<1x128x64xf32, #tpu.memory_space<hbm>>
      %dma_wait3A_153 = tpu.memref_squeeze %dma_wait3A_152 : memref<1x128x64xf32, #tpu.memory_space<hbm>> -> memref<128x64xf32, #tpu.memory_space<hbm>>
      tpu.wait_dma2 semaphore(%run_scoped3A : memref<!tpu.dma_semaphore, #tpu.memory_space<semaphore_mem>>) src(%arg7 : memref<128x64xf32, #tpu.memory_space<vmem>>) dst(%dma_wait3A_153 : memref<128x64xf32, #tpu.memory_space<hbm>>)
      tpu.yield
    }) : () -> ()
    %dma_start3A_96 = arith.constant 1 : i32
    %dma_start3A_97 = arith.constant 0 : i32
    %dma_start3A_98 = arith.constant 0 : i32
    %dma_start3A_99 = tpu.memref_slice %arg6[%dma_start3A_96, %dma_start3A_97, %dma_start3A_98] : memref<2x128x128xf32, #tpu.memory_space<vmem>> -> memref<1x128x128xf32, #tpu.memory_space<vmem>>
    %dma_start3A_100 = tpu.memref_squeeze %dma_start3A_99 : memref<1x128x128xf32, #tpu.memory_space<vmem>> -> memref<128x128xf32, #tpu.memory_space<vmem>>
    %dma_start3A_101 = arith.constant 384 : i32
    %dma_start3A_102 = tpu.memref_slice %arg5[%dma_start3A_101] : memref<512xi32, #tpu.memory_space<vmem>> -> memref<128xi32, #tpu.memory_space<vmem>>
    %dma_start3A_103 = arith.constant 0 : i32
    %dma_start3A_104 = arith.constant 0 : i32
    %dma_start3A_105 = tpu.memref_slice %arg2[%dma_start3A_103, %dma_start3A_104] : memref<1152x128xf32, #tpu.memory_space<hbm>> -> memref<1152x128xf32, #tpu.memory_space<hbm>>
    tpu.enqueue_indirect_dma source(%dma_start3A_105 : memref<1152x128xf32, #tpu.memory_space<hbm>>) target(%dma_start3A_100 : memref<128x128xf32, #tpu.memory_space<vmem>>) offsets(%dma_start3A_102 : memref<128xi32, #tpu.memory_space<vmem>>) semaphore(%arg9 : memref<!tpu.dma_semaphore, #tpu.memory_space<semaphore_mem>>)
    %dma_wait3A_106 = arith.constant 0 : i32
    %dma_wait3A_107 = arith.constant 0 : i32
    %dma_wait3A_108 = arith.constant 0 : i32
    %dma_wait3A_109 = tpu.memref_slice %arg6[%dma_wait3A_106, %dma_wait3A_107, %dma_wait3A_108] : memref<2x128x128xf32, #tpu.memory_space<vmem>> -> memref<1x128x128xf32, #tpu.memory_space<vmem>>
    %dma_wait3A_110 = tpu.memref_squeeze %dma_wait3A_109 : memref<1x128x128xf32, #tpu.memory_space<vmem>> -> memref<128x128xf32, #tpu.memory_space<vmem>>
    %dma_wait3A_111 = arith.constant 256 : i32
    %dma_wait3A_112 = tpu.memref_slice %arg5[%dma_wait3A_111] : memref<512xi32, #tpu.memory_space<vmem>> -> memref<128xi32, #tpu.memory_space<vmem>>
    %dma_wait3A_113 = arith.constant 0 : i32
    %dma_wait3A_114 = arith.constant 0 : i32
    %dma_wait3A_115 = tpu.memref_slice %arg2[%dma_wait3A_113, %dma_wait3A_114] : memref<1152x128xf32, #tpu.memory_space<hbm>> -> memref<1152x128xf32, #tpu.memory_space<hbm>>
    tpu.wait_indirect_dma semaphore(%arg8 : memref<!tpu.dma_semaphore, #tpu.memory_space<semaphore_mem>>) src(%dma_wait3A_115 : memref<1152x128xf32, #tpu.memory_space<hbm>>) dst(%dma_wait3A_110 : memref<128x128xf32, #tpu.memory_space<vmem>>)
    %scan3A_116 = arith.constant 0 : i32
    %scan3A_117 = arith.constant 0 : i32
    %scan3A_118 = arith.constant 128 : i32
    %scan3A_119 = arith.addi %scan3A_117, %scan3A_118 : i32
    %scan3A_120 = arith.constant 1 : i32
    scf.for %scan3A_142 = %scan3A_117 to %scan3A_119 step %scan3A_120  : i32 {
      %get3A = arith.constant 0 : i32
      %get3A_143 = arith.index_cast %get3A : i32 to index
      %get3A_144 = arith.index_cast %scan3A_142 : i32 to index
      %get3A_145 = arith.constant 0 : index
      %get3A_146 = tpu.vector_load %arg6[%get3A_143, %get3A_144, %get3A_145] {strides = array<i32>} : memref<2x128x128xf32, #tpu.memory_space<vmem>>, vector<1x1x16xf32>,
      %get3A_147 = vector.shape_cast %get3A_146 : vector<1x1x16xf32> to vector<16xf32>
      %swap3A = arith.index_cast %scan3A_142 : i32 to index
      %swap3A_148 = arith.constant 0 : index
      %swap3A_149 = tpu.vector_load %arg7[%swap3A, %swap3A_148] {strides = array<i32>} : memref<128x64xf32, #tpu.memory_space<vmem>>, vector<1x16xf32>,
      %swap3A_150 = vector.shape_cast %swap3A_149 : vector<1x16xf32> to vector<16xf32>
      %swap3A_151 = vector.shape_cast %get3A_147 : vector<16xf32> to vector<1x16xf32>
      tpu.vector_store %arg7[%swap3A, %swap3A_148], %swap3A_151 {strides = array<i32>} : memref<128x64xf32, #tpu.memory_space<vmem>>, vector<1x16xf32>,
      %get3A_152 = arith.constant 0 : i32
      %get3A_153 = arith.index_cast %get3A_152 : i32 to index
      %get3A_154 = arith.index_cast %scan3A_142 : i32 to index
      %get3A_155 = arith.constant 16 : index
      %get3A_156 = tpu.vector_load %arg6[%get3A_153, %get3A_154, %get3A_155] {strides = array<i32>} : memref<2x128x128xf32, #tpu.memory_space<vmem>>, vector<1x1x16xf32>,
      %get3A_157 = vector.shape_cast %get3A_156 : vector<1x1x16xf32> to vector<16xf32>
      %swap3A_158 = arith.index_cast %scan3A_142 : i32 to index
      %swap3A_159 = arith.constant 16 : index
      %swap3A_160 = tpu.vector_load %arg7[%swap3A_158, %swap3A_159] {strides = array<i32>} : memref<128x64xf32, #tpu.memory_space<vmem>>, vector<1x16xf32>,
      %swap3A_161 = vector.shape_cast %swap3A_160 : vector<1x16xf32> to vector<16xf32>
      %swap3A_162 = vector.shape_cast %get3A_157 : vector<16xf32> to vector<1x16xf32>
      tpu.vector_store %arg7[%swap3A_158, %swap3A_159], %swap3A_162 {strides = array<i32>} : memref<128x64xf32, #tpu.memory_space<vmem>>, vector<1x16xf32>,
      %get3A_163 = arith.constant 0 : i32
      %get3A_164 = arith.index_cast %get3A_163 : i32 to index
      %get3A_165 = arith.index_cast %scan3A_142 : i32 to index
      %get3A_166 = arith.constant 32 : index
      %get3A_167 = tpu.vector_load %arg6[%get3A_164, %get3A_165, %get3A_166] {strides = array<i32>} : memref<2x128x128xf32, #tpu.memory_space<vmem>>, vector<1x1x16xf32>,
      %get3A_168 = vector.shape_cast %get3A_167 : vector<1x1x16xf32> to vector<16xf32>
      %swap3A_169 = arith.index_cast %scan3A_142 : i32 to index
      %swap3A_170 = arith.constant 32 : index
      %swap3A_171 = tpu.vector_load %arg7[%swap3A_169, %swap3A_170] {strides = array<i32>} : memref<128x64xf32, #tpu.memory_space<vmem>>, vector<1x16xf32>,
      %swap3A_172 = vector.shape_cast %swap3A_171 : vector<1x16xf32> to vector<16xf32>
      %swap3A_173 = vector.shape_cast %get3A_168 : vector<16xf32> to vector<1x16xf32>
      tpu.vector_store %arg7[%swap3A_169, %swap3A_170], %swap3A_173 {strides = array<i32>} : memref<128x64xf32, #tpu.memory_space<vmem>>, vector<1x16xf32>,
      %get3A_174 = arith.constant 0 : i32
      %get3A_175 = arith.index_cast %get3A_174 : i32 to index
      %get3A_176 = arith.index_cast %scan3A_142 : i32 to index
      %get3A_177 = arith.constant 48 : index
      %get3A_178 = tpu.vector_load %arg6[%get3A_175, %get3A_176, %get3A_177] {strides = array<i32>} : memref<2x128x128xf32, #tpu.memory_space<vmem>>, vector<1x1x16xf32>,
      %get3A_179 = vector.shape_cast %get3A_178 : vector<1x1x16xf32> to vector<16xf32>
      %swap3A_180 = arith.index_cast %scan3A_142 : i32 to index
      %swap3A_181 = arith.constant 48 : index
      %swap3A_182 = tpu.vector_load %arg7[%swap3A_180, %swap3A_181] {strides = array<i32>} : memref<128x64xf32, #tpu.memory_space<vmem>>, vector<1x16xf32>,
      %swap3A_183 = vector.shape_cast %swap3A_182 : vector<1x16xf32> to vector<16xf32>
      %swap3A_184 = vector.shape_cast %get3A_179 : vector<16xf32> to vector<1x16xf32>
      tpu.vector_store %arg7[%swap3A_180, %swap3A_181], %swap3A_184 {strides = array<i32>} : memref<128x64xf32, #tpu.memory_space<vmem>>, vector<1x16xf32>,
    }
    %scan3A_121 = arith.constant 128 : i32
    %add3A_122 = arith.constant 256 : i32
    %add3A_123 = arith.addi %select_n3A_32, %add3A_122 : i32
    "tpu.region"() ({
      %run_scoped3A = tpu.sem_alloc : memref<!tpu.dma_semaphore, #tpu.memory_space<semaphore_mem>>
      %dma_start3A_142 = arith.constant 0 : i32
      %dma_start3A_143 = tpu.memref_slice %arg4[%select_n3A, %add3A_123, %dma_start3A_142] : memref<16x1024x64xf32, #tpu.memory_space<hbm>> -> memref<1x128x64xf32, #tpu.memory_space<hbm>>
      %dma_start3A_144 = tpu.memref_squeeze %dma_start3A_143 : memref<1x128x64xf32, #tpu.memory_space<hbm>> -> memref<128x64xf32, #tpu.memory_space<hbm>>
      %dma_start3A_145 = arith.constant 0 : i32
      %dma_start3A_146 = tpu.memref_slice %arg4[%select_n3A, %add3A_123, %dma_start3A_145] : memref<16x1024x64xf32, #tpu.memory_space<hbm>> -> memref<1x128x64xf32, #tpu.memory_space<hbm>>
      %dma_start3A_147 = tpu.memref_squeeze %dma_start3A_146 : memref<1x128x64xf32, #tpu.memory_space<hbm>> -> memref<128x64xf32, #tpu.memory_space<hbm>>
      tpu.enqueue_dma source(%arg7 : memref<128x64xf32, #tpu.memory_space<vmem>>) target(%dma_start3A_147 : memref<128x64xf32, #tpu.memory_space<hbm>>) target_semaphore(%run_scoped3A : memref<!tpu.dma_semaphore, #tpu.memory_space<semaphore_mem>>)
      %dma_wait3A_148 = arith.constant 0 : i32
      %dma_wait3A_149 = tpu.memref_slice %arg4[%select_n3A, %add3A_123, %dma_wait3A_148] : memref<16x1024x64xf32, #tpu.memory_space<hbm>> -> memref<1x128x64xf32, #tpu.memory_space<hbm>>
      %dma_wait3A_150 = tpu.memref_squeeze %dma_wait3A_149 : memref<1x128x64xf32, #tpu.memory_space<hbm>> -> memref<128x64xf32, #tpu.memory_space<hbm>>
      %dma_wait3A_151 = arith.constant 0 : i32
      %dma_wait3A_152 = tpu.memref_slice %arg4[%select_n3A, %add3A_123, %dma_wait3A_151] : memref<16x1024x64xf32, #tpu.memory_space<hbm>> -> memref<1x128x64xf32, #tpu.memory_space<hbm>>
      %dma_wait3A_153 = tpu.memref_squeeze %dma_wait3A_152 : memref<1x128x64xf32, #tpu.memory_space<hbm>> -> memref<128x64xf32, #tpu.memory_space<hbm>>
      tpu.wait_dma2 semaphore(%run_scoped3A : memref<!tpu.dma_semaphore, #tpu.memory_space<semaphore_mem>>) src(%arg7 : memref<128x64xf32, #tpu.memory_space<vmem>>) dst(%dma_wait3A_153 : memref<128x64xf32, #tpu.memory_space<hbm>>)
      tpu.yield
    }) : () -> ()
    %dma_wait3A_124 = arith.constant 1 : i32
    %dma_wait3A_125 = arith.constant 0 : i32
    %dma_wait3A_126 = arith.constant 0 : i32
    %dma_wait3A_127 = tpu.memref_slice %arg6[%dma_wait3A_124, %dma_wait3A_125, %dma_wait3A_126] : memref<2x128x128xf32, #tpu.memory_space<vmem>> -> memref<1x128x128xf32, #tpu.memory_space<vmem>>
    %dma_wait3A_128 = tpu.memref_squeeze %dma_wait3A_127 : memref<1x128x128xf32, #tpu.memory_space<vmem>> -> memref<128x128xf32, #tpu.memory_space<vmem>>
    %dma_wait3A_129 = arith.constant 384 : i32
    %dma_wait3A_130 = tpu.memref_slice %arg5[%dma_wait3A_129] : memref<512xi32, #tpu.memory_space<vmem>> -> memref<128xi32, #tpu.memory_space<vmem>>
    %dma_wait3A_131 = arith.constant 0 : i32
    %dma_wait3A_132 = arith.constant 0 : i32
    %dma_wait3A_133 = tpu.memref_slice %arg2[%dma_wait3A_131, %dma_wait3A_132] : memref<1152x128xf32, #tpu.memory_space<hbm>> -> memref<1152x128xf32, #tpu.memory_space<hbm>>
    tpu.wait_indirect_dma semaphore(%arg9 : memref<!tpu.dma_semaphore, #tpu.memory_space<semaphore_mem>>) src(%dma_wait3A_133 : memref<1152x128xf32, #tpu.memory_space<hbm>>) dst(%dma_wait3A_128 : memref<128x128xf32, #tpu.memory_space<vmem>>)
    %scan3A_134 = arith.constant 0 : i32
    %scan3A_135 = arith.constant 0 : i32
    %scan3A_136 = arith.constant 128 : i32
    %scan3A_137 = arith.addi %scan3A_135, %scan3A_136 : i32
    %scan3A_138 = arith.constant 1 : i32
    scf.for %scan3A_142 = %scan3A_135 to %scan3A_137 step %scan3A_138  : i32 {
      %get3A = arith.constant 1 : i32
      %get3A_143 = arith.index_cast %get3A : i32 to index
      %get3A_144 = arith.index_cast %scan3A_142 : i32 to index
      %get3A_145 = arith.constant 0 : index
      %get3A_146 = tpu.vector_load %arg6[%get3A_143, %get3A_144, %get3A_145] {strides = array<i32>} : memref<2x128x128xf32, #tpu.memory_space<vmem>>, vector<1x1x16xf32>,
      %get3A_147 = vector.shape_cast %get3A_146 : vector<1x1x16xf32> to vector<16xf32>
      %swap3A = arith.index_cast %scan3A_142 : i32 to index
      %swap3A_148 = arith.constant 0 : index
      %swap3A_149 = tpu.vector_load %arg7[%swap3A, %swap3A_148] {strides = array<i32>} : memref<128x64xf32, #tpu.memory_space<vmem>>, vector<1x16xf32>,
      %swap3A_150 = vector.shape_cast %swap3A_149 : vector<1x16xf32> to vector<16xf32>
      %swap3A_151 = vector.shape_cast %get3A_147 : vector<16xf32> to vector<1x16xf32>
      tpu.vector_store %arg7[%swap3A, %swap3A_148], %swap3A_151 {strides = array<i32>} : memref<128x64xf32, #tpu.memory_space<vmem>>, vector<1x16xf32>,
      %get3A_152 = arith.constant 1 : i32
      %get3A_153 = arith.index_cast %get3A_152 : i32 to index
      %get3A_154 = arith.index_cast %scan3A_142 : i32 to index
      %get3A_155 = arith.constant 16 : index
      %get3A_156 = tpu.vector_load %arg6[%get3A_153, %get3A_154, %get3A_155] {strides = array<i32>} : memref<2x128x128xf32, #tpu.memory_space<vmem>>, vector<1x1x16xf32>,
      %get3A_157 = vector.shape_cast %get3A_156 : vector<1x1x16xf32> to vector<16xf32>
      %swap3A_158 = arith.index_cast %scan3A_142 : i32 to index
      %swap3A_159 = arith.constant 16 : index
      %swap3A_160 = tpu.vector_load %arg7[%swap3A_158, %swap3A_159] {strides = array<i32>} : memref<128x64xf32, #tpu.memory_space<vmem>>, vector<1x16xf32>,
      %swap3A_161 = vector.shape_cast %swap3A_160 : vector<1x16xf32> to vector<16xf32>
      %swap3A_162 = vector.shape_cast %get3A_157 : vector<16xf32> to vector<1x16xf32>
      tpu.vector_store %arg7[%swap3A_158, %swap3A_159], %swap3A_162 {strides = array<i32>} : memref<128x64xf32, #tpu.memory_space<vmem>>, vector<1x16xf32>,
      %get3A_163 = arith.constant 1 : i32
      %get3A_164 = arith.index_cast %get3A_163 : i32 to index
      %get3A_165 = arith.index_cast %scan3A_142 : i32 to index
      %get3A_166 = arith.constant 32 : index
      %get3A_167 = tpu.vector_load %arg6[%get3A_164, %get3A_165, %get3A_166] {strides = array<i32>} : memref<2x128x128xf32, #tpu.memory_space<vmem>>, vector<1x1x16xf32>,
      %get3A_168 = vector.shape_cast %get3A_167 : vector<1x1x16xf32> to vector<16xf32>
      %swap3A_169 = arith.index_cast %scan3A_142 : i32 to index
      %swap3A_170 = arith.constant 32 : index
      %swap3A_171 = tpu.vector_load %arg7[%swap3A_169, %swap3A_170] {strides = array<i32>} : memref<128x64xf32, #tpu.memory_space<vmem>>, vector<1x16xf32>,
      %swap3A_172 = vector.shape_cast %swap3A_171 : vector<1x16xf32> to vector<16xf32>
      %swap3A_173 = vector.shape_cast %get3A_168 : vector<16xf32> to vector<1x16xf32>
      tpu.vector_store %arg7[%swap3A_169, %swap3A_170], %swap3A_173 {strides = array<i32>} : memref<128x64xf32, #tpu.memory_space<vmem>>, vector<1x16xf32>,
      %get3A_174 = arith.constant 1 : i32
      %get3A_175 = arith.index_cast %get3A_174 : i32 to index
      %get3A_176 = arith.index_cast %scan3A_142 : i32 to index
      %get3A_177 = arith.constant 48 : index
      %get3A_178 = tpu.vector_load %arg6[%get3A_175, %get3A_176, %get3A_177] {strides = array<i32>} : memref<2x128x128xf32, #tpu.memory_space<vmem>>, vector<1x1x16xf32>,
      %get3A_179 = vector.shape_cast %get3A_178 : vector<1x1x16xf32> to vector<16xf32>
      %swap3A_180 = arith.index_cast %scan3A_142 : i32 to index
      %swap3A_181 = arith.constant 48 : index
      %swap3A_182 = tpu.vector_load %arg7[%swap3A_180, %swap3A_181] {strides = array<i32>} : memref<128x64xf32, #tpu.memory_space<vmem>>, vector<1x16xf32>,
      %swap3A_183 = vector.shape_cast %swap3A_182 : vector<1x16xf32> to vector<16xf32>
      %swap3A_184 = vector.shape_cast %get3A_179 : vector<16xf32> to vector<1x16xf32>
      tpu.vector_store %arg7[%swap3A_180, %swap3A_181], %swap3A_184 {strides = array<i32>} : memref<128x64xf32, #tpu.memory_space<vmem>>, vector<1x16xf32>,
    }
    %scan3A_139 = arith.constant 128 : i32
    %add3A_140 = arith.constant 384 : i32
    %add3A_141 = arith.addi %select_n3A_32, %add3A_140 : i32
    "tpu.region"() ({
      %run_scoped3A = tpu.sem_alloc : memref<!tpu.dma_semaphore, #tpu.memory_space<semaphore_mem>>
      %dma_start3A_142 = arith.constant 0 : i32
      %dma_start3A_143 = tpu.memref_slice %arg4[%select_n3A, %add3A_141, %dma_start3A_142] : memref<16x1024x64xf32, #tpu.memory_space<hbm>> -> memref<1x128x64xf32, #tpu.memory_space<hbm>>
      %dma_start3A_144 = tpu.memref_squeeze %dma_start3A_143 : memref<1x128x64xf32, #tpu.memory_space<hbm>> -> memref<128x64xf32, #tpu.memory_space<hbm>>
      %dma_start3A_145 = arith.constant 0 : i32
      %dma_start3A_146 = tpu.memref_slice %arg4[%select_n3A, %add3A_141, %dma_start3A_145] : memref<16x1024x64xf32, #tpu.memory_space<hbm>> -> memref<1x128x64xf32, #tpu.memory_space<hbm>>
      %dma_start3A_147 = tpu.memref_squeeze %dma_start3A_146 : memref<1x128x64xf32, #tpu.memory_space<hbm>> -> memref<128x64xf32, #tpu.memory_space<hbm>>
      tpu.enqueue_dma source(%arg7 : memref<128x64xf32, #tpu.memory_space<vmem>>) target(%dma_start3A_147 : memref<128x64xf32, #tpu.memory_space<hbm>>) target_semaphore(%run_scoped3A : memref<!tpu.dma_semaphore, #tpu.memory_space<semaphore_mem>>)
      %dma_wait3A_148 = arith.constant 0 : i32
      %dma_wait3A_149 = tpu.memref_slice %arg4[%select_n3A, %add3A_141, %dma_wait3A_148] : memref<16x1024x64xf32, #tpu.memory_space<hbm>> -> memref<1x128x64xf32, #tpu.memory_space<hbm>>
      %dma_wait3A_150 = tpu.memref_squeeze %dma_wait3A_149 : memref<1x128x64xf32, #tpu.memory_space<hbm>> -> memref<128x64xf32, #tpu.memory_space<hbm>>
      %dma_wait3A_151 = arith.constant 0 : i32
      %dma_wait3A_152 = tpu.memref_slice %arg4[%select_n3A, %add3A_141, %dma_wait3A_151] : memref<16x1024x64xf32, #tpu.memory_space<hbm>> -> memref<1x128x64xf32, #tpu.memory_space<hbm>>
      %dma_wait3A_153 = tpu.memref_squeeze %dma_wait3A_152 : memref<1x128x64xf32, #tpu.memory_space<hbm>> -> memref<128x64xf32, #tpu.memory_space<hbm>>
      tpu.wait_dma2 semaphore(%run_scoped3A : memref<!tpu.dma_semaphore, #tpu.memory_space<semaphore_mem>>) src(%arg7 : memref<128x64xf32, #tpu.memory_space<vmem>>) dst(%dma_wait3A_153 : memref<128x64xf32, #tpu.memory_space<hbm>>)
      tpu.yield
    }) : () -> ()
    return
  }
}

#map = affine_map<(d0, d1) -> (0, 0)>
#map1 = affine_map<(d0, d1) -> (0)>
#map2 = affine_map<(d0, d1) -> (0, 0, 0)>
module attributes {stable_mosaic.version = 14 : i64} {
  func.func @_gather_body(%arg0: i32, %arg1: i32, %arg2: memref<1152x128xf32, #tpu.memory_space<hbm>>, %arg3: memref<16384xi32, #tpu.memory_space<hbm>>, %arg4: memref<16x1024x64xf32, #tpu.memory_space<hbm>>, %arg5: memref<512xi32, #tpu.memory_space<vmem>>, %arg6: memref<2x128x128xf32, #tpu.memory_space<vmem>>, %arg7: memref<128x64xf32, #tpu.memory_space<vmem>>, %arg8: memref<!tpu.dma_semaphore, #tpu.memory_space<semaphore_mem>>, %arg9: memref<!tpu.dma_semaphore, #tpu.memory_space<semaphore_mem>>) attributes {dimension_semantics = [#tpu.dimension_semantics<core_parallel>, #tpu.dimension_semantics<subcore_parallel>], iteration_bounds = array<i64: 2, 16>, scalar_prefetch = 0 : i64, scratch_operands = 5 : i64, tpu.core_type = #tpu.core_type<sc_vector_subcore>, window_params = [{transform_indices = #map}, {transform_indices = #map1}, {transform_indices = #map2}]} {
    %mul3A = arith.constant 2 : i32
    %mul3A_0 = arith.muli %arg1, %mul3A : i32
    %add3A = arith.addi %mul3A_0, %arg0 : i32
    %mul3A_1 = arith.constant 512 : i32
    %mul3A_2 = arith.muli %add3A, %mul3A_1 : i32
    %jit3A = arith.constant 1024 : i32
    %div3A = arith.divsi %mul3A_2, %jit3A : i32
    %sign3A = arith.constant 0 : i32
    %sign3A_3 = arith.cmpi sgt, %mul3A_2, %sign3A : i32
    %sign3A_4 = arith.extui %sign3A_3 : i1 to i32
    %sign3A_5 = arith.constant 0 : i32
    %sign3A_6 = arith.cmpi slt, %mul3A_2, %sign3A_5 : i32
    %sign3A_7 = arith.extui %sign3A_6 : i1 to i32
    %sign3A_8 = arith.subi %sign3A_4, %sign3A_7 : i32
    %sign3A_9 = arith.constant 0 : i32
    %sign3A_10 = arith.cmpi sgt, %jit3A, %sign3A_9 : i32
    %sign3A_11 = arith.extui %sign3A_10 : i1 to i32
    %sign3A_12 = arith.constant 0 : i32
    %sign3A_13 = arith.cmpi slt, %jit3A, %sign3A_12 : i32
    %sign3A_14 = arith.extui %sign3A_13 : i1 to i32
    %sign3A_15 = arith.subi %sign3A_11, %sign3A_14 : i32
    %ne3A = arith.cmpi ne, %sign3A_8, %sign3A_15 : i32
    %rem3A = arith.remsi %mul3A_2, %jit3A : i32
    %ne3A_16 = arith.constant 0 : i32
    %ne3A_17 = arith.cmpi ne, %rem3A, %ne3A_16 : i32
    %and3A = arith.andi %ne3A, %ne3A_17 : i1
    %sub3A = arith.constant 1 : i32
    %sub3A_18 = arith.subi %div3A, %sub3A : i32
    %select_n3A = arith.select %and3A, %sub3A_18, %div3A : i32
    %jit3A_19 = arith.constant 1024 : i32
    %eq3A = arith.constant 0 : i32
    %eq3A_20 = arith.cmpi eq, %jit3A_19, %eq3A : i32
    %jit3A_21 = arith.constant 1 : i32
    %select_n3A_22 = arith.select %eq3A_20, %jit3A_21, %jit3A_19 : i32
    %rem3A_23 = arith.remsi %mul3A_2, %select_n3A_22 : i32
    %ne3A_24 = arith.constant 0 : i32
    %ne3A_25 = arith.cmpi ne, %rem3A_23, %ne3A_24 : i32
    %lt3A = arith.constant 0 : i32
    %lt3A_26 = arith.cmpi slt, %rem3A_23, %lt3A : i32
    %lt3A_27 = arith.constant 0 : i32
    %lt3A_28 = arith.cmpi slt, %select_n3A_22, %lt3A_27 : i32
    %ne3A_29 = arith.xori %lt3A_26, %lt3A_28 : i1
    %and3A_30 = arith.andi %ne3A_29, %ne3A_25 : i1
    %add3A_31 = arith.addi %rem3A_23, %select_n3A_22 : i32
    %select_n3A_32 = arith.select %and3A_30, %add3A_31, %rem3A_23 : i32
    "tpu.region"() ({
      %run_scoped3A = tpu.sem_alloc : memref<!tpu.dma_semaphore, #tpu.memory_space<semaphore_mem>>
      %dma_start3A_142 = tpu.memref_slice %arg3[%mul3A_2] : memref<16384xi32, #tpu.memory_space<hbm>> -> memref<512xi32, #tpu.memory_space<hbm>>
      %dma_start3A_143 = tpu.memref_slice %arg3[%mul3A_2] : memref<16384xi32, #tpu.memory_space<hbm>> -> memref<512xi32, #tpu.memory_space<hbm>>
      tpu.enqueue_dma source(%dma_start3A_143 : memref<512xi32, #tpu.memory_space<hbm>>) target(%arg5 : memref<512xi32, #tpu.memory_space<vmem>>) target_semaphore(%run_scoped3A : memref<!tpu.dma_semaphore, #tpu.memory_space<semaphore_mem>>)
      %dma_wait3A_144 = tpu.memref_slice %arg3[%mul3A_2] : memref<16384xi32, #tpu.memory_space<hbm>> -> memref<512xi32, #tpu.memory_space<hbm>>
      %dma_wait3A_145 = tpu.memref_slice %arg3[%mul3A_2] : memref<16384xi32, #tpu.memory_space<hbm>> -> memref<512xi32, #tpu.memory_space<hbm>>
      tpu.wait_dma2 semaphore(%run_scoped3A : memref<!tpu.dma_semaphore, #tpu.memory_space<semaphore_mem>>) src(%dma_wait3A_145 : memref<512xi32, #tpu.memory_space<hbm>>) dst(%arg5 : memref<512xi32, #tpu.memory_space<vmem>>)
      tpu.yield
    }) : () -> ()
    %dma_start3A = arith.constant 0 : i32
    %dma_start3A_33 = arith.constant 0 : i32
    %dma_start3A_34 = arith.constant 0 : i32
    %dma_start3A_35 = tpu.memref_slice %arg6[%dma_start3A, %dma_start3A_33, %dma_start3A_34] : memref<2x128x128xf32, #tpu.memory_space<vmem>> -> memref<1x128x128xf32, #tpu.memory_space<vmem>>
    %dma_start3A_36 = tpu.memref_squeeze %dma_start3A_35 : memref<1x128x128xf32, #tpu.memory_space<vmem>> -> memref<128x128xf32, #tpu.memory_space<vmem>>
    %dma_start3A_37 = arith.constant 0 : i32
    %dma_start3A_38 = tpu.memref_slice %arg5[%dma_start3A_37] : memref<512xi32, #tpu.memory_space<vmem>> -> memref<128xi32, #tpu.memory_space<vmem>>
    %dma_start3A_39 = arith.constant 0 : i32
    %dma_start3A_40 = arith.constant 0 : i32
    %dma_start3A_41 = tpu.memref_slice %arg2[%dma_start3A_39, %dma_start3A_40] : memref<1152x128xf32, #tpu.memory_space<hbm>> -> memref<1152x128xf32, #tpu.memory_space<hbm>>
    tpu.enqueue_indirect_dma source(%dma_start3A_41 : memref<1152x128xf32, #tpu.memory_space<hbm>>) target(%dma_start3A_36 : memref<128x128xf32, #tpu.memory_space<vmem>>) offsets(%dma_start3A_38 : memref<128xi32, #tpu.memory_space<vmem>>) semaphore(%arg8 : memref<!tpu.dma_semaphore, #tpu.memory_space<semaphore_mem>>)
    %dma_start3A_42 = arith.constant 1 : i32
    %dma_start3A_43 = arith.constant 0 : i32
    %dma_start3A_44 = arith.constant 0 : i32
    %dma_start3A_45 = tpu.memref_slice %arg6[%dma_start3A_42, %dma_start3A_43, %dma_start3A_44] : memref<2x128x128xf32, #tpu.memory_space<vmem>> -> memref<1x128x128xf32, #tpu.memory_space<vmem>>
    %dma_start3A_46 = tpu.memref_squeeze %dma_start3A_45 : memref<1x128x128xf32, #tpu.memory_space<vmem>> -> memref<128x128xf32, #tpu.memory_space<vmem>>
    %dma_start3A_47 = arith.constant 128 : i32
    %dma_start3A_48 = tpu.memref_slice %arg5[%dma_start3A_47] : memref<512xi32, #tpu.memory_space<vmem>> -> memref<128xi32, #tpu.memory_space<vmem>>
    %dma_start3A_49 = arith.constant 0 : i32
    %dma_start3A_50 = arith.constant 0 : i32
    %dma_start3A_51 = tpu.memref_slice %arg2[%dma_start3A_49, %dma_start3A_50] : memref<1152x128xf32, #tpu.memory_space<hbm>> -> memref<1152x128xf32, #tpu.memory_space<hbm>>
    tpu.enqueue_indirect_dma source(%dma_start3A_51 : memref<1152x128xf32, #tpu.memory_space<hbm>>) target(%dma_start3A_46 : memref<128x128xf32, #tpu.memory_space<vmem>>) offsets(%dma_start3A_48 : memref<128xi32, #tpu.memory_space<vmem>>) semaphore(%arg9 : memref<!tpu.dma_semaphore, #tpu.memory_space<semaphore_mem>>)
    %dma_wait3A = arith.constant 0 : i32
    %dma_wait3A_52 = arith.constant 0 : i32
    %dma_wait3A_53 = arith.constant 0 : i32
    %dma_wait3A_54 = tpu.memref_slice %arg6[%dma_wait3A, %dma_wait3A_52, %dma_wait3A_53] : memref<2x128x128xf32, #tpu.memory_space<vmem>> -> memref<1x128x128xf32, #tpu.memory_space<vmem>>
    %dma_wait3A_55 = tpu.memref_squeeze %dma_wait3A_54 : memref<1x128x128xf32, #tpu.memory_space<vmem>> -> memref<128x128xf32, #tpu.memory_space<vmem>>
    %dma_wait3A_56 = arith.constant 0 : i32
    %dma_wait3A_57 = tpu.memref_slice %arg5[%dma_wait3A_56] : memref<512xi32, #tpu.memory_space<vmem>> -> memref<128xi32, #tpu.memory_space<vmem>>
    %dma_wait3A_58 = arith.constant 0 : i32
    %dma_wait3A_59 = arith.constant 0 : i32
    %dma_wait3A_60 = tpu.memref_slice %arg2[%dma_wait3A_58, %dma_wait3A_59] : memref<1152x128xf32, #tpu.memory_space<hbm>> -> memref<1152x128xf32, #tpu.memory_space<hbm>>
    tpu.wait_indirect_dma semaphore(%arg8 : memref<!tpu.dma_semaphore, #tpu.memory_space<semaphore_mem>>) src(%dma_wait3A_60 : memref<1152x128xf32, #tpu.memory_space<hbm>>) dst(%dma_wait3A_55 : memref<128x128xf32, #tpu.memory_space<vmem>>)
    %scan3A = arith.constant 0 : i32
    %scan3A_61 = arith.constant 0 : i32
    %scan3A_62 = arith.constant 128 : i32
    %scan3A_63 = arith.addi %scan3A_61, %scan3A_62 : i32
    %scan3A_64 = arith.constant 1 : i32
    scf.for %scan3A_142 = %scan3A_61 to %scan3A_63 step %scan3A_64  : i32 {
      %get3A = arith.constant 0 : i32
      %get3A_143 = arith.index_cast %get3A : i32 to index
      %get3A_144 = arith.index_cast %scan3A_142 : i32 to index
      %get3A_145 = arith.constant 0 : index
      %get3A_146 = tpu.vector_load %arg6[%get3A_143, %get3A_144, %get3A_145] {strides = array<i32>} : memref<2x128x128xf32, #tpu.memory_space<vmem>>, vector<1x1x16xf32>,
      %get3A_147 = vector.shape_cast %get3A_146 : vector<1x1x16xf32> to vector<16xf32>
      %swap3A = arith.index_cast %scan3A_142 : i32 to index
      %swap3A_148 = arith.constant 0 : index
      %swap3A_149 = tpu.vector_load %arg7[%swap3A, %swap3A_148] {strides = array<i32>} : memref<128x64xf32, #tpu.memory_space<vmem>>, vector<1x16xf32>,
      %swap3A_150 = vector.shape_cast %swap3A_149 : vector<1x16xf32> to vector<16xf32>
      %swap3A_151 = vector.shape_cast %get3A_147 : vector<16xf32> to vector<1x16xf32>
      tpu.vector_store %arg7[%swap3A, %swap3A_148], %swap3A_151 {strides = array<i32>} : memref<128x64xf32, #tpu.memory_space<vmem>>, vector<1x16xf32>,
      %get3A_152 = arith.constant 0 : i32
      %get3A_153 = arith.index_cast %get3A_152 : i32 to index
      %get3A_154 = arith.index_cast %scan3A_142 : i32 to index
      %get3A_155 = arith.constant 16 : index
      %get3A_156 = tpu.vector_load %arg6[%get3A_153, %get3A_154, %get3A_155] {strides = array<i32>} : memref<2x128x128xf32, #tpu.memory_space<vmem>>, vector<1x1x16xf32>,
      %get3A_157 = vector.shape_cast %get3A_156 : vector<1x1x16xf32> to vector<16xf32>
      %swap3A_158 = arith.index_cast %scan3A_142 : i32 to index
      %swap3A_159 = arith.constant 16 : index
      %swap3A_160 = tpu.vector_load %arg7[%swap3A_158, %swap3A_159] {strides = array<i32>} : memref<128x64xf32, #tpu.memory_space<vmem>>, vector<1x16xf32>,
      %swap3A_161 = vector.shape_cast %swap3A_160 : vector<1x16xf32> to vector<16xf32>
      %swap3A_162 = vector.shape_cast %get3A_157 : vector<16xf32> to vector<1x16xf32>
      tpu.vector_store %arg7[%swap3A_158, %swap3A_159], %swap3A_162 {strides = array<i32>} : memref<128x64xf32, #tpu.memory_space<vmem>>, vector<1x16xf32>,
      %get3A_163 = arith.constant 0 : i32
      %get3A_164 = arith.index_cast %get3A_163 : i32 to index
      %get3A_165 = arith.index_cast %scan3A_142 : i32 to index
      %get3A_166 = arith.constant 32 : index
      %get3A_167 = tpu.vector_load %arg6[%get3A_164, %get3A_165, %get3A_166] {strides = array<i32>} : memref<2x128x128xf32, #tpu.memory_space<vmem>>, vector<1x1x16xf32>,
      %get3A_168 = vector.shape_cast %get3A_167 : vector<1x1x16xf32> to vector<16xf32>
      %swap3A_169 = arith.index_cast %scan3A_142 : i32 to index
      %swap3A_170 = arith.constant 32 : index
      %swap3A_171 = tpu.vector_load %arg7[%swap3A_169, %swap3A_170] {strides = array<i32>} : memref<128x64xf32, #tpu.memory_space<vmem>>, vector<1x16xf32>,
      %swap3A_172 = vector.shape_cast %swap3A_171 : vector<1x16xf32> to vector<16xf32>
      %swap3A_173 = vector.shape_cast %get3A_168 : vector<16xf32> to vector<1x16xf32>
      tpu.vector_store %arg7[%swap3A_169, %swap3A_170], %swap3A_173 {strides = array<i32>} : memref<128x64xf32, #tpu.memory_space<vmem>>, vector<1x16xf32>,
      %get3A_174 = arith.constant 0 : i32
      %get3A_175 = arith.index_cast %get3A_174 : i32 to index
      %get3A_176 = arith.index_cast %scan3A_142 : i32 to index
      %get3A_177 = arith.constant 48 : index
      %get3A_178 = tpu.vector_load %arg6[%get3A_175, %get3A_176, %get3A_177] {strides = array<i32>} : memref<2x128x128xf32, #tpu.memory_space<vmem>>, vector<1x1x16xf32>,
      %get3A_179 = vector.shape_cast %get3A_178 : vector<1x1x16xf32> to vector<16xf32>
      %swap3A_180 = arith.index_cast %scan3A_142 : i32 to index
      %swap3A_181 = arith.constant 48 : index
      %swap3A_182 = tpu.vector_load %arg7[%swap3A_180, %swap3A_181] {strides = array<i32>} : memref<128x64xf32, #tpu.memory_space<vmem>>, vector<1x16xf32>,
      %swap3A_183 = vector.shape_cast %swap3A_182 : vector<1x16xf32> to vector<16xf32>
      %swap3A_184 = vector.shape_cast %get3A_179 : vector<16xf32> to vector<1x16xf32>
      tpu.vector_store %arg7[%swap3A_180, %swap3A_181], %swap3A_184 {strides = array<i32>} : memref<128x64xf32, #tpu.memory_space<vmem>>, vector<1x16xf32>,
    }
    %scan3A_65 = arith.constant 128 : i32
    %add3A_66 = arith.constant 0 : i32
    %add3A_67 = arith.addi %select_n3A_32, %add3A_66 : i32
    "tpu.region"() ({
      %run_scoped3A = tpu.sem_alloc : memref<!tpu.dma_semaphore, #tpu.memory_space<semaphore_mem>>
      %dma_start3A_142 = arith.constant 0 : i32
      %dma_start3A_143 = tpu.memref_slice %arg4[%select_n3A, %add3A_67, %dma_start3A_142] : memref<16x1024x64xf32, #tpu.memory_space<hbm>> -> memref<1x128x64xf32, #tpu.memory_space<hbm>>
      %dma_start3A_144 = tpu.memref_squeeze %dma_start3A_143 : memref<1x128x64xf32, #tpu.memory_space<hbm>> -> memref<128x64xf32, #tpu.memory_space<hbm>>
      %dma_start3A_145 = arith.constant 0 : i32
      %dma_start3A_146 = tpu.memref_slice %arg4[%select_n3A, %add3A_67, %dma_start3A_145] : memref<16x1024x64xf32, #tpu.memory_space<hbm>> -> memref<1x128x64xf32, #tpu.memory_space<hbm>>
      %dma_start3A_147 = tpu.memref_squeeze %dma_start3A_146 : memref<1x128x64xf32, #tpu.memory_space<hbm>> -> memref<128x64xf32, #tpu.memory_space<hbm>>
      tpu.enqueue_dma source(%arg7 : memref<128x64xf32, #tpu.memory_space<vmem>>) target(%dma_start3A_147 : memref<128x64xf32, #tpu.memory_space<hbm>>) target_semaphore(%run_scoped3A : memref<!tpu.dma_semaphore, #tpu.memory_space<semaphore_mem>>)
      %dma_wait3A_148 = arith.constant 0 : i32
      %dma_wait3A_149 = tpu.memref_slice %arg4[%select_n3A, %add3A_67, %dma_wait3A_148] : memref<16x1024x64xf32, #tpu.memory_space<hbm>> -> memref<1x128x64xf32, #tpu.memory_space<hbm>>
      %dma_wait3A_150 = tpu.memref_squeeze %dma_wait3A_149 : memref<1x128x64xf32, #tpu.memory_space<hbm>> -> memref<128x64xf32, #tpu.memory_space<hbm>>
      %dma_wait3A_151 = arith.constant 0 : i32
      %dma_wait3A_152 = tpu.memref_slice %arg4[%select_n3A, %add3A_67, %dma_wait3A_151] : memref<16x1024x64xf32, #tpu.memory_space<hbm>> -> memref<1x128x64xf32, #tpu.memory_space<hbm>>
      %dma_wait3A_153 = tpu.memref_squeeze %dma_wait3A_152 : memref<1x128x64xf32, #tpu.memory_space<hbm>> -> memref<128x64xf32, #tpu.memory_space<hbm>>
      tpu.wait_dma2 semaphore(%run_scoped3A : memref<!tpu.dma_semaphore, #tpu.memory_space<semaphore_mem>>) src(%arg7 : memref<128x64xf32, #tpu.memory_space<vmem>>) dst(%dma_wait3A_153 : memref<128x64xf32, #tpu.memory_space<hbm>>)
      tpu.yield
    }) : () -> ()
    %dma_start3A_68 = arith.constant 0 : i32
    %dma_start3A_69 = arith.constant 0 : i32
    %dma_start3A_70 = arith.constant 0 : i32
    %dma_start3A_71 = tpu.memref_slice %arg6[%dma_start3A_68, %dma_start3A_69, %dma_start3A_70] : memref<2x128x128xf32, #tpu.memory_space<vmem>> -> memref<1x128x128xf32, #tpu.memory_space<vmem>>
    %dma_start3A_72 = tpu.memref_squeeze %dma_start3A_71 : memref<1x128x128xf32, #tpu.memory_space<vmem>> -> memref<128x128xf32, #tpu.memory_space<vmem>>
    %dma_start3A_73 = arith.constant 256 : i32
    %dma_start3A_74 = tpu.memref_slice %arg5[%dma_start3A_73] : memref<512xi32, #tpu.memory_space<vmem>> -> memref<128xi32, #tpu.memory_space<vmem>>
    %dma_start3A_75 = arith.constant 0 : i32
    %dma_start3A_76 = arith.constant 0 : i32
    %dma_start3A_77 = tpu.memref_slice %arg2[%dma_start3A_75, %dma_start3A_76] : memref<1152x128xf32, #tpu.memory_space<hbm>> -> memref<1152x128xf32, #tpu.memory_space<hbm>>
    tpu.enqueue_indirect_dma source(%dma_start3A_77 : memref<1152x128xf32, #tpu.memory_space<hbm>>) target(%dma_start3A_72 : memref<128x128xf32, #tpu.memory_space<vmem>>) offsets(%dma_start3A_74 : memref<128xi32, #tpu.memory_space<vmem>>) semaphore(%arg8 : memref<!tpu.dma_semaphore, #tpu.memory_space<semaphore_mem>>)
    %dma_wait3A_78 = arith.constant 1 : i32
    %dma_wait3A_79 = arith.constant 0 : i32
    %dma_wait3A_80 = arith.constant 0 : i32
    %dma_wait3A_81 = tpu.memref_slice %arg6[%dma_wait3A_78, %dma_wait3A_79, %dma_wait3A_80] : memref<2x128x128xf32, #tpu.memory_space<vmem>> -> memref<1x128x128xf32, #tpu.memory_space<vmem>>
    %dma_wait3A_82 = tpu.memref_squeeze %dma_wait3A_81 : memref<1x128x128xf32, #tpu.memory_space<vmem>> -> memref<128x128xf32, #tpu.memory_space<vmem>>
    %dma_wait3A_83 = arith.constant 128 : i32
    %dma_wait3A_84 = tpu.memref_slice %arg5[%dma_wait3A_83] : memref<512xi32, #tpu.memory_space<vmem>> -> memref<128xi32, #tpu.memory_space<vmem>>
    %dma_wait3A_85 = arith.constant 0 : i32
    %dma_wait3A_86 = arith.constant 0 : i32
    %dma_wait3A_87 = tpu.memref_slice %arg2[%dma_wait3A_85, %dma_wait3A_86] : memref<1152x128xf32, #tpu.memory_space<hbm>> -> memref<1152x128xf32, #tpu.memory_space<hbm>>
    tpu.wait_indirect_dma semaphore(%arg9 : memref<!tpu.dma_semaphore, #tpu.memory_space<semaphore_mem>>) src(%dma_wait3A_87 : memref<1152x128xf32, #tpu.memory_space<hbm>>) dst(%dma_wait3A_82 : memref<128x128xf32, #tpu.memory_space<vmem>>)
    %scan3A_88 = arith.constant 0 : i32
    %scan3A_89 = arith.constant 0 : i32
    %scan3A_90 = arith.constant 128 : i32
    %scan3A_91 = arith.addi %scan3A_89, %scan3A_90 : i32
    %scan3A_92 = arith.constant 1 : i32
    scf.for %scan3A_142 = %scan3A_89 to %scan3A_91 step %scan3A_92  : i32 {
      %get3A = arith.constant 1 : i32
      %get3A_143 = arith.index_cast %get3A : i32 to index
      %get3A_144 = arith.index_cast %scan3A_142 : i32 to index
      %get3A_145 = arith.constant 0 : index
      %get3A_146 = tpu.vector_load %arg6[%get3A_143, %get3A_144, %get3A_145] {strides = array<i32>} : memref<2x128x128xf32, #tpu.memory_space<vmem>>, vector<1x1x16xf32>,
      %get3A_147 = vector.shape_cast %get3A_146 : vector<1x1x16xf32> to vector<16xf32>
      %swap3A = arith.index_cast %scan3A_142 : i32 to index
      %swap3A_148 = arith.constant 0 : index
      %swap3A_149 = tpu.vector_load %arg7[%swap3A, %swap3A_148] {strides = array<i32>} : memref<128x64xf32, #tpu.memory_space<vmem>>, vector<1x16xf32>,
      %swap3A_150 = vector.shape_cast %swap3A_149 : vector<1x16xf32> to vector<16xf32>
      %swap3A_151 = vector.shape_cast %get3A_147 : vector<16xf32> to vector<1x16xf32>
      tpu.vector_store %arg7[%swap3A, %swap3A_148], %swap3A_151 {strides = array<i32>} : memref<128x64xf32, #tpu.memory_space<vmem>>, vector<1x16xf32>,
      %get3A_152 = arith.constant 1 : i32
      %get3A_153 = arith.index_cast %get3A_152 : i32 to index
      %get3A_154 = arith.index_cast %scan3A_142 : i32 to index
      %get3A_155 = arith.constant 16 : index
      %get3A_156 = tpu.vector_load %arg6[%get3A_153, %get3A_154, %get3A_155] {strides = array<i32>} : memref<2x128x128xf32, #tpu.memory_space<vmem>>, vector<1x1x16xf32>,
      %get3A_157 = vector.shape_cast %get3A_156 : vector<1x1x16xf32> to vector<16xf32>
      %swap3A_158 = arith.index_cast %scan3A_142 : i32 to index
      %swap3A_159 = arith.constant 16 : index
      %swap3A_160 = tpu.vector_load %arg7[%swap3A_158, %swap3A_159] {strides = array<i32>} : memref<128x64xf32, #tpu.memory_space<vmem>>, vector<1x16xf32>,
      %swap3A_161 = vector.shape_cast %swap3A_160 : vector<1x16xf32> to vector<16xf32>
      %swap3A_162 = vector.shape_cast %get3A_157 : vector<16xf32> to vector<1x16xf32>
      tpu.vector_store %arg7[%swap3A_158, %swap3A_159], %swap3A_162 {strides = array<i32>} : memref<128x64xf32, #tpu.memory_space<vmem>>, vector<1x16xf32>,
      %get3A_163 = arith.constant 1 : i32
      %get3A_164 = arith.index_cast %get3A_163 : i32 to index
      %get3A_165 = arith.index_cast %scan3A_142 : i32 to index
      %get3A_166 = arith.constant 32 : index
      %get3A_167 = tpu.vector_load %arg6[%get3A_164, %get3A_165, %get3A_166] {strides = array<i32>} : memref<2x128x128xf32, #tpu.memory_space<vmem>>, vector<1x1x16xf32>,
      %get3A_168 = vector.shape_cast %get3A_167 : vector<1x1x16xf32> to vector<16xf32>
      %swap3A_169 = arith.index_cast %scan3A_142 : i32 to index
      %swap3A_170 = arith.constant 32 : index
      %swap3A_171 = tpu.vector_load %arg7[%swap3A_169, %swap3A_170] {strides = array<i32>} : memref<128x64xf32, #tpu.memory_space<vmem>>, vector<1x16xf32>,
      %swap3A_172 = vector.shape_cast %swap3A_171 : vector<1x16xf32> to vector<16xf32>
      %swap3A_173 = vector.shape_cast %get3A_168 : vector<16xf32> to vector<1x16xf32>
      tpu.vector_store %arg7[%swap3A_169, %swap3A_170], %swap3A_173 {strides = array<i32>} : memref<128x64xf32, #tpu.memory_space<vmem>>, vector<1x16xf32>,
      %get3A_174 = arith.constant 1 : i32
      %get3A_175 = arith.index_cast %get3A_174 : i32 to index
      %get3A_176 = arith.index_cast %scan3A_142 : i32 to index
      %get3A_177 = arith.constant 48 : index
      %get3A_178 = tpu.vector_load %arg6[%get3A_175, %get3A_176, %get3A_177] {strides = array<i32>} : memref<2x128x128xf32, #tpu.memory_space<vmem>>, vector<1x1x16xf32>,
      %get3A_179 = vector.shape_cast %get3A_178 : vector<1x1x16xf32> to vector<16xf32>
      %swap3A_180 = arith.index_cast %scan3A_142 : i32 to index
      %swap3A_181 = arith.constant 48 : index
      %swap3A_182 = tpu.vector_load %arg7[%swap3A_180, %swap3A_181] {strides = array<i32>} : memref<128x64xf32, #tpu.memory_space<vmem>>, vector<1x16xf32>,
      %swap3A_183 = vector.shape_cast %swap3A_182 : vector<1x16xf32> to vector<16xf32>
      %swap3A_184 = vector.shape_cast %get3A_179 : vector<16xf32> to vector<1x16xf32>
      tpu.vector_store %arg7[%swap3A_180, %swap3A_181], %swap3A_184 {strides = array<i32>} : memref<128x64xf32, #tpu.memory_space<vmem>>, vector<1x16xf32>,
    }
    %scan3A_93 = arith.constant 128 : i32
    %add3A_94 = arith.constant 128 : i32
    %add3A_95 = arith.addi %select_n3A_32, %add3A_94 : i32
    "tpu.region"() ({
      %run_scoped3A = tpu.sem_alloc : memref<!tpu.dma_semaphore, #tpu.memory_space<semaphore_mem>>
      %dma_start3A_142 = arith.constant 0 : i32
      %dma_start3A_143 = tpu.memref_slice %arg4[%select_n3A, %add3A_95, %dma_start3A_142] : memref<16x1024x64xf32, #tpu.memory_space<hbm>> -> memref<1x128x64xf32, #tpu.memory_space<hbm>>
      %dma_start3A_144 = tpu.memref_squeeze %dma_start3A_143 : memref<1x128x64xf32, #tpu.memory_space<hbm>> -> memref<128x64xf32, #tpu.memory_space<hbm>>
      %dma_start3A_145 = arith.constant 0 : i32
      %dma_start3A_146 = tpu.memref_slice %arg4[%select_n3A, %add3A_95, %dma_start3A_145] : memref<16x1024x64xf32, #tpu.memory_space<hbm>> -> memref<1x128x64xf32, #tpu.memory_space<hbm>>
      %dma_start3A_147 = tpu.memref_squeeze %dma_start3A_146 : memref<1x128x64xf32, #tpu.memory_space<hbm>> -> memref<128x64xf32, #tpu.memory_space<hbm>>
      tpu.enqueue_dma source(%arg7 : memref<128x64xf32, #tpu.memory_space<vmem>>) target(%dma_start3A_147 : memref<128x64xf32, #tpu.memory_space<hbm>>) target_semaphore(%run_scoped3A : memref<!tpu.dma_semaphore, #tpu.memory_space<semaphore_mem>>)
      %dma_wait3A_148 = arith.constant 0 : i32
      %dma_wait3A_149 = tpu.memref_slice %arg4[%select_n3A, %add3A_95, %dma_wait3A_148] : memref<16x1024x64xf32, #tpu.memory_space<hbm>> -> memref<1x128x64xf32, #tpu.memory_space<hbm>>
      %dma_wait3A_150 = tpu.memref_squeeze %dma_wait3A_149 : memref<1x128x64xf32, #tpu.memory_space<hbm>> -> memref<128x64xf32, #tpu.memory_space<hbm>>
      %dma_wait3A_151 = arith.constant 0 : i32
      %dma_wait3A_152 = tpu.memref_slice %arg4[%select_n3A, %add3A_95, %dma_wait3A_151] : memref<16x1024x64xf32, #tpu.memory_space<hbm>> -> memref<1x128x64xf32, #tpu.memory_space<hbm>>
      %dma_wait3A_153 = tpu.memref_squeeze %dma_wait3A_152 : memref<1x128x64xf32, #tpu.memory_space<hbm>> -> memref<128x64xf32, #tpu.memory_space<hbm>>
      tpu.wait_dma2 semaphore(%run_scoped3A : memref<!tpu.dma_semaphore, #tpu.memory_space<semaphore_mem>>) src(%arg7 : memref<128x64xf32, #tpu.memory_space<vmem>>) dst(%dma_wait3A_153 : memref<128x64xf32, #tpu.memory_space<hbm>>)
      tpu.yield
    }) : () -> ()
    %dma_start3A_96 = arith.constant 1 : i32
    %dma_start3A_97 = arith.constant 0 : i32
    %dma_start3A_98 = arith.constant 0 : i32
    %dma_start3A_99 = tpu.memref_slice %arg6[%dma_start3A_96, %dma_start3A_97, %dma_start3A_98] : memref<2x128x128xf32, #tpu.memory_space<vmem>> -> memref<1x128x128xf32, #tpu.memory_space<vmem>>
    %dma_start3A_100 = tpu.memref_squeeze %dma_start3A_99 : memref<1x128x128xf32, #tpu.memory_space<vmem>> -> memref<128x128xf32, #tpu.memory_space<vmem>>
    %dma_start3A_101 = arith.constant 384 : i32
    %dma_start3A_102 = tpu.memref_slice %arg5[%dma_start3A_101] : memref<512xi32, #tpu.memory_space<vmem>> -> memref<128xi32, #tpu.memory_space<vmem>>
    %dma_start3A_103 = arith.constant 0 : i32
    %dma_start3A_104 = arith.constant 0 : i32
    %dma_start3A_105 = tpu.memref_slice %arg2[%dma_start3A_103, %dma_start3A_104] : memref<1152x128xf32, #tpu.memory_space<hbm>> -> memref<1152x128xf32, #tpu.memory_space<hbm>>
    tpu.enqueue_indirect_dma source(%dma_start3A_105 : memref<1152x128xf32, #tpu.memory_space<hbm>>) target(%dma_start3A_100 : memref<128x128xf32, #tpu.memory_space<vmem>>) offsets(%dma_start3A_102 : memref<128xi32, #tpu.memory_space<vmem>>) semaphore(%arg9 : memref<!tpu.dma_semaphore, #tpu.memory_space<semaphore_mem>>)
    %dma_wait3A_106 = arith.constant 0 : i32
    %dma_wait3A_107 = arith.constant 0 : i32
    %dma_wait3A_108 = arith.constant 0 : i32
    %dma_wait3A_109 = tpu.memref_slice %arg6[%dma_wait3A_106, %dma_wait3A_107, %dma_wait3A_108] : memref<2x128x128xf32, #tpu.memory_space<vmem>> -> memref<1x128x128xf32, #tpu.memory_space<vmem>>
    %dma_wait3A_110 = tpu.memref_squeeze %dma_wait3A_109 : memref<1x128x128xf32, #tpu.memory_space<vmem>> -> memref<128x128xf32, #tpu.memory_space<vmem>>
    %dma_wait3A_111 = arith.constant 256 : i32
    %dma_wait3A_112 = tpu.memref_slice %arg5[%dma_wait3A_111] : memref<512xi32, #tpu.memory_space<vmem>> -> memref<128xi32, #tpu.memory_space<vmem>>
    %dma_wait3A_113 = arith.constant 0 : i32
    %dma_wait3A_114 = arith.constant 0 : i32
    %dma_wait3A_115 = tpu.memref_slice %arg2[%dma_wait3A_113, %dma_wait3A_114] : memref<1152x128xf32, #tpu.memory_space<hbm>> -> memref<1152x128xf32, #tpu.memory_space<hbm>>
    tpu.wait_indirect_dma semaphore(%arg8 : memref<!tpu.dma_semaphore, #tpu.memory_space<semaphore_mem>>) src(%dma_wait3A_115 : memref<1152x128xf32, #tpu.memory_space<hbm>>) dst(%dma_wait3A_110 : memref<128x128xf32, #tpu.memory_space<vmem>>)
    %scan3A_116 = arith.constant 0 : i32
    %scan3A_117 = arith.constant 0 : i32
    %scan3A_118 = arith.constant 128 : i32
    %scan3A_119 = arith.addi %scan3A_117, %scan3A_118 : i32
    %scan3A_120 = arith.constant 1 : i32
    scf.for %scan3A_142 = %scan3A_117 to %scan3A_119 step %scan3A_120  : i32 {
      %get3A = arith.constant 0 : i32
      %get3A_143 = arith.index_cast %get3A : i32 to index
      %get3A_144 = arith.index_cast %scan3A_142 : i32 to index
      %get3A_145 = arith.constant 0 : index
      %get3A_146 = tpu.vector_load %arg6[%get3A_143, %get3A_144, %get3A_145] {strides = array<i32>} : memref<2x128x128xf32, #tpu.memory_space<vmem>>, vector<1x1x16xf32>,
      %get3A_147 = vector.shape_cast %get3A_146 : vector<1x1x16xf32> to vector<16xf32>
      %swap3A = arith.index_cast %scan3A_142 : i32 to index
      %swap3A_148 = arith.constant 0 : index
      %swap3A_149 = tpu.vector_load %arg7[%swap3A, %swap3A_148] {strides = array<i32>} : memref<128x64xf32, #tpu.memory_space<vmem>>, vector<1x16xf32>,
      %swap3A_150 = vector.shape_cast %swap3A_149 : vector<1x16xf32> to vector<16xf32>
      %swap3A_151 = vector.shape_cast %get3A_147 : vector<16xf32> to vector<1x16xf32>
      tpu.vector_store %arg7[%swap3A, %swap3A_148], %swap3A_151 {strides = array<i32>} : memref<128x64xf32, #tpu.memory_space<vmem>>, vector<1x16xf32>,
      %get3A_152 = arith.constant 0 : i32
      %get3A_153 = arith.index_cast %get3A_152 : i32 to index
      %get3A_154 = arith.index_cast %scan3A_142 : i32 to index
      %get3A_155 = arith.constant 16 : index
      %get3A_156 = tpu.vector_load %arg6[%get3A_153, %get3A_154, %get3A_155] {strides = array<i32>} : memref<2x128x128xf32, #tpu.memory_space<vmem>>, vector<1x1x16xf32>,
      %get3A_157 = vector.shape_cast %get3A_156 : vector<1x1x16xf32> to vector<16xf32>
      %swap3A_158 = arith.index_cast %scan3A_142 : i32 to index
      %swap3A_159 = arith.constant 16 : index
      %swap3A_160 = tpu.vector_load %arg7[%swap3A_158, %swap3A_159] {strides = array<i32>} : memref<128x64xf32, #tpu.memory_space<vmem>>, vector<1x16xf32>,
      %swap3A_161 = vector.shape_cast %swap3A_160 : vector<1x16xf32> to vector<16xf32>
      %swap3A_162 = vector.shape_cast %get3A_157 : vector<16xf32> to vector<1x16xf32>
      tpu.vector_store %arg7[%swap3A_158, %swap3A_159], %swap3A_162 {strides = array<i32>} : memref<128x64xf32, #tpu.memory_space<vmem>>, vector<1x16xf32>,
      %get3A_163 = arith.constant 0 : i32
      %get3A_164 = arith.index_cast %get3A_163 : i32 to index
      %get3A_165 = arith.index_cast %scan3A_142 : i32 to index
      %get3A_166 = arith.constant 32 : index
      %get3A_167 = tpu.vector_load %arg6[%get3A_164, %get3A_165, %get3A_166] {strides = array<i32>} : memref<2x128x128xf32, #tpu.memory_space<vmem>>, vector<1x1x16xf32>,
      %get3A_168 = vector.shape_cast %get3A_167 : vector<1x1x16xf32> to vector<16xf32>
      %swap3A_169 = arith.index_cast %scan3A_142 : i32 to index
      %swap3A_170 = arith.constant 32 : index
      %swap3A_171 = tpu.vector_load %arg7[%swap3A_169, %swap3A_170] {strides = array<i32>} : memref<128x64xf32, #tpu.memory_space<vmem>>, vector<1x16xf32>,
      %swap3A_172 = vector.shape_cast %swap3A_171 : vector<1x16xf32> to vector<16xf32>
      %swap3A_173 = vector.shape_cast %get3A_168 : vector<16xf32> to vector<1x16xf32>
      tpu.vector_store %arg7[%swap3A_169, %swap3A_170], %swap3A_173 {strides = array<i32>} : memref<128x64xf32, #tpu.memory_space<vmem>>, vector<1x16xf32>,
      %get3A_174 = arith.constant 0 : i32
      %get3A_175 = arith.index_cast %get3A_174 : i32 to index
      %get3A_176 = arith.index_cast %scan3A_142 : i32 to index
      %get3A_177 = arith.constant 48 : index
      %get3A_178 = tpu.vector_load %arg6[%get3A_175, %get3A_176, %get3A_177] {strides = array<i32>} : memref<2x128x128xf32, #tpu.memory_space<vmem>>, vector<1x1x16xf32>,
      %get3A_179 = vector.shape_cast %get3A_178 : vector<1x1x16xf32> to vector<16xf32>
      %swap3A_180 = arith.index_cast %scan3A_142 : i32 to index
      %swap3A_181 = arith.constant 48 : index
      %swap3A_182 = tpu.vector_load %arg7[%swap3A_180, %swap3A_181] {strides = array<i32>} : memref<128x64xf32, #tpu.memory_space<vmem>>, vector<1x16xf32>,
      %swap3A_183 = vector.shape_cast %swap3A_182 : vector<1x16xf32> to vector<16xf32>
      %swap3A_184 = vector.shape_cast %get3A_179 : vector<16xf32> to vector<1x16xf32>
      tpu.vector_store %arg7[%swap3A_180, %swap3A_181], %swap3A_184 {strides = array<i32>} : memref<128x64xf32, #tpu.memory_space<vmem>>, vector<1x16xf32>,
    }
    %scan3A_121 = arith.constant 128 : i32
    %add3A_122 = arith.constant 256 : i32
    %add3A_123 = arith.addi %select_n3A_32, %add3A_122 : i32
    "tpu.region"() ({
      %run_scoped3A = tpu.sem_alloc : memref<!tpu.dma_semaphore, #tpu.memory_space<semaphore_mem>>
      %dma_start3A_142 = arith.constant 0 : i32
      %dma_start3A_143 = tpu.memref_slice %arg4[%select_n3A, %add3A_123, %dma_start3A_142] : memref<16x1024x64xf32, #tpu.memory_space<hbm>> -> memref<1x128x64xf32, #tpu.memory_space<hbm>>
      %dma_start3A_144 = tpu.memref_squeeze %dma_start3A_143 : memref<1x128x64xf32, #tpu.memory_space<hbm>> -> memref<128x64xf32, #tpu.memory_space<hbm>>
      %dma_start3A_145 = arith.constant 0 : i32
      %dma_start3A_146 = tpu.memref_slice %arg4[%select_n3A, %add3A_123, %dma_start3A_145] : memref<16x1024x64xf32, #tpu.memory_space<hbm>> -> memref<1x128x64xf32, #tpu.memory_space<hbm>>
      %dma_start3A_147 = tpu.memref_squeeze %dma_start3A_146 : memref<1x128x64xf32, #tpu.memory_space<hbm>> -> memref<128x64xf32, #tpu.memory_space<hbm>>
      tpu.enqueue_dma source(%arg7 : memref<128x64xf32, #tpu.memory_space<vmem>>) target(%dma_start3A_147 : memref<128x64xf32, #tpu.memory_space<hbm>>) target_semaphore(%run_scoped3A : memref<!tpu.dma_semaphore, #tpu.memory_space<semaphore_mem>>)
      %dma_wait3A_148 = arith.constant 0 : i32
      %dma_wait3A_149 = tpu.memref_slice %arg4[%select_n3A, %add3A_123, %dma_wait3A_148] : memref<16x1024x64xf32, #tpu.memory_space<hbm>> -> memref<1x128x64xf32, #tpu.memory_space<hbm>>
      %dma_wait3A_150 = tpu.memref_squeeze %dma_wait3A_149 : memref<1x128x64xf32, #tpu.memory_space<hbm>> -> memref<128x64xf32, #tpu.memory_space<hbm>>
      %dma_wait3A_151 = arith.constant 0 : i32
      %dma_wait3A_152 = tpu.memref_slice %arg4[%select_n3A, %add3A_123, %dma_wait3A_151] : memref<16x1024x64xf32, #tpu.memory_space<hbm>> -> memref<1x128x64xf32, #tpu.memory_space<hbm>>
      %dma_wait3A_153 = tpu.memref_squeeze %dma_wait3A_152 : memref<1x128x64xf32, #tpu.memory_space<hbm>> -> memref<128x64xf32, #tpu.memory_space<hbm>>
      tpu.wait_dma2 semaphore(%run_scoped3A : memref<!tpu.dma_semaphore, #tpu.memory_space<semaphore_mem>>) src(%arg7 : memref<128x64xf32, #tpu.memory_space<vmem>>) dst(%dma_wait3A_153 : memref<128x64xf32, #tpu.memory_space<hbm>>)
      tpu.yield
    }) : () -> ()
    %dma_wait3A_124 = arith.constant 1 : i32
    %dma_wait3A_125 = arith.constant 0 : i32
    %dma_wait3A_126 = arith.constant 0 : i32
    %dma_wait3A_127 = tpu.memref_slice %arg6[%dma_wait3A_124, %dma_wait3A_125, %dma_wait3A_126] : memref<2x128x128xf32, #tpu.memory_space<vmem>> -> memref<1x128x128xf32, #tpu.memory_space<vmem>>
    %dma_wait3A_128 = tpu.memref_squeeze %dma_wait3A_127 : memref<1x128x128xf32, #tpu.memory_space<vmem>> -> memref<128x128xf32, #tpu.memory_space<vmem>>
    %dma_wait3A_129 = arith.constant 384 : i32
    %dma_wait3A_130 = tpu.memref_slice %arg5[%dma_wait3A_129] : memref<512xi32, #tpu.memory_space<vmem>> -> memref<128xi32, #tpu.memory_space<vmem>>
    %dma_wait3A_131 = arith.constant 0 : i32
    %dma_wait3A_132 = arith.constant 0 : i32
    %dma_wait3A_133 = tpu.memref_slice %arg2[%dma_wait3A_131, %dma_wait3A_132] : memref<1152x128xf32, #tpu.memory_space<hbm>> -> memref<1152x128xf32, #tpu.memory_space<hbm>>
    tpu.wait_indirect_dma semaphore(%arg9 : memref<!tpu.dma_semaphore, #tpu.memory_space<semaphore_mem>>) src(%dma_wait3A_133 : memref<1152x128xf32, #tpu.memory_space<hbm>>) dst(%dma_wait3A_128 : memref<128x128xf32, #tpu.memory_space<vmem>>)
    %scan3A_134 = arith.constant 0 : i32
    %scan3A_135 = arith.constant 0 : i32
    %scan3A_136 = arith.constant 128 : i32
    %scan3A_137 = arith.addi %scan3A_135, %scan3A_136 : i32
    %scan3A_138 = arith.constant 1 : i32
    scf.for %scan3A_142 = %scan3A_135 to %scan3A_137 step %scan3A_138  : i32 {
      %get3A = arith.constant 1 : i32
      %get3A_143 = arith.index_cast %get3A : i32 to index
      %get3A_144 = arith.index_cast %scan3A_142 : i32 to index
      %get3A_145 = arith.constant 0 : index
      %get3A_146 = tpu.vector_load %arg6[%get3A_143, %get3A_144, %get3A_145] {strides = array<i32>} : memref<2x128x128xf32, #tpu.memory_space<vmem>>, vector<1x1x16xf32>,
      %get3A_147 = vector.shape_cast %get3A_146 : vector<1x1x16xf32> to vector<16xf32>
      %swap3A = arith.index_cast %scan3A_142 : i32 to index
      %swap3A_148 = arith.constant 0 : index
      %swap3A_149 = tpu.vector_load %arg7[%swap3A, %swap3A_148] {strides = array<i32>} : memref<128x64xf32, #tpu.memory_space<vmem>>, vector<1x16xf32>,
      %swap3A_150 = vector.shape_cast %swap3A_149 : vector<1x16xf32> to vector<16xf32>
      %swap3A_151 = vector.shape_cast %get3A_147 : vector<16xf32> to vector<1x16xf32>
      tpu.vector_store %arg7[%swap3A, %swap3A_148], %swap3A_151 {strides = array<i32>} : memref<128x64xf32, #tpu.memory_space<vmem>>, vector<1x16xf32>,
      %get3A_152 = arith.constant 1 : i32
      %get3A_153 = arith.index_cast %get3A_152 : i32 to index
      %get3A_154 = arith.index_cast %scan3A_142 : i32 to index
      %get3A_155 = arith.constant 16 : index
      %get3A_156 = tpu.vector_load %arg6[%get3A_153, %get3A_154, %get3A_155] {strides = array<i32>} : memref<2x128x128xf32, #tpu.memory_space<vmem>>, vector<1x1x16xf32>,
      %get3A_157 = vector.shape_cast %get3A_156 : vector<1x1x16xf32> to vector<16xf32>
      %swap3A_158 = arith.index_cast %scan3A_142 : i32 to index
      %swap3A_159 = arith.constant 16 : index
      %swap3A_160 = tpu.vector_load %arg7[%swap3A_158, %swap3A_159] {strides = array<i32>} : memref<128x64xf32, #tpu.memory_space<vmem>>, vector<1x16xf32>,
      %swap3A_161 = vector.shape_cast %swap3A_160 : vector<1x16xf32> to vector<16xf32>
      %swap3A_162 = vector.shape_cast %get3A_157 : vector<16xf32> to vector<1x16xf32>
      tpu.vector_store %arg7[%swap3A_158, %swap3A_159], %swap3A_162 {strides = array<i32>} : memref<128x64xf32, #tpu.memory_space<vmem>>, vector<1x16xf32>,
      %get3A_163 = arith.constant 1 : i32
      %get3A_164 = arith.index_cast %get3A_163 : i32 to index
      %get3A_165 = arith.index_cast %scan3A_142 : i32 to index
      %get3A_166 = arith.constant 32 : index
      %get3A_167 = tpu.vector_load %arg6[%get3A_164, %get3A_165, %get3A_166] {strides = array<i32>} : memref<2x128x128xf32, #tpu.memory_space<vmem>>, vector<1x1x16xf32>,
      %get3A_168 = vector.shape_cast %get3A_167 : vector<1x1x16xf32> to vector<16xf32>
      %swap3A_169 = arith.index_cast %scan3A_142 : i32 to index
      %swap3A_170 = arith.constant 32 : index
      %swap3A_171 = tpu.vector_load %arg7[%swap3A_169, %swap3A_170] {strides = array<i32>} : memref<128x64xf32, #tpu.memory_space<vmem>>, vector<1x16xf32>,
      %swap3A_172 = vector.shape_cast %swap3A_171 : vector<1x16xf32> to vector<16xf32>
      %swap3A_173 = vector.shape_cast %get3A_168 : vector<16xf32> to vector<1x16xf32>
      tpu.vector_store %arg7[%swap3A_169, %swap3A_170], %swap3A_173 {strides = array<i32>} : memref<128x64xf32, #tpu.memory_space<vmem>>, vector<1x16xf32>,
      %get3A_174 = arith.constant 1 : i32
      %get3A_175 = arith.index_cast %get3A_174 : i32 to index
      %get3A_176 = arith.index_cast %scan3A_142 : i32 to index
      %get3A_177 = arith.constant 48 : index
      %get3A_178 = tpu.vector_load %arg6[%get3A_175, %get3A_176, %get3A_177] {strides = array<i32>} : memref<2x128x128xf32, #tpu.memory_space<vmem>>, vector<1x1x16xf32>,
      %get3A_179 = vector.shape_cast %get3A_178 : vector<1x1x16xf32> to vector<16xf32>
      %swap3A_180 = arith.index_cast %scan3A_142 : i32 to index
      %swap3A_181 = arith.constant 48 : index
      %swap3A_182 = tpu.vector_load %arg7[%swap3A_180, %swap3A_181] {strides = array<i32>} : memref<128x64xf32, #tpu.memory_space<vmem>>, vector<1x16xf32>,
      %swap3A_183 = vector.shape_cast %swap3A_182 : vector<1x16xf32> to vector<16xf32>
      %swap3A_184 = vector.shape_cast %get3A_179 : vector<16xf32> to vector<1x16xf32>
      tpu.vector_store %arg7[%swap3A_180, %swap3A_181], %swap3A_184 {strides = array<i32>} : memref<128x64xf32, #tpu.memory_space<vmem>>, vector<1x16xf32>,
    }
    %scan3A_139 = arith.constant 128 : i32
    %add3A_140 = arith.constant 384 : i32
    %add3A_141 = arith.addi %select_n3A_32, %add3A_140 : i32
    "tpu.region"() ({
      %run_scoped3A = tpu.sem_alloc : memref<!tpu.dma_semaphore, #tpu.memory_space<semaphore_mem>>
      %dma_start3A_142 = arith.constant 0 : i32
      %dma_start3A_143 = tpu.memref_slice %arg4[%select_n3A, %add3A_141, %dma_start3A_142] : memref<16x1024x64xf32, #tpu.memory_space<hbm>> -> memref<1x128x64xf32, #tpu.memory_space<hbm>>
      %dma_start3A_144 = tpu.memref_squeeze %dma_start3A_143 : memref<1x128x64xf32, #tpu.memory_space<hbm>> -> memref<128x64xf32, #tpu.memory_space<hbm>>
      %dma_start3A_145 = arith.constant 0 : i32
      %dma_start3A_146 = tpu.memref_slice %arg4[%select_n3A, %add3A_141, %dma_start3A_145] : memref<16x1024x64xf32, #tpu.memory_space<hbm>> -> memref<1x128x64xf32, #tpu.memory_space<hbm>>
      %dma_start3A_147 = tpu.memref_squeeze %dma_start3A_146 : memref<1x128x64xf32, #tpu.memory_space<hbm>> -> memref<128x64xf32, #tpu.memory_space<hbm>>
      tpu.enqueue_dma source(%arg7 : memref<128x64xf32, #tpu.memory_space<vmem>>) target(%dma_start3A_147 : memref<128x64xf32, #tpu.memory_space<hbm>>) target_semaphore(%run_scoped3A : memref<!tpu.dma_semaphore, #tpu.memory_space<semaphore_mem>>)
      %dma_wait3A_148 = arith.constant 0 : i32
      %dma_wait3A_149 = tpu.memref_slice %arg4[%select_n3A, %add3A_141, %dma_wait3A_148] : memref<16x1024x64xf32, #tpu.memory_space<hbm>> -> memref<1x128x64xf32, #tpu.memory_space<hbm>>
      %dma_wait3A_150 = tpu.memref_squeeze %dma_wait3A_149 : memref<1x128x64xf32, #tpu.memory_space<hbm>> -> memref<128x64xf32, #tpu.memory_space<hbm>>
      %dma_wait3A_151 = arith.constant 0 : i32
      %dma_wait3A_152 = tpu.memref_slice %arg4[%select_n3A, %add3A_141, %dma_wait3A_151] : memref<16x1024x64xf32, #tpu.memory_space<hbm>> -> memref<1x128x64xf32, #tpu.memory_space<hbm>>
      %dma_wait3A_153 = tpu.memref_squeeze %dma_wait3A_152 : memref<1x128x64xf32, #tpu.memory_space<hbm>> -> memref<128x64xf32, #tpu.memory_space<hbm>>
      tpu.wait_dma2 semaphore(%run_scoped3A : memref<!tpu.dma_semaphore, #tpu.memory_space<semaphore_mem>>) src(%arg7 : memref<128x64xf32, #tpu.memory_space<vmem>>) dst(%dma_wait3A_153 : memref<128x64xf32, #tpu.memory_space<hbm>>)
      tpu.yield
    }) : () -> ()
    return
  }
}

#map = affine_map<(d0, d1) -> (0, 0)>
#map1 = affine_map<(d0, d1) -> (0)>
#map2 = affine_map<(d0, d1) -> (0, 0, 0)>
module attributes {stable_mosaic.version = 14 : i64} {
  func.func @_gather_body(%arg0: i32, %arg1: i32, %arg2: memref<1152x128xf32, #tpu.memory_space<hbm>>, %arg3: memref<16384xi32, #tpu.memory_space<hbm>>, %arg4: memref<16x1024x64xf32, #tpu.memory_space<hbm>>, %arg5: memref<512xi32, #tpu.memory_space<vmem>>, %arg6: memref<2x128x128xf32, #tpu.memory_space<vmem>>, %arg7: memref<128x64xf32, #tpu.memory_space<vmem>>, %arg8: memref<!tpu.dma_semaphore, #tpu.memory_space<semaphore_mem>>, %arg9: memref<!tpu.dma_semaphore, #tpu.memory_space<semaphore_mem>>) attributes {dimension_semantics = [#tpu.dimension_semantics<core_parallel>, #tpu.dimension_semantics<subcore_parallel>], iteration_bounds = array<i64: 2, 16>, scalar_prefetch = 0 : i64, scratch_operands = 5 : i64, tpu.core_type = #tpu.core_type<sc_vector_subcore>, window_params = [{transform_indices = #map}, {transform_indices = #map1}, {transform_indices = #map2}]} {
    %mul3A = arith.constant 2 : i32
    %mul3A_0 = arith.muli %arg1, %mul3A : i32
    %add3A = arith.addi %mul3A_0, %arg0 : i32
    %mul3A_1 = arith.constant 512 : i32
    %mul3A_2 = arith.muli %add3A, %mul3A_1 : i32
    %jit3A = arith.constant 1024 : i32
    %div3A = arith.divsi %mul3A_2, %jit3A : i32
    %sign3A = arith.constant 0 : i32
    %sign3A_3 = arith.cmpi sgt, %mul3A_2, %sign3A : i32
    %sign3A_4 = arith.extui %sign3A_3 : i1 to i32
    %sign3A_5 = arith.constant 0 : i32
    %sign3A_6 = arith.cmpi slt, %mul3A_2, %sign3A_5 : i32
    %sign3A_7 = arith.extui %sign3A_6 : i1 to i32
    %sign3A_8 = arith.subi %sign3A_4, %sign3A_7 : i32
    %sign3A_9 = arith.constant 0 : i32
    %sign3A_10 = arith.cmpi sgt, %jit3A, %sign3A_9 : i32
    %sign3A_11 = arith.extui %sign3A_10 : i1 to i32
    %sign3A_12 = arith.constant 0 : i32
    %sign3A_13 = arith.cmpi slt, %jit3A, %sign3A_12 : i32
    %sign3A_14 = arith.extui %sign3A_13 : i1 to i32
    %sign3A_15 = arith.subi %sign3A_11, %sign3A_14 : i32
    %ne3A = arith.cmpi ne, %sign3A_8, %sign3A_15 : i32
    %rem3A = arith.remsi %mul3A_2, %jit3A : i32
    %ne3A_16 = arith.constant 0 : i32
    %ne3A_17 = arith.cmpi ne, %rem3A, %ne3A_16 : i32
    %and3A = arith.andi %ne3A, %ne3A_17 : i1
    %sub3A = arith.constant 1 : i32
    %sub3A_18 = arith.subi %div3A, %sub3A : i32
    %select_n3A = arith.select %and3A, %sub3A_18, %div3A : i32
    %jit3A_19 = arith.constant 1024 : i32
    %eq3A = arith.constant 0 : i32
    %eq3A_20 = arith.cmpi eq, %jit3A_19, %eq3A : i32
    %jit3A_21 = arith.constant 1 : i32
    %select_n3A_22 = arith.select %eq3A_20, %jit3A_21, %jit3A_19 : i32
    %rem3A_23 = arith.remsi %mul3A_2, %select_n3A_22 : i32
    %ne3A_24 = arith.constant 0 : i32
    %ne3A_25 = arith.cmpi ne, %rem3A_23, %ne3A_24 : i32
    %lt3A = arith.constant 0 : i32
    %lt3A_26 = arith.cmpi slt, %rem3A_23, %lt3A : i32
    %lt3A_27 = arith.constant 0 : i32
    %lt3A_28 = arith.cmpi slt, %select_n3A_22, %lt3A_27 : i32
    %ne3A_29 = arith.xori %lt3A_26, %lt3A_28 : i1
    %and3A_30 = arith.andi %ne3A_29, %ne3A_25 : i1
    %add3A_31 = arith.addi %rem3A_23, %select_n3A_22 : i32
    %select_n3A_32 = arith.select %and3A_30, %add3A_31, %rem3A_23 : i32
    "tpu.region"() ({
      %run_scoped3A = tpu.sem_alloc : memref<!tpu.dma_semaphore, #tpu.memory_space<semaphore_mem>>
      %dma_start3A_142 = tpu.memref_slice %arg3[%mul3A_2] : memref<16384xi32, #tpu.memory_space<hbm>> -> memref<512xi32, #tpu.memory_space<hbm>>
      %dma_start3A_143 = tpu.memref_slice %arg3[%mul3A_2] : memref<16384xi32, #tpu.memory_space<hbm>> -> memref<512xi32, #tpu.memory_space<hbm>>
      tpu.enqueue_dma source(%dma_start3A_143 : memref<512xi32, #tpu.memory_space<hbm>>) target(%arg5 : memref<512xi32, #tpu.memory_space<vmem>>) target_semaphore(%run_scoped3A : memref<!tpu.dma_semaphore, #tpu.memory_space<semaphore_mem>>)
      %dma_wait3A_144 = tpu.memref_slice %arg3[%mul3A_2] : memref<16384xi32, #tpu.memory_space<hbm>> -> memref<512xi32, #tpu.memory_space<hbm>>
      %dma_wait3A_145 = tpu.memref_slice %arg3[%mul3A_2] : memref<16384xi32, #tpu.memory_space<hbm>> -> memref<512xi32, #tpu.memory_space<hbm>>
      tpu.wait_dma2 semaphore(%run_scoped3A : memref<!tpu.dma_semaphore, #tpu.memory_space<semaphore_mem>>) src(%dma_wait3A_145 : memref<512xi32, #tpu.memory_space<hbm>>) dst(%arg5 : memref<512xi32, #tpu.memory_space<vmem>>)
      tpu.yield
    }) : () -> ()
    %dma_start3A = arith.constant 0 : i32
    %dma_start3A_33 = arith.constant 0 : i32
    %dma_start3A_34 = arith.constant 0 : i32
    %dma_start3A_35 = tpu.memref_slice %arg6[%dma_start3A, %dma_start3A_33, %dma_start3A_34] : memref<2x128x128xf32, #tpu.memory_space<vmem>> -> memref<1x128x128xf32, #tpu.memory_space<vmem>>
    %dma_start3A_36 = tpu.memref_squeeze %dma_start3A_35 : memref<1x128x128xf32, #tpu.memory_space<vmem>> -> memref<128x128xf32, #tpu.memory_space<vmem>>
    %dma_start3A_37 = arith.constant 0 : i32
    %dma_start3A_38 = tpu.memref_slice %arg5[%dma_start3A_37] : memref<512xi32, #tpu.memory_space<vmem>> -> memref<128xi32, #tpu.memory_space<vmem>>
    %dma_start3A_39 = arith.constant 0 : i32
    %dma_start3A_40 = arith.constant 0 : i32
    %dma_start3A_41 = tpu.memref_slice %arg2[%dma_start3A_39, %dma_start3A_40] : memref<1152x128xf32, #tpu.memory_space<hbm>> -> memref<1152x128xf32, #tpu.memory_space<hbm>>
    tpu.enqueue_indirect_dma source(%dma_start3A_41 : memref<1152x128xf32, #tpu.memory_space<hbm>>) target(%dma_start3A_36 : memref<128x128xf32, #tpu.memory_space<vmem>>) offsets(%dma_start3A_38 : memref<128xi32, #tpu.memory_space<vmem>>) semaphore(%arg8 : memref<!tpu.dma_semaphore, #tpu.memory_space<semaphore_mem>>)
    %dma_start3A_42 = arith.constant 1 : i32
    %dma_start3A_43 = arith.constant 0 : i32
    %dma_start3A_44 = arith.constant 0 : i32
    %dma_start3A_45 = tpu.memref_slice %arg6[%dma_start3A_42, %dma_start3A_43, %dma_start3A_44] : memref<2x128x128xf32, #tpu.memory_space<vmem>> -> memref<1x128x128xf32, #tpu.memory_space<vmem>>
    %dma_start3A_46 = tpu.memref_squeeze %dma_start3A_45 : memref<1x128x128xf32, #tpu.memory_space<vmem>> -> memref<128x128xf32, #tpu.memory_space<vmem>>
    %dma_start3A_47 = arith.constant 128 : i32
    %dma_start3A_48 = tpu.memref_slice %arg5[%dma_start3A_47] : memref<512xi32, #tpu.memory_space<vmem>> -> memref<128xi32, #tpu.memory_space<vmem>>
    %dma_start3A_49 = arith.constant 0 : i32
    %dma_start3A_50 = arith.constant 0 : i32
    %dma_start3A_51 = tpu.memref_slice %arg2[%dma_start3A_49, %dma_start3A_50] : memref<1152x128xf32, #tpu.memory_space<hbm>> -> memref<1152x128xf32, #tpu.memory_space<hbm>>
    tpu.enqueue_indirect_dma source(%dma_start3A_51 : memref<1152x128xf32, #tpu.memory_space<hbm>>) target(%dma_start3A_46 : memref<128x128xf32, #tpu.memory_space<vmem>>) offsets(%dma_start3A_48 : memref<128xi32, #tpu.memory_space<vmem>>) semaphore(%arg9 : memref<!tpu.dma_semaphore, #tpu.memory_space<semaphore_mem>>)
    %dma_wait3A = arith.constant 0 : i32
    %dma_wait3A_52 = arith.constant 0 : i32
    %dma_wait3A_53 = arith.constant 0 : i32
    %dma_wait3A_54 = tpu.memref_slice %arg6[%dma_wait3A, %dma_wait3A_52, %dma_wait3A_53] : memref<2x128x128xf32, #tpu.memory_space<vmem>> -> memref<1x128x128xf32, #tpu.memory_space<vmem>>
    %dma_wait3A_55 = tpu.memref_squeeze %dma_wait3A_54 : memref<1x128x128xf32, #tpu.memory_space<vmem>> -> memref<128x128xf32, #tpu.memory_space<vmem>>
    %dma_wait3A_56 = arith.constant 0 : i32
    %dma_wait3A_57 = tpu.memref_slice %arg5[%dma_wait3A_56] : memref<512xi32, #tpu.memory_space<vmem>> -> memref<128xi32, #tpu.memory_space<vmem>>
    %dma_wait3A_58 = arith.constant 0 : i32
    %dma_wait3A_59 = arith.constant 0 : i32
    %dma_wait3A_60 = tpu.memref_slice %arg2[%dma_wait3A_58, %dma_wait3A_59] : memref<1152x128xf32, #tpu.memory_space<hbm>> -> memref<1152x128xf32, #tpu.memory_space<hbm>>
    tpu.wait_indirect_dma semaphore(%arg8 : memref<!tpu.dma_semaphore, #tpu.memory_space<semaphore_mem>>) src(%dma_wait3A_60 : memref<1152x128xf32, #tpu.memory_space<hbm>>) dst(%dma_wait3A_55 : memref<128x128xf32, #tpu.memory_space<vmem>>)
    %scan3A = arith.constant 0 : i32
    %scan3A_61 = arith.constant 0 : i32
    %scan3A_62 = arith.constant 128 : i32
    %scan3A_63 = arith.addi %scan3A_61, %scan3A_62 : i32
    %scan3A_64 = arith.constant 1 : i32
    scf.for %scan3A_142 = %scan3A_61 to %scan3A_63 step %scan3A_64  : i32 {
      %get3A = arith.constant 0 : i32
      %get3A_143 = arith.index_cast %get3A : i32 to index
      %get3A_144 = arith.index_cast %scan3A_142 : i32 to index
      %get3A_145 = arith.constant 0 : index
      %get3A_146 = tpu.vector_load %arg6[%get3A_143, %get3A_144, %get3A_145] {strides = array<i32>} : memref<2x128x128xf32, #tpu.memory_space<vmem>>, vector<1x1x16xf32>,
      %get3A_147 = vector.shape_cast %get3A_146 : vector<1x1x16xf32> to vector<16xf32>
      %swap3A = arith.index_cast %scan3A_142 : i32 to index
      %swap3A_148 = arith.constant 0 : index
      %swap3A_149 = tpu.vector_load %arg7[%swap3A, %swap3A_148] {strides = array<i32>} : memref<128x64xf32, #tpu.memory_space<vmem>>, vector<1x16xf32>,
      %swap3A_150 = vector.shape_cast %swap3A_149 : vector<1x16xf32> to vector<16xf32>
      %swap3A_151 = vector.shape_cast %get3A_147 : vector<16xf32> to vector<1x16xf32>
      tpu.vector_store %arg7[%swap3A, %swap3A_148], %swap3A_151 {strides = array<i32>} : memref<128x64xf32, #tpu.memory_space<vmem>>, vector<1x16xf32>,
      %get3A_152 = arith.constant 0 : i32
      %get3A_153 = arith.index_cast %get3A_152 : i32 to index
      %get3A_154 = arith.index_cast %scan3A_142 : i32 to index
      %get3A_155 = arith.constant 16 : index
      %get3A_156 = tpu.vector_load %arg6[%get3A_153, %get3A_154, %get3A_155] {strides = array<i32>} : memref<2x128x128xf32, #tpu.memory_space<vmem>>, vector<1x1x16xf32>,
      %get3A_157 = vector.shape_cast %get3A_156 : vector<1x1x16xf32> to vector<16xf32>
      %swap3A_158 = arith.index_cast %scan3A_142 : i32 to index
      %swap3A_159 = arith.constant 16 : index
      %swap3A_160 = tpu.vector_load %arg7[%swap3A_158, %swap3A_159] {strides = array<i32>} : memref<128x64xf32, #tpu.memory_space<vmem>>, vector<1x16xf32>,
      %swap3A_161 = vector.shape_cast %swap3A_160 : vector<1x16xf32> to vector<16xf32>
      %swap3A_162 = vector.shape_cast %get3A_157 : vector<16xf32> to vector<1x16xf32>
      tpu.vector_store %arg7[%swap3A_158, %swap3A_159], %swap3A_162 {strides = array<i32>} : memref<128x64xf32, #tpu.memory_space<vmem>>, vector<1x16xf32>,
      %get3A_163 = arith.constant 0 : i32
      %get3A_164 = arith.index_cast %get3A_163 : i32 to index
      %get3A_165 = arith.index_cast %scan3A_142 : i32 to index
      %get3A_166 = arith.constant 32 : index
      %get3A_167 = tpu.vector_load %arg6[%get3A_164, %get3A_165, %get3A_166] {strides = array<i32>} : memref<2x128x128xf32, #tpu.memory_space<vmem>>, vector<1x1x16xf32>,
      %get3A_168 = vector.shape_cast %get3A_167 : vector<1x1x16xf32> to vector<16xf32>
      %swap3A_169 = arith.index_cast %scan3A_142 : i32 to index
      %swap3A_170 = arith.constant 32 : index
      %swap3A_171 = tpu.vector_load %arg7[%swap3A_169, %swap3A_170] {strides = array<i32>} : memref<128x64xf32, #tpu.memory_space<vmem>>, vector<1x16xf32>,
      %swap3A_172 = vector.shape_cast %swap3A_171 : vector<1x16xf32> to vector<16xf32>
      %swap3A_173 = vector.shape_cast %get3A_168 : vector<16xf32> to vector<1x16xf32>
      tpu.vector_store %arg7[%swap3A_169, %swap3A_170], %swap3A_173 {strides = array<i32>} : memref<128x64xf32, #tpu.memory_space<vmem>>, vector<1x16xf32>,
      %get3A_174 = arith.constant 0 : i32
      %get3A_175 = arith.index_cast %get3A_174 : i32 to index
      %get3A_176 = arith.index_cast %scan3A_142 : i32 to index
      %get3A_177 = arith.constant 48 : index
      %get3A_178 = tpu.vector_load %arg6[%get3A_175, %get3A_176, %get3A_177] {strides = array<i32>} : memref<2x128x128xf32, #tpu.memory_space<vmem>>, vector<1x1x16xf32>,
      %get3A_179 = vector.shape_cast %get3A_178 : vector<1x1x16xf32> to vector<16xf32>
      %swap3A_180 = arith.index_cast %scan3A_142 : i32 to index
      %swap3A_181 = arith.constant 48 : index
      %swap3A_182 = tpu.vector_load %arg7[%swap3A_180, %swap3A_181] {strides = array<i32>} : memref<128x64xf32, #tpu.memory_space<vmem>>, vector<1x16xf32>,
      %swap3A_183 = vector.shape_cast %swap3A_182 : vector<1x16xf32> to vector<16xf32>
      %swap3A_184 = vector.shape_cast %get3A_179 : vector<16xf32> to vector<1x16xf32>
      tpu.vector_store %arg7[%swap3A_180, %swap3A_181], %swap3A_184 {strides = array<i32>} : memref<128x64xf32, #tpu.memory_space<vmem>>, vector<1x16xf32>,
    }
    %scan3A_65 = arith.constant 128 : i32
    %add3A_66 = arith.constant 0 : i32
    %add3A_67 = arith.addi %select_n3A_32, %add3A_66 : i32
    "tpu.region"() ({
      %run_scoped3A = tpu.sem_alloc : memref<!tpu.dma_semaphore, #tpu.memory_space<semaphore_mem>>
      %dma_start3A_142 = arith.constant 0 : i32
      %dma_start3A_143 = tpu.memref_slice %arg4[%select_n3A, %add3A_67, %dma_start3A_142] : memref<16x1024x64xf32, #tpu.memory_space<hbm>> -> memref<1x128x64xf32, #tpu.memory_space<hbm>>
      %dma_start3A_144 = tpu.memref_squeeze %dma_start3A_143 : memref<1x128x64xf32, #tpu.memory_space<hbm>> -> memref<128x64xf32, #tpu.memory_space<hbm>>
      %dma_start3A_145 = arith.constant 0 : i32
      %dma_start3A_146 = tpu.memref_slice %arg4[%select_n3A, %add3A_67, %dma_start3A_145] : memref<16x1024x64xf32, #tpu.memory_space<hbm>> -> memref<1x128x64xf32, #tpu.memory_space<hbm>>
      %dma_start3A_147 = tpu.memref_squeeze %dma_start3A_146 : memref<1x128x64xf32, #tpu.memory_space<hbm>> -> memref<128x64xf32, #tpu.memory_space<hbm>>
      tpu.enqueue_dma source(%arg7 : memref<128x64xf32, #tpu.memory_space<vmem>>) target(%dma_start3A_147 : memref<128x64xf32, #tpu.memory_space<hbm>>) target_semaphore(%run_scoped3A : memref<!tpu.dma_semaphore, #tpu.memory_space<semaphore_mem>>)
      %dma_wait3A_148 = arith.constant 0 : i32
      %dma_wait3A_149 = tpu.memref_slice %arg4[%select_n3A, %add3A_67, %dma_wait3A_148] : memref<16x1024x64xf32, #tpu.memory_space<hbm>> -> memref<1x128x64xf32, #tpu.memory_space<hbm>>
      %dma_wait3A_150 = tpu.memref_squeeze %dma_wait3A_149 : memref<1x128x64xf32, #tpu.memory_space<hbm>> -> memref<128x64xf32, #tpu.memory_space<hbm>>
      %dma_wait3A_151 = arith.constant 0 : i32
      %dma_wait3A_152 = tpu.memref_slice %arg4[%select_n3A, %add3A_67, %dma_wait3A_151] : memref<16x1024x64xf32, #tpu.memory_space<hbm>> -> memref<1x128x64xf32, #tpu.memory_space<hbm>>
      %dma_wait3A_153 = tpu.memref_squeeze %dma_wait3A_152 : memref<1x128x64xf32, #tpu.memory_space<hbm>> -> memref<128x64xf32, #tpu.memory_space<hbm>>
      tpu.wait_dma2 semaphore(%run_scoped3A : memref<!tpu.dma_semaphore, #tpu.memory_space<semaphore_mem>>) src(%arg7 : memref<128x64xf32, #tpu.memory_space<vmem>>) dst(%dma_wait3A_153 : memref<128x64xf32, #tpu.memory_space<hbm>>)
      tpu.yield
    }) : () -> ()
    %dma_start3A_68 = arith.constant 0 : i32
    %dma_start3A_69 = arith.constant 0 : i32
    %dma_start3A_70 = arith.constant 0 : i32
    %dma_start3A_71 = tpu.memref_slice %arg6[%dma_start3A_68, %dma_start3A_69, %dma_start3A_70] : memref<2x128x128xf32, #tpu.memory_space<vmem>> -> memref<1x128x128xf32, #tpu.memory_space<vmem>>
    %dma_start3A_72 = tpu.memref_squeeze %dma_start3A_71 : memref<1x128x128xf32, #tpu.memory_space<vmem>> -> memref<128x128xf32, #tpu.memory_space<vmem>>
    %dma_start3A_73 = arith.constant 256 : i32
    %dma_start3A_74 = tpu.memref_slice %arg5[%dma_start3A_73] : memref<512xi32, #tpu.memory_space<vmem>> -> memref<128xi32, #tpu.memory_space<vmem>>
    %dma_start3A_75 = arith.constant 0 : i32
    %dma_start3A_76 = arith.constant 0 : i32
    %dma_start3A_77 = tpu.memref_slice %arg2[%dma_start3A_75, %dma_start3A_76] : memref<1152x128xf32, #tpu.memory_space<hbm>> -> memref<1152x128xf32, #tpu.memory_space<hbm>>
    tpu.enqueue_indirect_dma source(%dma_start3A_77 : memref<1152x128xf32, #tpu.memory_space<hbm>>) target(%dma_start3A_72 : memref<128x128xf32, #tpu.memory_space<vmem>>) offsets(%dma_start3A_74 : memref<128xi32, #tpu.memory_space<vmem>>) semaphore(%arg8 : memref<!tpu.dma_semaphore, #tpu.memory_space<semaphore_mem>>)
    %dma_wait3A_78 = arith.constant 1 : i32
    %dma_wait3A_79 = arith.constant 0 : i32
    %dma_wait3A_80 = arith.constant 0 : i32
    %dma_wait3A_81 = tpu.memref_slice %arg6[%dma_wait3A_78, %dma_wait3A_79, %dma_wait3A_80] : memref<2x128x128xf32, #tpu.memory_space<vmem>> -> memref<1x128x128xf32, #tpu.memory_space<vmem>>
    %dma_wait3A_82 = tpu.memref_squeeze %dma_wait3A_81 : memref<1x128x128xf32, #tpu.memory_space<vmem>> -> memref<128x128xf32, #tpu.memory_space<vmem>>
    %dma_wait3A_83 = arith.constant 128 : i32
    %dma_wait3A_84 = tpu.memref_slice %arg5[%dma_wait3A_83] : memref<512xi32, #tpu.memory_space<vmem>> -> memref<128xi32, #tpu.memory_space<vmem>>
    %dma_wait3A_85 = arith.constant 0 : i32
    %dma_wait3A_86 = arith.constant 0 : i32
    %dma_wait3A_87 = tpu.memref_slice %arg2[%dma_wait3A_85, %dma_wait3A_86] : memref<1152x128xf32, #tpu.memory_space<hbm>> -> memref<1152x128xf32, #tpu.memory_space<hbm>>
    tpu.wait_indirect_dma semaphore(%arg9 : memref<!tpu.dma_semaphore, #tpu.memory_space<semaphore_mem>>) src(%dma_wait3A_87 : memref<1152x128xf32, #tpu.memory_space<hbm>>) dst(%dma_wait3A_82 : memref<128x128xf32, #tpu.memory_space<vmem>>)
    %scan3A_88 = arith.constant 0 : i32
    %scan3A_89 = arith.constant 0 : i32
    %scan3A_90 = arith.constant 128 : i32
    %scan3A_91 = arith.addi %scan3A_89, %scan3A_90 : i32
    %scan3A_92 = arith.constant 1 : i32
    scf.for %scan3A_142 = %scan3A_89 to %scan3A_91 step %scan3A_92  : i32 {
      %get3A = arith.constant 1 : i32
      %get3A_143 = arith.index_cast %get3A : i32 to index
      %get3A_144 = arith.index_cast %scan3A_142 : i32 to index
      %get3A_145 = arith.constant 0 : index
      %get3A_146 = tpu.vector_load %arg6[%get3A_143, %get3A_144, %get3A_145] {strides = array<i32>} : memref<2x128x128xf32, #tpu.memory_space<vmem>>, vector<1x1x16xf32>,
      %get3A_147 = vector.shape_cast %get3A_146 : vector<1x1x16xf32> to vector<16xf32>
      %swap3A = arith.index_cast %scan3A_142 : i32 to index
      %swap3A_148 = arith.constant 0 : index
      %swap3A_149 = tpu.vector_load %arg7[%swap3A, %swap3A_148] {strides = array<i32>} : memref<128x64xf32, #tpu.memory_space<vmem>>, vector<1x16xf32>,
      %swap3A_150 = vector.shape_cast %swap3A_149 : vector<1x16xf32> to vector<16xf32>
      %swap3A_151 = vector.shape_cast %get3A_147 : vector<16xf32> to vector<1x16xf32>
      tpu.vector_store %arg7[%swap3A, %swap3A_148], %swap3A_151 {strides = array<i32>} : memref<128x64xf32, #tpu.memory_space<vmem>>, vector<1x16xf32>,
      %get3A_152 = arith.constant 1 : i32
      %get3A_153 = arith.index_cast %get3A_152 : i32 to index
      %get3A_154 = arith.index_cast %scan3A_142 : i32 to index
      %get3A_155 = arith.constant 16 : index
      %get3A_156 = tpu.vector_load %arg6[%get3A_153, %get3A_154, %get3A_155] {strides = array<i32>} : memref<2x128x128xf32, #tpu.memory_space<vmem>>, vector<1x1x16xf32>,
      %get3A_157 = vector.shape_cast %get3A_156 : vector<1x1x16xf32> to vector<16xf32>
      %swap3A_158 = arith.index_cast %scan3A_142 : i32 to index
      %swap3A_159 = arith.constant 16 : index
      %swap3A_160 = tpu.vector_load %arg7[%swap3A_158, %swap3A_159] {strides = array<i32>} : memref<128x64xf32, #tpu.memory_space<vmem>>, vector<1x16xf32>,
      %swap3A_161 = vector.shape_cast %swap3A_160 : vector<1x16xf32> to vector<16xf32>
      %swap3A_162 = vector.shape_cast %get3A_157 : vector<16xf32> to vector<1x16xf32>
      tpu.vector_store %arg7[%swap3A_158, %swap3A_159], %swap3A_162 {strides = array<i32>} : memref<128x64xf32, #tpu.memory_space<vmem>>, vector<1x16xf32>,
      %get3A_163 = arith.constant 1 : i32
      %get3A_164 = arith.index_cast %get3A_163 : i32 to index
      %get3A_165 = arith.index_cast %scan3A_142 : i32 to index
      %get3A_166 = arith.constant 32 : index
      %get3A_167 = tpu.vector_load %arg6[%get3A_164, %get3A_165, %get3A_166] {strides = array<i32>} : memref<2x128x128xf32, #tpu.memory_space<vmem>>, vector<1x1x16xf32>,
      %get3A_168 = vector.shape_cast %get3A_167 : vector<1x1x16xf32> to vector<16xf32>
      %swap3A_169 = arith.index_cast %scan3A_142 : i32 to index
      %swap3A_170 = arith.constant 32 : index
      %swap3A_171 = tpu.vector_load %arg7[%swap3A_169, %swap3A_170] {strides = array<i32>} : memref<128x64xf32, #tpu.memory_space<vmem>>, vector<1x16xf32>,
      %swap3A_172 = vector.shape_cast %swap3A_171 : vector<1x16xf32> to vector<16xf32>
      %swap3A_173 = vector.shape_cast %get3A_168 : vector<16xf32> to vector<1x16xf32>
      tpu.vector_store %arg7[%swap3A_169, %swap3A_170], %swap3A_173 {strides = array<i32>} : memref<128x64xf32, #tpu.memory_space<vmem>>, vector<1x16xf32>,
      %get3A_174 = arith.constant 1 : i32
      %get3A_175 = arith.index_cast %get3A_174 : i32 to index
      %get3A_176 = arith.index_cast %scan3A_142 : i32 to index
      %get3A_177 = arith.constant 48 : index
      %get3A_178 = tpu.vector_load %arg6[%get3A_175, %get3A_176, %get3A_177] {strides = array<i32>} : memref<2x128x128xf32, #tpu.memory_space<vmem>>, vector<1x1x16xf32>,
      %get3A_179 = vector.shape_cast %get3A_178 : vector<1x1x16xf32> to vector<16xf32>
      %swap3A_180 = arith.index_cast %scan3A_142 : i32 to index
      %swap3A_181 = arith.constant 48 : index
      %swap3A_182 = tpu.vector_load %arg7[%swap3A_180, %swap3A_181] {strides = array<i32>} : memref<128x64xf32, #tpu.memory_space<vmem>>, vector<1x16xf32>,
      %swap3A_183 = vector.shape_cast %swap3A_182 : vector<1x16xf32> to vector<16xf32>
      %swap3A_184 = vector.shape_cast %get3A_179 : vector<16xf32> to vector<1x16xf32>
      tpu.vector_store %arg7[%swap3A_180, %swap3A_181], %swap3A_184 {strides = array<i32>} : memref<128x64xf32, #tpu.memory_space<vmem>>, vector<1x16xf32>,
    }
    %scan3A_93 = arith.constant 128 : i32
    %add3A_94 = arith.constant 128 : i32
    %add3A_95 = arith.addi %select_n3A_32, %add3A_94 : i32
    "tpu.region"() ({
      %run_scoped3A = tpu.sem_alloc : memref<!tpu.dma_semaphore, #tpu.memory_space<semaphore_mem>>
      %dma_start3A_142 = arith.constant 0 : i32
      %dma_start3A_143 = tpu.memref_slice %arg4[%select_n3A, %add3A_95, %dma_start3A_142] : memref<16x1024x64xf32, #tpu.memory_space<hbm>> -> memref<1x128x64xf32, #tpu.memory_space<hbm>>
      %dma_start3A_144 = tpu.memref_squeeze %dma_start3A_143 : memref<1x128x64xf32, #tpu.memory_space<hbm>> -> memref<128x64xf32, #tpu.memory_space<hbm>>
      %dma_start3A_145 = arith.constant 0 : i32
      %dma_start3A_146 = tpu.memref_slice %arg4[%select_n3A, %add3A_95, %dma_start3A_145] : memref<16x1024x64xf32, #tpu.memory_space<hbm>> -> memref<1x128x64xf32, #tpu.memory_space<hbm>>
      %dma_start3A_147 = tpu.memref_squeeze %dma_start3A_146 : memref<1x128x64xf32, #tpu.memory_space<hbm>> -> memref<128x64xf32, #tpu.memory_space<hbm>>
      tpu.enqueue_dma source(%arg7 : memref<128x64xf32, #tpu.memory_space<vmem>>) target(%dma_start3A_147 : memref<128x64xf32, #tpu.memory_space<hbm>>) target_semaphore(%run_scoped3A : memref<!tpu.dma_semaphore, #tpu.memory_space<semaphore_mem>>)
      %dma_wait3A_148 = arith.constant 0 : i32
      %dma_wait3A_149 = tpu.memref_slice %arg4[%select_n3A, %add3A_95, %dma_wait3A_148] : memref<16x1024x64xf32, #tpu.memory_space<hbm>> -> memref<1x128x64xf32, #tpu.memory_space<hbm>>
      %dma_wait3A_150 = tpu.memref_squeeze %dma_wait3A_149 : memref<1x128x64xf32, #tpu.memory_space<hbm>> -> memref<128x64xf32, #tpu.memory_space<hbm>>
      %dma_wait3A_151 = arith.constant 0 : i32
      %dma_wait3A_152 = tpu.memref_slice %arg4[%select_n3A, %add3A_95, %dma_wait3A_151] : memref<16x1024x64xf32, #tpu.memory_space<hbm>> -> memref<1x128x64xf32, #tpu.memory_space<hbm>>
      %dma_wait3A_153 = tpu.memref_squeeze %dma_wait3A_152 : memref<1x128x64xf32, #tpu.memory_space<hbm>> -> memref<128x64xf32, #tpu.memory_space<hbm>>
      tpu.wait_dma2 semaphore(%run_scoped3A : memref<!tpu.dma_semaphore, #tpu.memory_space<semaphore_mem>>) src(%arg7 : memref<128x64xf32, #tpu.memory_space<vmem>>) dst(%dma_wait3A_153 : memref<128x64xf32, #tpu.memory_space<hbm>>)
      tpu.yield
    }) : () -> ()
    %dma_start3A_96 = arith.constant 1 : i32
    %dma_start3A_97 = arith.constant 0 : i32
    %dma_start3A_98 = arith.constant 0 : i32
    %dma_start3A_99 = tpu.memref_slice %arg6[%dma_start3A_96, %dma_start3A_97, %dma_start3A_98] : memref<2x128x128xf32, #tpu.memory_space<vmem>> -> memref<1x128x128xf32, #tpu.memory_space<vmem>>
    %dma_start3A_100 = tpu.memref_squeeze %dma_start3A_99 : memref<1x128x128xf32, #tpu.memory_space<vmem>> -> memref<128x128xf32, #tpu.memory_space<vmem>>
    %dma_start3A_101 = arith.constant 384 : i32
    %dma_start3A_102 = tpu.memref_slice %arg5[%dma_start3A_101] : memref<512xi32, #tpu.memory_space<vmem>> -> memref<128xi32, #tpu.memory_space<vmem>>
    %dma_start3A_103 = arith.constant 0 : i32
    %dma_start3A_104 = arith.constant 0 : i32
    %dma_start3A_105 = tpu.memref_slice %arg2[%dma_start3A_103, %dma_start3A_104] : memref<1152x128xf32, #tpu.memory_space<hbm>> -> memref<1152x128xf32, #tpu.memory_space<hbm>>
    tpu.enqueue_indirect_dma source(%dma_start3A_105 : memref<1152x128xf32, #tpu.memory_space<hbm>>) target(%dma_start3A_100 : memref<128x128xf32, #tpu.memory_space<vmem>>) offsets(%dma_start3A_102 : memref<128xi32, #tpu.memory_space<vmem>>) semaphore(%arg9 : memref<!tpu.dma_semaphore, #tpu.memory_space<semaphore_mem>>)
    %dma_wait3A_106 = arith.constant 0 : i32
    %dma_wait3A_107 = arith.constant 0 : i32
    %dma_wait3A_108 = arith.constant 0 : i32
    %dma_wait3A_109 = tpu.memref_slice %arg6[%dma_wait3A_106, %dma_wait3A_107, %dma_wait3A_108] : memref<2x128x128xf32, #tpu.memory_space<vmem>> -> memref<1x128x128xf32, #tpu.memory_space<vmem>>
    %dma_wait3A_110 = tpu.memref_squeeze %dma_wait3A_109 : memref<1x128x128xf32, #tpu.memory_space<vmem>> -> memref<128x128xf32, #tpu.memory_space<vmem>>
    %dma_wait3A_111 = arith.constant 256 : i32
    %dma_wait3A_112 = tpu.memref_slice %arg5[%dma_wait3A_111] : memref<512xi32, #tpu.memory_space<vmem>> -> memref<128xi32, #tpu.memory_space<vmem>>
    %dma_wait3A_113 = arith.constant 0 : i32
    %dma_wait3A_114 = arith.constant 0 : i32
    %dma_wait3A_115 = tpu.memref_slice %arg2[%dma_wait3A_113, %dma_wait3A_114] : memref<1152x128xf32, #tpu.memory_space<hbm>> -> memref<1152x128xf32, #tpu.memory_space<hbm>>
    tpu.wait_indirect_dma semaphore(%arg8 : memref<!tpu.dma_semaphore, #tpu.memory_space<semaphore_mem>>) src(%dma_wait3A_115 : memref<1152x128xf32, #tpu.memory_space<hbm>>) dst(%dma_wait3A_110 : memref<128x128xf32, #tpu.memory_space<vmem>>)
    %scan3A_116 = arith.constant 0 : i32
    %scan3A_117 = arith.constant 0 : i32
    %scan3A_118 = arith.constant 128 : i32
    %scan3A_119 = arith.addi %scan3A_117, %scan3A_118 : i32
    %scan3A_120 = arith.constant 1 : i32
    scf.for %scan3A_142 = %scan3A_117 to %scan3A_119 step %scan3A_120  : i32 {
      %get3A = arith.constant 0 : i32
      %get3A_143 = arith.index_cast %get3A : i32 to index
      %get3A_144 = arith.index_cast %scan3A_142 : i32 to index
      %get3A_145 = arith.constant 0 : index
      %get3A_146 = tpu.vector_load %arg6[%get3A_143, %get3A_144, %get3A_145] {strides = array<i32>} : memref<2x128x128xf32, #tpu.memory_space<vmem>>, vector<1x1x16xf32>,
      %get3A_147 = vector.shape_cast %get3A_146 : vector<1x1x16xf32> to vector<16xf32>
      %swap3A = arith.index_cast %scan3A_142 : i32 to index
      %swap3A_148 = arith.constant 0 : index
      %swap3A_149 = tpu.vector_load %arg7[%swap3A, %swap3A_148] {strides = array<i32>} : memref<128x64xf32, #tpu.memory_space<vmem>>, vector<1x16xf32>,
      %swap3A_150 = vector.shape_cast %swap3A_149 : vector<1x16xf32> to vector<16xf32>
      %swap3A_151 = vector.shape_cast %get3A_147 : vector<16xf32> to vector<1x16xf32>
      tpu.vector_store %arg7[%swap3A, %swap3A_148], %swap3A_151 {strides = array<i32>} : memref<128x64xf32, #tpu.memory_space<vmem>>, vector<1x16xf32>,
      %get3A_152 = arith.constant 0 : i32
      %get3A_153 = arith.index_cast %get3A_152 : i32 to index
      %get3A_154 = arith.index_cast %scan3A_142 : i32 to index
      %get3A_155 = arith.constant 16 : index
      %get3A_156 = tpu.vector_load %arg6[%get3A_153, %get3A_154, %get3A_155] {strides = array<i32>} : memref<2x128x128xf32, #tpu.memory_space<vmem>>, vector<1x1x16xf32>,
      %get3A_157 = vector.shape_cast %get3A_156 : vector<1x1x16xf32> to vector<16xf32>
      %swap3A_158 = arith.index_cast %scan3A_142 : i32 to index
      %swap3A_159 = arith.constant 16 : index
      %swap3A_160 = tpu.vector_load %arg7[%swap3A_158, %swap3A_159] {strides = array<i32>} : memref<128x64xf32, #tpu.memory_space<vmem>>, vector<1x16xf32>,
      %swap3A_161 = vector.shape_cast %swap3A_160 : vector<1x16xf32> to vector<16xf32>
      %swap3A_162 = vector.shape_cast %get3A_157 : vector<16xf32> to vector<1x16xf32>
      tpu.vector_store %arg7[%swap3A_158, %swap3A_159], %swap3A_162 {strides = array<i32>} : memref<128x64xf32, #tpu.memory_space<vmem>>, vector<1x16xf32>,
      %get3A_163 = arith.constant 0 : i32
      %get3A_164 = arith.index_cast %get3A_163 : i32 to index
      %get3A_165 = arith.index_cast %scan3A_142 : i32 to index
      %get3A_166 = arith.constant 32 : index
      %get3A_167 = tpu.vector_load %arg6[%get3A_164, %get3A_165, %get3A_166] {strides = array<i32>} : memref<2x128x128xf32, #tpu.memory_space<vmem>>, vector<1x1x16xf32>,
      %get3A_168 = vector.shape_cast %get3A_167 : vector<1x1x16xf32> to vector<16xf32>
      %swap3A_169 = arith.index_cast %scan3A_142 : i32 to index
      %swap3A_170 = arith.constant 32 : index
      %swap3A_171 = tpu.vector_load %arg7[%swap3A_169, %swap3A_170] {strides = array<i32>} : memref<128x64xf32, #tpu.memory_space<vmem>>, vector<1x16xf32>,
      %swap3A_172 = vector.shape_cast %swap3A_171 : vector<1x16xf32> to vector<16xf32>
      %swap3A_173 = vector.shape_cast %get3A_168 : vector<16xf32> to vector<1x16xf32>
      tpu.vector_store %arg7[%swap3A_169, %swap3A_170], %swap3A_173 {strides = array<i32>} : memref<128x64xf32, #tpu.memory_space<vmem>>, vector<1x16xf32>,
      %get3A_174 = arith.constant 0 : i32
      %get3A_175 = arith.index_cast %get3A_174 : i32 to index
      %get3A_176 = arith.index_cast %scan3A_142 : i32 to index
      %get3A_177 = arith.constant 48 : index
      %get3A_178 = tpu.vector_load %arg6[%get3A_175, %get3A_176, %get3A_177] {strides = array<i32>} : memref<2x128x128xf32, #tpu.memory_space<vmem>>, vector<1x1x16xf32>,
      %get3A_179 = vector.shape_cast %get3A_178 : vector<1x1x16xf32> to vector<16xf32>
      %swap3A_180 = arith.index_cast %scan3A_142 : i32 to index
      %swap3A_181 = arith.constant 48 : index
      %swap3A_182 = tpu.vector_load %arg7[%swap3A_180, %swap3A_181] {strides = array<i32>} : memref<128x64xf32, #tpu.memory_space<vmem>>, vector<1x16xf32>,
      %swap3A_183 = vector.shape_cast %swap3A_182 : vector<1x16xf32> to vector<16xf32>
      %swap3A_184 = vector.shape_cast %get3A_179 : vector<16xf32> to vector<1x16xf32>
      tpu.vector_store %arg7[%swap3A_180, %swap3A_181], %swap3A_184 {strides = array<i32>} : memref<128x64xf32, #tpu.memory_space<vmem>>, vector<1x16xf32>,
    }
    %scan3A_121 = arith.constant 128 : i32
    %add3A_122 = arith.constant 256 : i32
    %add3A_123 = arith.addi %select_n3A_32, %add3A_122 : i32
    "tpu.region"() ({
      %run_scoped3A = tpu.sem_alloc : memref<!tpu.dma_semaphore, #tpu.memory_space<semaphore_mem>>
      %dma_start3A_142 = arith.constant 0 : i32
      %dma_start3A_143 = tpu.memref_slice %arg4[%select_n3A, %add3A_123, %dma_start3A_142] : memref<16x1024x64xf32, #tpu.memory_space<hbm>> -> memref<1x128x64xf32, #tpu.memory_space<hbm>>
      %dma_start3A_144 = tpu.memref_squeeze %dma_start3A_143 : memref<1x128x64xf32, #tpu.memory_space<hbm>> -> memref<128x64xf32, #tpu.memory_space<hbm>>
      %dma_start3A_145 = arith.constant 0 : i32
      %dma_start3A_146 = tpu.memref_slice %arg4[%select_n3A, %add3A_123, %dma_start3A_145] : memref<16x1024x64xf32, #tpu.memory_space<hbm>> -> memref<1x128x64xf32, #tpu.memory_space<hbm>>
      %dma_start3A_147 = tpu.memref_squeeze %dma_start3A_146 : memref<1x128x64xf32, #tpu.memory_space<hbm>> -> memref<128x64xf32, #tpu.memory_space<hbm>>
      tpu.enqueue_dma source(%arg7 : memref<128x64xf32, #tpu.memory_space<vmem>>) target(%dma_start3A_147 : memref<128x64xf32, #tpu.memory_space<hbm>>) target_semaphore(%run_scoped3A : memref<!tpu.dma_semaphore, #tpu.memory_space<semaphore_mem>>)
      %dma_wait3A_148 = arith.constant 0 : i32
      %dma_wait3A_149 = tpu.memref_slice %arg4[%select_n3A, %add3A_123, %dma_wait3A_148] : memref<16x1024x64xf32, #tpu.memory_space<hbm>> -> memref<1x128x64xf32, #tpu.memory_space<hbm>>
      %dma_wait3A_150 = tpu.memref_squeeze %dma_wait3A_149 : memref<1x128x64xf32, #tpu.memory_space<hbm>> -> memref<128x64xf32, #tpu.memory_space<hbm>>
      %dma_wait3A_151 = arith.constant 0 : i32
      %dma_wait3A_152 = tpu.memref_slice %arg4[%select_n3A, %add3A_123, %dma_wait3A_151] : memref<16x1024x64xf32, #tpu.memory_space<hbm>> -> memref<1x128x64xf32, #tpu.memory_space<hbm>>
      %dma_wait3A_153 = tpu.memref_squeeze %dma_wait3A_152 : memref<1x128x64xf32, #tpu.memory_space<hbm>> -> memref<128x64xf32, #tpu.memory_space<hbm>>
      tpu.wait_dma2 semaphore(%run_scoped3A : memref<!tpu.dma_semaphore, #tpu.memory_space<semaphore_mem>>) src(%arg7 : memref<128x64xf32, #tpu.memory_space<vmem>>) dst(%dma_wait3A_153 : memref<128x64xf32, #tpu.memory_space<hbm>>)
      tpu.yield
    }) : () -> ()
    %dma_wait3A_124 = arith.constant 1 : i32
    %dma_wait3A_125 = arith.constant 0 : i32
    %dma_wait3A_126 = arith.constant 0 : i32
    %dma_wait3A_127 = tpu.memref_slice %arg6[%dma_wait3A_124, %dma_wait3A_125, %dma_wait3A_126] : memref<2x128x128xf32, #tpu.memory_space<vmem>> -> memref<1x128x128xf32, #tpu.memory_space<vmem>>
    %dma_wait3A_128 = tpu.memref_squeeze %dma_wait3A_127 : memref<1x128x128xf32, #tpu.memory_space<vmem>> -> memref<128x128xf32, #tpu.memory_space<vmem>>
    %dma_wait3A_129 = arith.constant 384 : i32
    %dma_wait3A_130 = tpu.memref_slice %arg5[%dma_wait3A_129] : memref<512xi32, #tpu.memory_space<vmem>> -> memref<128xi32, #tpu.memory_space<vmem>>
    %dma_wait3A_131 = arith.constant 0 : i32
    %dma_wait3A_132 = arith.constant 0 : i32
    %dma_wait3A_133 = tpu.memref_slice %arg2[%dma_wait3A_131, %dma_wait3A_132] : memref<1152x128xf32, #tpu.memory_space<hbm>> -> memref<1152x128xf32, #tpu.memory_space<hbm>>
    tpu.wait_indirect_dma semaphore(%arg9 : memref<!tpu.dma_semaphore, #tpu.memory_space<semaphore_mem>>) src(%dma_wait3A_133 : memref<1152x128xf32, #tpu.memory_space<hbm>>) dst(%dma_wait3A_128 : memref<128x128xf32, #tpu.memory_space<vmem>>)
    %scan3A_134 = arith.constant 0 : i32
    %scan3A_135 = arith.constant 0 : i32
    %scan3A_136 = arith.constant 128 : i32
    %scan3A_137 = arith.addi %scan3A_135, %scan3A_136 : i32
    %scan3A_138 = arith.constant 1 : i32
    scf.for %scan3A_142 = %scan3A_135 to %scan3A_137 step %scan3A_138  : i32 {
      %get3A = arith.constant 1 : i32
      %get3A_143 = arith.index_cast %get3A : i32 to index
      %get3A_144 = arith.index_cast %scan3A_142 : i32 to index
      %get3A_145 = arith.constant 0 : index
      %get3A_146 = tpu.vector_load %arg6[%get3A_143, %get3A_144, %get3A_145] {strides = array<i32>} : memref<2x128x128xf32, #tpu.memory_space<vmem>>, vector<1x1x16xf32>,
      %get3A_147 = vector.shape_cast %get3A_146 : vector<1x1x16xf32> to vector<16xf32>
      %swap3A = arith.index_cast %scan3A_142 : i32 to index
      %swap3A_148 = arith.constant 0 : index
      %swap3A_149 = tpu.vector_load %arg7[%swap3A, %swap3A_148] {strides = array<i32>} : memref<128x64xf32, #tpu.memory_space<vmem>>, vector<1x16xf32>,
      %swap3A_150 = vector.shape_cast %swap3A_149 : vector<1x16xf32> to vector<16xf32>
      %swap3A_151 = vector.shape_cast %get3A_147 : vector<16xf32> to vector<1x16xf32>
      tpu.vector_store %arg7[%swap3A, %swap3A_148], %swap3A_151 {strides = array<i32>} : memref<128x64xf32, #tpu.memory_space<vmem>>, vector<1x16xf32>,
      %get3A_152 = arith.constant 1 : i32
      %get3A_153 = arith.index_cast %get3A_152 : i32 to index
      %get3A_154 = arith.index_cast %scan3A_142 : i32 to index
      %get3A_155 = arith.constant 16 : index
      %get3A_156 = tpu.vector_load %arg6[%get3A_153, %get3A_154, %get3A_155] {strides = array<i32>} : memref<2x128x128xf32, #tpu.memory_space<vmem>>, vector<1x1x16xf32>,
      %get3A_157 = vector.shape_cast %get3A_156 : vector<1x1x16xf32> to vector<16xf32>
      %swap3A_158 = arith.index_cast %scan3A_142 : i32 to index
      %swap3A_159 = arith.constant 16 : index
      %swap3A_160 = tpu.vector_load %arg7[%swap3A_158, %swap3A_159] {strides = array<i32>} : memref<128x64xf32, #tpu.memory_space<vmem>>, vector<1x16xf32>,
      %swap3A_161 = vector.shape_cast %swap3A_160 : vector<1x16xf32> to vector<16xf32>
      %swap3A_162 = vector.shape_cast %get3A_157 : vector<16xf32> to vector<1x16xf32>
      tpu.vector_store %arg7[%swap3A_158, %swap3A_159], %swap3A_162 {strides = array<i32>} : memref<128x64xf32, #tpu.memory_space<vmem>>, vector<1x16xf32>,
      %get3A_163 = arith.constant 1 : i32
      %get3A_164 = arith.index_cast %get3A_163 : i32 to index
      %get3A_165 = arith.index_cast %scan3A_142 : i32 to index
      %get3A_166 = arith.constant 32 : index
      %get3A_167 = tpu.vector_load %arg6[%get3A_164, %get3A_165, %get3A_166] {strides = array<i32>} : memref<2x128x128xf32, #tpu.memory_space<vmem>>, vector<1x1x16xf32>,
      %get3A_168 = vector.shape_cast %get3A_167 : vector<1x1x16xf32> to vector<16xf32>
      %swap3A_169 = arith.index_cast %scan3A_142 : i32 to index
      %swap3A_170 = arith.constant 32 : index
      %swap3A_171 = tpu.vector_load %arg7[%swap3A_169, %swap3A_170] {strides = array<i32>} : memref<128x64xf32, #tpu.memory_space<vmem>>, vector<1x16xf32>,
      %swap3A_172 = vector.shape_cast %swap3A_171 : vector<1x16xf32> to vector<16xf32>
      %swap3A_173 = vector.shape_cast %get3A_168 : vector<16xf32> to vector<1x16xf32>
      tpu.vector_store %arg7[%swap3A_169, %swap3A_170], %swap3A_173 {strides = array<i32>} : memref<128x64xf32, #tpu.memory_space<vmem>>, vector<1x16xf32>,
      %get3A_174 = arith.constant 1 : i32
      %get3A_175 = arith.index_cast %get3A_174 : i32 to index
      %get3A_176 = arith.index_cast %scan3A_142 : i32 to index
      %get3A_177 = arith.constant 48 : index
      %get3A_178 = tpu.vector_load %arg6[%get3A_175, %get3A_176, %get3A_177] {strides = array<i32>} : memref<2x128x128xf32, #tpu.memory_space<vmem>>, vector<1x1x16xf32>,
      %get3A_179 = vector.shape_cast %get3A_178 : vector<1x1x16xf32> to vector<16xf32>
      %swap3A_180 = arith.index_cast %scan3A_142 : i32 to index
      %swap3A_181 = arith.constant 48 : index
      %swap3A_182 = tpu.vector_load %arg7[%swap3A_180, %swap3A_181] {strides = array<i32>} : memref<128x64xf32, #tpu.memory_space<vmem>>, vector<1x16xf32>,
      %swap3A_183 = vector.shape_cast %swap3A_182 : vector<1x16xf32> to vector<16xf32>
      %swap3A_184 = vector.shape_cast %get3A_179 : vector<16xf32> to vector<1x16xf32>
      tpu.vector_store %arg7[%swap3A_180, %swap3A_181], %swap3A_184 {strides = array<i32>} : memref<128x64xf32, #tpu.memory_space<vmem>>, vector<1x16xf32>,
    }
    %scan3A_139 = arith.constant 128 : i32
    %add3A_140 = arith.constant 384 : i32
    %add3A_141 = arith.addi %select_n3A_32, %add3A_140 : i32
    "tpu.region"() ({
      %run_scoped3A = tpu.sem_alloc : memref<!tpu.dma_semaphore, #tpu.memory_space<semaphore_mem>>
      %dma_start3A_142 = arith.constant 0 : i32
      %dma_start3A_143 = tpu.memref_slice %arg4[%select_n3A, %add3A_141, %dma_start3A_142] : memref<16x1024x64xf32, #tpu.memory_space<hbm>> -> memref<1x128x64xf32, #tpu.memory_space<hbm>>
      %dma_start3A_144 = tpu.memref_squeeze %dma_start3A_143 : memref<1x128x64xf32, #tpu.memory_space<hbm>> -> memref<128x64xf32, #tpu.memory_space<hbm>>
      %dma_start3A_145 = arith.constant 0 : i32
      %dma_start3A_146 = tpu.memref_slice %arg4[%select_n3A, %add3A_141, %dma_start3A_145] : memref<16x1024x64xf32, #tpu.memory_space<hbm>> -> memref<1x128x64xf32, #tpu.memory_space<hbm>>
      %dma_start3A_147 = tpu.memref_squeeze %dma_start3A_146 : memref<1x128x64xf32, #tpu.memory_space<hbm>> -> memref<128x64xf32, #tpu.memory_space<hbm>>
      tpu.enqueue_dma source(%arg7 : memref<128x64xf32, #tpu.memory_space<vmem>>) target(%dma_start3A_147 : memref<128x64xf32, #tpu.memory_space<hbm>>) target_semaphore(%run_scoped3A : memref<!tpu.dma_semaphore, #tpu.memory_space<semaphore_mem>>)
      %dma_wait3A_148 = arith.constant 0 : i32
      %dma_wait3A_149 = tpu.memref_slice %arg4[%select_n3A, %add3A_141, %dma_wait3A_148] : memref<16x1024x64xf32, #tpu.memory_space<hbm>> -> memref<1x128x64xf32, #tpu.memory_space<hbm>>
      %dma_wait3A_150 = tpu.memref_squeeze %dma_wait3A_149 : memref<1x128x64xf32, #tpu.memory_space<hbm>> -> memref<128x64xf32, #tpu.memory_space<hbm>>
      %dma_wait3A_151 = arith.constant 0 : i32
      %dma_wait3A_152 = tpu.memref_slice %arg4[%select_n3A, %add3A_141, %dma_wait3A_151] : memref<16x1024x64xf32, #tpu.memory_space<hbm>> -> memref<1x128x64xf32, #tpu.memory_space<hbm>>
      %dma_wait3A_153 = tpu.memref_squeeze %dma_wait3A_152 : memref<1x128x64xf32, #tpu.memory_space<hbm>> -> memref<128x64xf32, #tpu.memory_space<hbm>>
      tpu.wait_dma2 semaphore(%run_scoped3A : memref<!tpu.dma_semaphore, #tpu.memory_space<semaphore_mem>>) src(%arg7 : memref<128x64xf32, #tpu.memory_space<vmem>>) dst(%dma_wait3A_153 : memref<128x64xf32, #tpu.memory_space<hbm>>)
      tpu.yield
    }) : () -> ()
    return
  }
}

#map = affine_map<(d0, d1) -> (0, 0)>
#map1 = affine_map<(d0, d1) -> (0)>
#map2 = affine_map<(d0, d1) -> (0, 0, 0)>
module attributes {stable_mosaic.version = 14 : i64} {
  func.func @_gather_body(%arg0: i32, %arg1: i32, %arg2: memref<1152x128xf32, #tpu.memory_space<hbm>>, %arg3: memref<16384xi32, #tpu.memory_space<hbm>>, %arg4: memref<16x1024x64xf32, #tpu.memory_space<hbm>>, %arg5: memref<512xi32, #tpu.memory_space<vmem>>, %arg6: memref<2x128x128xf32, #tpu.memory_space<vmem>>, %arg7: memref<128x64xf32, #tpu.memory_space<vmem>>, %arg8: memref<!tpu.dma_semaphore, #tpu.memory_space<semaphore_mem>>, %arg9: memref<!tpu.dma_semaphore, #tpu.memory_space<semaphore_mem>>) attributes {dimension_semantics = [#tpu.dimension_semantics<core_parallel>, #tpu.dimension_semantics<subcore_parallel>], iteration_bounds = array<i64: 2, 16>, scalar_prefetch = 0 : i64, scratch_operands = 5 : i64, tpu.core_type = #tpu.core_type<sc_vector_subcore>, window_params = [{transform_indices = #map}, {transform_indices = #map1}, {transform_indices = #map2}]} {
    %mul3A = arith.constant 2 : i32
    %mul3A_0 = arith.muli %arg1, %mul3A : i32
    %add3A = arith.addi %mul3A_0, %arg0 : i32
    %mul3A_1 = arith.constant 512 : i32
    %mul3A_2 = arith.muli %add3A, %mul3A_1 : i32
    %jit3A = arith.constant 1024 : i32
    %div3A = arith.divsi %mul3A_2, %jit3A : i32
    %sign3A = arith.constant 0 : i32
    %sign3A_3 = arith.cmpi sgt, %mul3A_2, %sign3A : i32
    %sign3A_4 = arith.extui %sign3A_3 : i1 to i32
    %sign3A_5 = arith.constant 0 : i32
    %sign3A_6 = arith.cmpi slt, %mul3A_2, %sign3A_5 : i32
    %sign3A_7 = arith.extui %sign3A_6 : i1 to i32
    %sign3A_8 = arith.subi %sign3A_4, %sign3A_7 : i32
    %sign3A_9 = arith.constant 0 : i32
    %sign3A_10 = arith.cmpi sgt, %jit3A, %sign3A_9 : i32
    %sign3A_11 = arith.extui %sign3A_10 : i1 to i32
    %sign3A_12 = arith.constant 0 : i32
    %sign3A_13 = arith.cmpi slt, %jit3A, %sign3A_12 : i32
    %sign3A_14 = arith.extui %sign3A_13 : i1 to i32
    %sign3A_15 = arith.subi %sign3A_11, %sign3A_14 : i32
    %ne3A = arith.cmpi ne, %sign3A_8, %sign3A_15 : i32
    %rem3A = arith.remsi %mul3A_2, %jit3A : i32
    %ne3A_16 = arith.constant 0 : i32
    %ne3A_17 = arith.cmpi ne, %rem3A, %ne3A_16 : i32
    %and3A = arith.andi %ne3A, %ne3A_17 : i1
    %sub3A = arith.constant 1 : i32
    %sub3A_18 = arith.subi %div3A, %sub3A : i32
    %select_n3A = arith.select %and3A, %sub3A_18, %div3A : i32
    %jit3A_19 = arith.constant 1024 : i32
    %eq3A = arith.constant 0 : i32
    %eq3A_20 = arith.cmpi eq, %jit3A_19, %eq3A : i32
    %jit3A_21 = arith.constant 1 : i32
    %select_n3A_22 = arith.select %eq3A_20, %jit3A_21, %jit3A_19 : i32
    %rem3A_23 = arith.remsi %mul3A_2, %select_n3A_22 : i32
    %ne3A_24 = arith.constant 0 : i32
    %ne3A_25 = arith.cmpi ne, %rem3A_23, %ne3A_24 : i32
    %lt3A = arith.constant 0 : i32
    %lt3A_26 = arith.cmpi slt, %rem3A_23, %lt3A : i32
    %lt3A_27 = arith.constant 0 : i32
    %lt3A_28 = arith.cmpi slt, %select_n3A_22, %lt3A_27 : i32
    %ne3A_29 = arith.xori %lt3A_26, %lt3A_28 : i1
    %and3A_30 = arith.andi %ne3A_29, %ne3A_25 : i1
    %add3A_31 = arith.addi %rem3A_23, %select_n3A_22 : i32
    %select_n3A_32 = arith.select %and3A_30, %add3A_31, %rem3A_23 : i32
    "tpu.region"() ({
      %run_scoped3A = tpu.sem_alloc : memref<!tpu.dma_semaphore, #tpu.memory_space<semaphore_mem>>
      %dma_start3A_142 = tpu.memref_slice %arg3[%mul3A_2] : memref<16384xi32, #tpu.memory_space<hbm>> -> memref<512xi32, #tpu.memory_space<hbm>>
      %dma_start3A_143 = tpu.memref_slice %arg3[%mul3A_2] : memref<16384xi32, #tpu.memory_space<hbm>> -> memref<512xi32, #tpu.memory_space<hbm>>
      tpu.enqueue_dma source(%dma_start3A_143 : memref<512xi32, #tpu.memory_space<hbm>>) target(%arg5 : memref<512xi32, #tpu.memory_space<vmem>>) target_semaphore(%run_scoped3A : memref<!tpu.dma_semaphore, #tpu.memory_space<semaphore_mem>>)
      %dma_wait3A_144 = tpu.memref_slice %arg3[%mul3A_2] : memref<16384xi32, #tpu.memory_space<hbm>> -> memref<512xi32, #tpu.memory_space<hbm>>
      %dma_wait3A_145 = tpu.memref_slice %arg3[%mul3A_2] : memref<16384xi32, #tpu.memory_space<hbm>> -> memref<512xi32, #tpu.memory_space<hbm>>
      tpu.wait_dma2 semaphore(%run_scoped3A : memref<!tpu.dma_semaphore, #tpu.memory_space<semaphore_mem>>) src(%dma_wait3A_145 : memref<512xi32, #tpu.memory_space<hbm>>) dst(%arg5 : memref<512xi32, #tpu.memory_space<vmem>>)
      tpu.yield
    }) : () -> ()
    %dma_start3A = arith.constant 0 : i32
    %dma_start3A_33 = arith.constant 0 : i32
    %dma_start3A_34 = arith.constant 0 : i32
    %dma_start3A_35 = tpu.memref_slice %arg6[%dma_start3A, %dma_start3A_33, %dma_start3A_34] : memref<2x128x128xf32, #tpu.memory_space<vmem>> -> memref<1x128x128xf32, #tpu.memory_space<vmem>>
    %dma_start3A_36 = tpu.memref_squeeze %dma_start3A_35 : memref<1x128x128xf32, #tpu.memory_space<vmem>> -> memref<128x128xf32, #tpu.memory_space<vmem>>
    %dma_start3A_37 = arith.constant 0 : i32
    %dma_start3A_38 = tpu.memref_slice %arg5[%dma_start3A_37] : memref<512xi32, #tpu.memory_space<vmem>> -> memref<128xi32, #tpu.memory_space<vmem>>
    %dma_start3A_39 = arith.constant 0 : i32
    %dma_start3A_40 = arith.constant 0 : i32
    %dma_start3A_41 = tpu.memref_slice %arg2[%dma_start3A_39, %dma_start3A_40] : memref<1152x128xf32, #tpu.memory_space<hbm>> -> memref<1152x128xf32, #tpu.memory_space<hbm>>
    tpu.enqueue_indirect_dma source(%dma_start3A_41 : memref<1152x128xf32, #tpu.memory_space<hbm>>) target(%dma_start3A_36 : memref<128x128xf32, #tpu.memory_space<vmem>>) offsets(%dma_start3A_38 : memref<128xi32, #tpu.memory_space<vmem>>) semaphore(%arg8 : memref<!tpu.dma_semaphore, #tpu.memory_space<semaphore_mem>>)
    %dma_start3A_42 = arith.constant 1 : i32
    %dma_start3A_43 = arith.constant 0 : i32
    %dma_start3A_44 = arith.constant 0 : i32
    %dma_start3A_45 = tpu.memref_slice %arg6[%dma_start3A_42, %dma_start3A_43, %dma_start3A_44] : memref<2x128x128xf32, #tpu.memory_space<vmem>> -> memref<1x128x128xf32, #tpu.memory_space<vmem>>
    %dma_start3A_46 = tpu.memref_squeeze %dma_start3A_45 : memref<1x128x128xf32, #tpu.memory_space<vmem>> -> memref<128x128xf32, #tpu.memory_space<vmem>>
    %dma_start3A_47 = arith.constant 128 : i32
    %dma_start3A_48 = tpu.memref_slice %arg5[%dma_start3A_47] : memref<512xi32, #tpu.memory_space<vmem>> -> memref<128xi32, #tpu.memory_space<vmem>>
    %dma_start3A_49 = arith.constant 0 : i32
    %dma_start3A_50 = arith.constant 0 : i32
    %dma_start3A_51 = tpu.memref_slice %arg2[%dma_start3A_49, %dma_start3A_50] : memref<1152x128xf32, #tpu.memory_space<hbm>> -> memref<1152x128xf32, #tpu.memory_space<hbm>>
    tpu.enqueue_indirect_dma source(%dma_start3A_51 : memref<1152x128xf32, #tpu.memory_space<hbm>>) target(%dma_start3A_46 : memref<128x128xf32, #tpu.memory_space<vmem>>) offsets(%dma_start3A_48 : memref<128xi32, #tpu.memory_space<vmem>>) semaphore(%arg9 : memref<!tpu.dma_semaphore, #tpu.memory_space<semaphore_mem>>)
    %dma_wait3A = arith.constant 0 : i32
    %dma_wait3A_52 = arith.constant 0 : i32
    %dma_wait3A_53 = arith.constant 0 : i32
    %dma_wait3A_54 = tpu.memref_slice %arg6[%dma_wait3A, %dma_wait3A_52, %dma_wait3A_53] : memref<2x128x128xf32, #tpu.memory_space<vmem>> -> memref<1x128x128xf32, #tpu.memory_space<vmem>>
    %dma_wait3A_55 = tpu.memref_squeeze %dma_wait3A_54 : memref<1x128x128xf32, #tpu.memory_space<vmem>> -> memref<128x128xf32, #tpu.memory_space<vmem>>
    %dma_wait3A_56 = arith.constant 0 : i32
    %dma_wait3A_57 = tpu.memref_slice %arg5[%dma_wait3A_56] : memref<512xi32, #tpu.memory_space<vmem>> -> memref<128xi32, #tpu.memory_space<vmem>>
    %dma_wait3A_58 = arith.constant 0 : i32
    %dma_wait3A_59 = arith.constant 0 : i32
    %dma_wait3A_60 = tpu.memref_slice %arg2[%dma_wait3A_58, %dma_wait3A_59] : memref<1152x128xf32, #tpu.memory_space<hbm>> -> memref<1152x128xf32, #tpu.memory_space<hbm>>
    tpu.wait_indirect_dma semaphore(%arg8 : memref<!tpu.dma_semaphore, #tpu.memory_space<semaphore_mem>>) src(%dma_wait3A_60 : memref<1152x128xf32, #tpu.memory_space<hbm>>) dst(%dma_wait3A_55 : memref<128x128xf32, #tpu.memory_space<vmem>>)
    %scan3A = arith.constant 0 : i32
    %scan3A_61 = arith.constant 0 : i32
    %scan3A_62 = arith.constant 128 : i32
    %scan3A_63 = arith.addi %scan3A_61, %scan3A_62 : i32
    %scan3A_64 = arith.constant 1 : i32
    scf.for %scan3A_142 = %scan3A_61 to %scan3A_63 step %scan3A_64  : i32 {
      %get3A = arith.constant 0 : i32
      %get3A_143 = arith.index_cast %get3A : i32 to index
      %get3A_144 = arith.index_cast %scan3A_142 : i32 to index
      %get3A_145 = arith.constant 0 : index
      %get3A_146 = tpu.vector_load %arg6[%get3A_143, %get3A_144, %get3A_145] {strides = array<i32>} : memref<2x128x128xf32, #tpu.memory_space<vmem>>, vector<1x1x16xf32>,
      %get3A_147 = vector.shape_cast %get3A_146 : vector<1x1x16xf32> to vector<16xf32>
      %swap3A = arith.index_cast %scan3A_142 : i32 to index
      %swap3A_148 = arith.constant 0 : index
      %swap3A_149 = tpu.vector_load %arg7[%swap3A, %swap3A_148] {strides = array<i32>} : memref<128x64xf32, #tpu.memory_space<vmem>>, vector<1x16xf32>,
      %swap3A_150 = vector.shape_cast %swap3A_149 : vector<1x16xf32> to vector<16xf32>
      %swap3A_151 = vector.shape_cast %get3A_147 : vector<16xf32> to vector<1x16xf32>
      tpu.vector_store %arg7[%swap3A, %swap3A_148], %swap3A_151 {strides = array<i32>} : memref<128x64xf32, #tpu.memory_space<vmem>>, vector<1x16xf32>,
      %get3A_152 = arith.constant 0 : i32
      %get3A_153 = arith.index_cast %get3A_152 : i32 to index
      %get3A_154 = arith.index_cast %scan3A_142 : i32 to index
      %get3A_155 = arith.constant 16 : index
      %get3A_156 = tpu.vector_load %arg6[%get3A_153, %get3A_154, %get3A_155] {strides = array<i32>} : memref<2x128x128xf32, #tpu.memory_space<vmem>>, vector<1x1x16xf32>,
      %get3A_157 = vector.shape_cast %get3A_156 : vector<1x1x16xf32> to vector<16xf32>
      %swap3A_158 = arith.index_cast %scan3A_142 : i32 to index
      %swap3A_159 = arith.constant 16 : index
      %swap3A_160 = tpu.vector_load %arg7[%swap3A_158, %swap3A_159] {strides = array<i32>} : memref<128x64xf32, #tpu.memory_space<vmem>>, vector<1x16xf32>,
      %swap3A_161 = vector.shape_cast %swap3A_160 : vector<1x16xf32> to vector<16xf32>
      %swap3A_162 = vector.shape_cast %get3A_157 : vector<16xf32> to vector<1x16xf32>
      tpu.vector_store %arg7[%swap3A_158, %swap3A_159], %swap3A_162 {strides = array<i32>} : memref<128x64xf32, #tpu.memory_space<vmem>>, vector<1x16xf32>,
      %get3A_163 = arith.constant 0 : i32
      %get3A_164 = arith.index_cast %get3A_163 : i32 to index
      %get3A_165 = arith.index_cast %scan3A_142 : i32 to index
      %get3A_166 = arith.constant 32 : index
      %get3A_167 = tpu.vector_load %arg6[%get3A_164, %get3A_165, %get3A_166] {strides = array<i32>} : memref<2x128x128xf32, #tpu.memory_space<vmem>>, vector<1x1x16xf32>,
      %get3A_168 = vector.shape_cast %get3A_167 : vector<1x1x16xf32> to vector<16xf32>
      %swap3A_169 = arith.index_cast %scan3A_142 : i32 to index
      %swap3A_170 = arith.constant 32 : index
      %swap3A_171 = tpu.vector_load %arg7[%swap3A_169, %swap3A_170] {strides = array<i32>} : memref<128x64xf32, #tpu.memory_space<vmem>>, vector<1x16xf32>,
      %swap3A_172 = vector.shape_cast %swap3A_171 : vector<1x16xf32> to vector<16xf32>
      %swap3A_173 = vector.shape_cast %get3A_168 : vector<16xf32> to vector<1x16xf32>
      tpu.vector_store %arg7[%swap3A_169, %swap3A_170], %swap3A_173 {strides = array<i32>} : memref<128x64xf32, #tpu.memory_space<vmem>>, vector<1x16xf32>,
      %get3A_174 = arith.constant 0 : i32
      %get3A_175 = arith.index_cast %get3A_174 : i32 to index
      %get3A_176 = arith.index_cast %scan3A_142 : i32 to index
      %get3A_177 = arith.constant 48 : index
      %get3A_178 = tpu.vector_load %arg6[%get3A_175, %get3A_176, %get3A_177] {strides = array<i32>} : memref<2x128x128xf32, #tpu.memory_space<vmem>>, vector<1x1x16xf32>,
      %get3A_179 = vector.shape_cast %get3A_178 : vector<1x1x16xf32> to vector<16xf32>
      %swap3A_180 = arith.index_cast %scan3A_142 : i32 to index
      %swap3A_181 = arith.constant 48 : index
      %swap3A_182 = tpu.vector_load %arg7[%swap3A_180, %swap3A_181] {strides = array<i32>} : memref<128x64xf32, #tpu.memory_space<vmem>>, vector<1x16xf32>,
      %swap3A_183 = vector.shape_cast %swap3A_182 : vector<1x16xf32> to vector<16xf32>
      %swap3A_184 = vector.shape_cast %get3A_179 : vector<16xf32> to vector<1x16xf32>
      tpu.vector_store %arg7[%swap3A_180, %swap3A_181], %swap3A_184 {strides = array<i32>} : memref<128x64xf32, #tpu.memory_space<vmem>>, vector<1x16xf32>,
    }
    %scan3A_65 = arith.constant 128 : i32
    %add3A_66 = arith.constant 0 : i32
    %add3A_67 = arith.addi %select_n3A_32, %add3A_66 : i32
    "tpu.region"() ({
      %run_scoped3A = tpu.sem_alloc : memref<!tpu.dma_semaphore, #tpu.memory_space<semaphore_mem>>
      %dma_start3A_142 = arith.constant 0 : i32
      %dma_start3A_143 = tpu.memref_slice %arg4[%select_n3A, %add3A_67, %dma_start3A_142] : memref<16x1024x64xf32, #tpu.memory_space<hbm>> -> memref<1x128x64xf32, #tpu.memory_space<hbm>>
      %dma_start3A_144 = tpu.memref_squeeze %dma_start3A_143 : memref<1x128x64xf32, #tpu.memory_space<hbm>> -> memref<128x64xf32, #tpu.memory_space<hbm>>
      %dma_start3A_145 = arith.constant 0 : i32
      %dma_start3A_146 = tpu.memref_slice %arg4[%select_n3A, %add3A_67, %dma_start3A_145] : memref<16x1024x64xf32, #tpu.memory_space<hbm>> -> memref<1x128x64xf32, #tpu.memory_space<hbm>>
      %dma_start3A_147 = tpu.memref_squeeze %dma_start3A_146 : memref<1x128x64xf32, #tpu.memory_space<hbm>> -> memref<128x64xf32, #tpu.memory_space<hbm>>
      tpu.enqueue_dma source(%arg7 : memref<128x64xf32, #tpu.memory_space<vmem>>) target(%dma_start3A_147 : memref<128x64xf32, #tpu.memory_space<hbm>>) target_semaphore(%run_scoped3A : memref<!tpu.dma_semaphore, #tpu.memory_space<semaphore_mem>>)
      %dma_wait3A_148 = arith.constant 0 : i32
      %dma_wait3A_149 = tpu.memref_slice %arg4[%select_n3A, %add3A_67, %dma_wait3A_148] : memref<16x1024x64xf32, #tpu.memory_space<hbm>> -> memref<1x128x64xf32, #tpu.memory_space<hbm>>
      %dma_wait3A_150 = tpu.memref_squeeze %dma_wait3A_149 : memref<1x128x64xf32, #tpu.memory_space<hbm>> -> memref<128x64xf32, #tpu.memory_space<hbm>>
      %dma_wait3A_151 = arith.constant 0 : i32
      %dma_wait3A_152 = tpu.memref_slice %arg4[%select_n3A, %add3A_67, %dma_wait3A_151] : memref<16x1024x64xf32, #tpu.memory_space<hbm>> -> memref<1x128x64xf32, #tpu.memory_space<hbm>>
      %dma_wait3A_153 = tpu.memref_squeeze %dma_wait3A_152 : memref<1x128x64xf32, #tpu.memory_space<hbm>> -> memref<128x64xf32, #tpu.memory_space<hbm>>
      tpu.wait_dma2 semaphore(%run_scoped3A : memref<!tpu.dma_semaphore, #tpu.memory_space<semaphore_mem>>) src(%arg7 : memref<128x64xf32, #tpu.memory_space<vmem>>) dst(%dma_wait3A_153 : memref<128x64xf32, #tpu.memory_space<hbm>>)
      tpu.yield
    }) : () -> ()
    %dma_start3A_68 = arith.constant 0 : i32
    %dma_start3A_69 = arith.constant 0 : i32
    %dma_start3A_70 = arith.constant 0 : i32
    %dma_start3A_71 = tpu.memref_slice %arg6[%dma_start3A_68, %dma_start3A_69, %dma_start3A_70] : memref<2x128x128xf32, #tpu.memory_space<vmem>> -> memref<1x128x128xf32, #tpu.memory_space<vmem>>
    %dma_start3A_72 = tpu.memref_squeeze %dma_start3A_71 : memref<1x128x128xf32, #tpu.memory_space<vmem>> -> memref<128x128xf32, #tpu.memory_space<vmem>>
    %dma_start3A_73 = arith.constant 256 : i32
    %dma_start3A_74 = tpu.memref_slice %arg5[%dma_start3A_73] : memref<512xi32, #tpu.memory_space<vmem>> -> memref<128xi32, #tpu.memory_space<vmem>>
    %dma_start3A_75 = arith.constant 0 : i32
    %dma_start3A_76 = arith.constant 0 : i32
    %dma_start3A_77 = tpu.memref_slice %arg2[%dma_start3A_75, %dma_start3A_76] : memref<1152x128xf32, #tpu.memory_space<hbm>> -> memref<1152x128xf32, #tpu.memory_space<hbm>>
    tpu.enqueue_indirect_dma source(%dma_start3A_77 : memref<1152x128xf32, #tpu.memory_space<hbm>>) target(%dma_start3A_72 : memref<128x128xf32, #tpu.memory_space<vmem>>) offsets(%dma_start3A_74 : memref<128xi32, #tpu.memory_space<vmem>>) semaphore(%arg8 : memref<!tpu.dma_semaphore, #tpu.memory_space<semaphore_mem>>)
    %dma_wait3A_78 = arith.constant 1 : i32
    %dma_wait3A_79 = arith.constant 0 : i32
    %dma_wait3A_80 = arith.constant 0 : i32
    %dma_wait3A_81 = tpu.memref_slice %arg6[%dma_wait3A_78, %dma_wait3A_79, %dma_wait3A_80] : memref<2x128x128xf32, #tpu.memory_space<vmem>> -> memref<1x128x128xf32, #tpu.memory_space<vmem>>
    %dma_wait3A_82 = tpu.memref_squeeze %dma_wait3A_81 : memref<1x128x128xf32, #tpu.memory_space<vmem>> -> memref<128x128xf32, #tpu.memory_space<vmem>>
    %dma_wait3A_83 = arith.constant 128 : i32
    %dma_wait3A_84 = tpu.memref_slice %arg5[%dma_wait3A_83] : memref<512xi32, #tpu.memory_space<vmem>> -> memref<128xi32, #tpu.memory_space<vmem>>
    %dma_wait3A_85 = arith.constant 0 : i32
    %dma_wait3A_86 = arith.constant 0 : i32
    %dma_wait3A_87 = tpu.memref_slice %arg2[%dma_wait3A_85, %dma_wait3A_86] : memref<1152x128xf32, #tpu.memory_space<hbm>> -> memref<1152x128xf32, #tpu.memory_space<hbm>>
    tpu.wait_indirect_dma semaphore(%arg9 : memref<!tpu.dma_semaphore, #tpu.memory_space<semaphore_mem>>) src(%dma_wait3A_87 : memref<1152x128xf32, #tpu.memory_space<hbm>>) dst(%dma_wait3A_82 : memref<128x128xf32, #tpu.memory_space<vmem>>)
    %scan3A_88 = arith.constant 0 : i32
    %scan3A_89 = arith.constant 0 : i32
    %scan3A_90 = arith.constant 128 : i32
    %scan3A_91 = arith.addi %scan3A_89, %scan3A_90 : i32
    %scan3A_92 = arith.constant 1 : i32
    scf.for %scan3A_142 = %scan3A_89 to %scan3A_91 step %scan3A_92  : i32 {
      %get3A = arith.constant 1 : i32
      %get3A_143 = arith.index_cast %get3A : i32 to index
      %get3A_144 = arith.index_cast %scan3A_142 : i32 to index
      %get3A_145 = arith.constant 0 : index
      %get3A_146 = tpu.vector_load %arg6[%get3A_143, %get3A_144, %get3A_145] {strides = array<i32>} : memref<2x128x128xf32, #tpu.memory_space<vmem>>, vector<1x1x16xf32>,
      %get3A_147 = vector.shape_cast %get3A_146 : vector<1x1x16xf32> to vector<16xf32>
      %swap3A = arith.index_cast %scan3A_142 : i32 to index
      %swap3A_148 = arith.constant 0 : index
      %swap3A_149 = tpu.vector_load %arg7[%swap3A, %swap3A_148] {strides = array<i32>} : memref<128x64xf32, #tpu.memory_space<vmem>>, vector<1x16xf32>,
      %swap3A_150 = vector.shape_cast %swap3A_149 : vector<1x16xf32> to vector<16xf32>
      %swap3A_151 = vector.shape_cast %get3A_147 : vector<16xf32> to vector<1x16xf32>
      tpu.vector_store %arg7[%swap3A, %swap3A_148], %swap3A_151 {strides = array<i32>} : memref<128x64xf32, #tpu.memory_space<vmem>>, vector<1x16xf32>,
      %get3A_152 = arith.constant 1 : i32
      %get3A_153 = arith.index_cast %get3A_152 : i32 to index
      %get3A_154 = arith.index_cast %scan3A_142 : i32 to index
      %get3A_155 = arith.constant 16 : index
      %get3A_156 = tpu.vector_load %arg6[%get3A_153, %get3A_154, %get3A_155] {strides = array<i32>} : memref<2x128x128xf32, #tpu.memory_space<vmem>>, vector<1x1x16xf32>,
      %get3A_157 = vector.shape_cast %get3A_156 : vector<1x1x16xf32> to vector<16xf32>
      %swap3A_158 = arith.index_cast %scan3A_142 : i32 to index
      %swap3A_159 = arith.constant 16 : index
      %swap3A_160 = tpu.vector_load %arg7[%swap3A_158, %swap3A_159] {strides = array<i32>} : memref<128x64xf32, #tpu.memory_space<vmem>>, vector<1x16xf32>,
      %swap3A_161 = vector.shape_cast %swap3A_160 : vector<1x16xf32> to vector<16xf32>
      %swap3A_162 = vector.shape_cast %get3A_157 : vector<16xf32> to vector<1x16xf32>
      tpu.vector_store %arg7[%swap3A_158, %swap3A_159], %swap3A_162 {strides = array<i32>} : memref<128x64xf32, #tpu.memory_space<vmem>>, vector<1x16xf32>,
      %get3A_163 = arith.constant 1 : i32
      %get3A_164 = arith.index_cast %get3A_163 : i32 to index
      %get3A_165 = arith.index_cast %scan3A_142 : i32 to index
      %get3A_166 = arith.constant 32 : index
      %get3A_167 = tpu.vector_load %arg6[%get3A_164, %get3A_165, %get3A_166] {strides = array<i32>} : memref<2x128x128xf32, #tpu.memory_space<vmem>>, vector<1x1x16xf32>,
      %get3A_168 = vector.shape_cast %get3A_167 : vector<1x1x16xf32> to vector<16xf32>
      %swap3A_169 = arith.index_cast %scan3A_142 : i32 to index
      %swap3A_170 = arith.constant 32 : index
      %swap3A_171 = tpu.vector_load %arg7[%swap3A_169, %swap3A_170] {strides = array<i32>} : memref<128x64xf32, #tpu.memory_space<vmem>>, vector<1x16xf32>,
      %swap3A_172 = vector.shape_cast %swap3A_171 : vector<1x16xf32> to vector<16xf32>
      %swap3A_173 = vector.shape_cast %get3A_168 : vector<16xf32> to vector<1x16xf32>
      tpu.vector_store %arg7[%swap3A_169, %swap3A_170], %swap3A_173 {strides = array<i32>} : memref<128x64xf32, #tpu.memory_space<vmem>>, vector<1x16xf32>,
      %get3A_174 = arith.constant 1 : i32
      %get3A_175 = arith.index_cast %get3A_174 : i32 to index
      %get3A_176 = arith.index_cast %scan3A_142 : i32 to index
      %get3A_177 = arith.constant 48 : index
      %get3A_178 = tpu.vector_load %arg6[%get3A_175, %get3A_176, %get3A_177] {strides = array<i32>} : memref<2x128x128xf32, #tpu.memory_space<vmem>>, vector<1x1x16xf32>,
      %get3A_179 = vector.shape_cast %get3A_178 : vector<1x1x16xf32> to vector<16xf32>
      %swap3A_180 = arith.index_cast %scan3A_142 : i32 to index
      %swap3A_181 = arith.constant 48 : index
      %swap3A_182 = tpu.vector_load %arg7[%swap3A_180, %swap3A_181] {strides = array<i32>} : memref<128x64xf32, #tpu.memory_space<vmem>>, vector<1x16xf32>,
      %swap3A_183 = vector.shape_cast %swap3A_182 : vector<1x16xf32> to vector<16xf32>
      %swap3A_184 = vector.shape_cast %get3A_179 : vector<16xf32> to vector<1x16xf32>
      tpu.vector_store %arg7[%swap3A_180, %swap3A_181], %swap3A_184 {strides = array<i32>} : memref<128x64xf32, #tpu.memory_space<vmem>>, vector<1x16xf32>,
    }
    %scan3A_93 = arith.constant 128 : i32
    %add3A_94 = arith.constant 128 : i32
    %add3A_95 = arith.addi %select_n3A_32, %add3A_94 : i32
    "tpu.region"() ({
      %run_scoped3A = tpu.sem_alloc : memref<!tpu.dma_semaphore, #tpu.memory_space<semaphore_mem>>
      %dma_start3A_142 = arith.constant 0 : i32
      %dma_start3A_143 = tpu.memref_slice %arg4[%select_n3A, %add3A_95, %dma_start3A_142] : memref<16x1024x64xf32, #tpu.memory_space<hbm>> -> memref<1x128x64xf32, #tpu.memory_space<hbm>>
      %dma_start3A_144 = tpu.memref_squeeze %dma_start3A_143 : memref<1x128x64xf32, #tpu.memory_space<hbm>> -> memref<128x64xf32, #tpu.memory_space<hbm>>
      %dma_start3A_145 = arith.constant 0 : i32
      %dma_start3A_146 = tpu.memref_slice %arg4[%select_n3A, %add3A_95, %dma_start3A_145] : memref<16x1024x64xf32, #tpu.memory_space<hbm>> -> memref<1x128x64xf32, #tpu.memory_space<hbm>>
      %dma_start3A_147 = tpu.memref_squeeze %dma_start3A_146 : memref<1x128x64xf32, #tpu.memory_space<hbm>> -> memref<128x64xf32, #tpu.memory_space<hbm>>
      tpu.enqueue_dma source(%arg7 : memref<128x64xf32, #tpu.memory_space<vmem>>) target(%dma_start3A_147 : memref<128x64xf32, #tpu.memory_space<hbm>>) target_semaphore(%run_scoped3A : memref<!tpu.dma_semaphore, #tpu.memory_space<semaphore_mem>>)
      %dma_wait3A_148 = arith.constant 0 : i32
      %dma_wait3A_149 = tpu.memref_slice %arg4[%select_n3A, %add3A_95, %dma_wait3A_148] : memref<16x1024x64xf32, #tpu.memory_space<hbm>> -> memref<1x128x64xf32, #tpu.memory_space<hbm>>
      %dma_wait3A_150 = tpu.memref_squeeze %dma_wait3A_149 : memref<1x128x64xf32, #tpu.memory_space<hbm>> -> memref<128x64xf32, #tpu.memory_space<hbm>>
      %dma_wait3A_151 = arith.constant 0 : i32
      %dma_wait3A_152 = tpu.memref_slice %arg4[%select_n3A, %add3A_95, %dma_wait3A_151] : memref<16x1024x64xf32, #tpu.memory_space<hbm>> -> memref<1x128x64xf32, #tpu.memory_space<hbm>>
      %dma_wait3A_153 = tpu.memref_squeeze %dma_wait3A_152 : memref<1x128x64xf32, #tpu.memory_space<hbm>> -> memref<128x64xf32, #tpu.memory_space<hbm>>
      tpu.wait_dma2 semaphore(%run_scoped3A : memref<!tpu.dma_semaphore, #tpu.memory_space<semaphore_mem>>) src(%arg7 : memref<128x64xf32, #tpu.memory_space<vmem>>) dst(%dma_wait3A_153 : memref<128x64xf32, #tpu.memory_space<hbm>>)
      tpu.yield
    }) : () -> ()
    %dma_start3A_96 = arith.constant 1 : i32
    %dma_start3A_97 = arith.constant 0 : i32
    %dma_start3A_98 = arith.constant 0 : i32
    %dma_start3A_99 = tpu.memref_slice %arg6[%dma_start3A_96, %dma_start3A_97, %dma_start3A_98] : memref<2x128x128xf32, #tpu.memory_space<vmem>> -> memref<1x128x128xf32, #tpu.memory_space<vmem>>
    %dma_start3A_100 = tpu.memref_squeeze %dma_start3A_99 : memref<1x128x128xf32, #tpu.memory_space<vmem>> -> memref<128x128xf32, #tpu.memory_space<vmem>>
    %dma_start3A_101 = arith.constant 384 : i32
    %dma_start3A_102 = tpu.memref_slice %arg5[%dma_start3A_101] : memref<512xi32, #tpu.memory_space<vmem>> -> memref<128xi32, #tpu.memory_space<vmem>>
    %dma_start3A_103 = arith.constant 0 : i32
    %dma_start3A_104 = arith.constant 0 : i32
    %dma_start3A_105 = tpu.memref_slice %arg2[%dma_start3A_103, %dma_start3A_104] : memref<1152x128xf32, #tpu.memory_space<hbm>> -> memref<1152x128xf32, #tpu.memory_space<hbm>>
    tpu.enqueue_indirect_dma source(%dma_start3A_105 : memref<1152x128xf32, #tpu.memory_space<hbm>>) target(%dma_start3A_100 : memref<128x128xf32, #tpu.memory_space<vmem>>) offsets(%dma_start3A_102 : memref<128xi32, #tpu.memory_space<vmem>>) semaphore(%arg9 : memref<!tpu.dma_semaphore, #tpu.memory_space<semaphore_mem>>)
    %dma_wait3A_106 = arith.constant 0 : i32
    %dma_wait3A_107 = arith.constant 0 : i32
    %dma_wait3A_108 = arith.constant 0 : i32
    %dma_wait3A_109 = tpu.memref_slice %arg6[%dma_wait3A_106, %dma_wait3A_107, %dma_wait3A_108] : memref<2x128x128xf32, #tpu.memory_space<vmem>> -> memref<1x128x128xf32, #tpu.memory_space<vmem>>
    %dma_wait3A_110 = tpu.memref_squeeze %dma_wait3A_109 : memref<1x128x128xf32, #tpu.memory_space<vmem>> -> memref<128x128xf32, #tpu.memory_space<vmem>>
    %dma_wait3A_111 = arith.constant 256 : i32
    %dma_wait3A_112 = tpu.memref_slice %arg5[%dma_wait3A_111] : memref<512xi32, #tpu.memory_space<vmem>> -> memref<128xi32, #tpu.memory_space<vmem>>
    %dma_wait3A_113 = arith.constant 0 : i32
    %dma_wait3A_114 = arith.constant 0 : i32
    %dma_wait3A_115 = tpu.memref_slice %arg2[%dma_wait3A_113, %dma_wait3A_114] : memref<1152x128xf32, #tpu.memory_space<hbm>> -> memref<1152x128xf32, #tpu.memory_space<hbm>>
    tpu.wait_indirect_dma semaphore(%arg8 : memref<!tpu.dma_semaphore, #tpu.memory_space<semaphore_mem>>) src(%dma_wait3A_115 : memref<1152x128xf32, #tpu.memory_space<hbm>>) dst(%dma_wait3A_110 : memref<128x128xf32, #tpu.memory_space<vmem>>)
    %scan3A_116 = arith.constant 0 : i32
    %scan3A_117 = arith.constant 0 : i32
    %scan3A_118 = arith.constant 128 : i32
    %scan3A_119 = arith.addi %scan3A_117, %scan3A_118 : i32
    %scan3A_120 = arith.constant 1 : i32
    scf.for %scan3A_142 = %scan3A_117 to %scan3A_119 step %scan3A_120  : i32 {
      %get3A = arith.constant 0 : i32
      %get3A_143 = arith.index_cast %get3A : i32 to index
      %get3A_144 = arith.index_cast %scan3A_142 : i32 to index
      %get3A_145 = arith.constant 0 : index
      %get3A_146 = tpu.vector_load %arg6[%get3A_143, %get3A_144, %get3A_145] {strides = array<i32>} : memref<2x128x128xf32, #tpu.memory_space<vmem>>, vector<1x1x16xf32>,
      %get3A_147 = vector.shape_cast %get3A_146 : vector<1x1x16xf32> to vector<16xf32>
      %swap3A = arith.index_cast %scan3A_142 : i32 to index
      %swap3A_148 = arith.constant 0 : index
      %swap3A_149 = tpu.vector_load %arg7[%swap3A, %swap3A_148] {strides = array<i32>} : memref<128x64xf32, #tpu.memory_space<vmem>>, vector<1x16xf32>,
      %swap3A_150 = vector.shape_cast %swap3A_149 : vector<1x16xf32> to vector<16xf32>
      %swap3A_151 = vector.shape_cast %get3A_147 : vector<16xf32> to vector<1x16xf32>
      tpu.vector_store %arg7[%swap3A, %swap3A_148], %swap3A_151 {strides = array<i32>} : memref<128x64xf32, #tpu.memory_space<vmem>>, vector<1x16xf32>,
      %get3A_152 = arith.constant 0 : i32
      %get3A_153 = arith.index_cast %get3A_152 : i32 to index
      %get3A_154 = arith.index_cast %scan3A_142 : i32 to index
      %get3A_155 = arith.constant 16 : index
      %get3A_156 = tpu.vector_load %arg6[%get3A_153, %get3A_154, %get3A_155] {strides = array<i32>} : memref<2x128x128xf32, #tpu.memory_space<vmem>>, vector<1x1x16xf32>,
      %get3A_157 = vector.shape_cast %get3A_156 : vector<1x1x16xf32> to vector<16xf32>
      %swap3A_158 = arith.index_cast %scan3A_142 : i32 to index
      %swap3A_159 = arith.constant 16 : index
      %swap3A_160 = tpu.vector_load %arg7[%swap3A_158, %swap3A_159] {strides = array<i32>} : memref<128x64xf32, #tpu.memory_space<vmem>>, vector<1x16xf32>,
      %swap3A_161 = vector.shape_cast %swap3A_160 : vector<1x16xf32> to vector<16xf32>
      %swap3A_162 = vector.shape_cast %get3A_157 : vector<16xf32> to vector<1x16xf32>
      tpu.vector_store %arg7[%swap3A_158, %swap3A_159], %swap3A_162 {strides = array<i32>} : memref<128x64xf32, #tpu.memory_space<vmem>>, vector<1x16xf32>,
      %get3A_163 = arith.constant 0 : i32
      %get3A_164 = arith.index_cast %get3A_163 : i32 to index
      %get3A_165 = arith.index_cast %scan3A_142 : i32 to index
      %get3A_166 = arith.constant 32 : index
      %get3A_167 = tpu.vector_load %arg6[%get3A_164, %get3A_165, %get3A_166] {strides = array<i32>} : memref<2x128x128xf32, #tpu.memory_space<vmem>>, vector<1x1x16xf32>,
      %get3A_168 = vector.shape_cast %get3A_167 : vector<1x1x16xf32> to vector<16xf32>
      %swap3A_169 = arith.index_cast %scan3A_142 : i32 to index
      %swap3A_170 = arith.constant 32 : index
      %swap3A_171 = tpu.vector_load %arg7[%swap3A_169, %swap3A_170] {strides = array<i32>} : memref<128x64xf32, #tpu.memory_space<vmem>>, vector<1x16xf32>,
      %swap3A_172 = vector.shape_cast %swap3A_171 : vector<1x16xf32> to vector<16xf32>
      %swap3A_173 = vector.shape_cast %get3A_168 : vector<16xf32> to vector<1x16xf32>
      tpu.vector_store %arg7[%swap3A_169, %swap3A_170], %swap3A_173 {strides = array<i32>} : memref<128x64xf32, #tpu.memory_space<vmem>>, vector<1x16xf32>,
      %get3A_174 = arith.constant 0 : i32
      %get3A_175 = arith.index_cast %get3A_174 : i32 to index
      %get3A_176 = arith.index_cast %scan3A_142 : i32 to index
      %get3A_177 = arith.constant 48 : index
      %get3A_178 = tpu.vector_load %arg6[%get3A_175, %get3A_176, %get3A_177] {strides = array<i32>} : memref<2x128x128xf32, #tpu.memory_space<vmem>>, vector<1x1x16xf32>,
      %get3A_179 = vector.shape_cast %get3A_178 : vector<1x1x16xf32> to vector<16xf32>
      %swap3A_180 = arith.index_cast %scan3A_142 : i32 to index
      %swap3A_181 = arith.constant 48 : index
      %swap3A_182 = tpu.vector_load %arg7[%swap3A_180, %swap3A_181] {strides = array<i32>} : memref<128x64xf32, #tpu.memory_space<vmem>>, vector<1x16xf32>,
      %swap3A_183 = vector.shape_cast %swap3A_182 : vector<1x16xf32> to vector<16xf32>
      %swap3A_184 = vector.shape_cast %get3A_179 : vector<16xf32> to vector<1x16xf32>
      tpu.vector_store %arg7[%swap3A_180, %swap3A_181], %swap3A_184 {strides = array<i32>} : memref<128x64xf32, #tpu.memory_space<vmem>>, vector<1x16xf32>,
    }
    %scan3A_121 = arith.constant 128 : i32
    %add3A_122 = arith.constant 256 : i32
    %add3A_123 = arith.addi %select_n3A_32, %add3A_122 : i32
    "tpu.region"() ({
      %run_scoped3A = tpu.sem_alloc : memref<!tpu.dma_semaphore, #tpu.memory_space<semaphore_mem>>
      %dma_start3A_142 = arith.constant 0 : i32
      %dma_start3A_143 = tpu.memref_slice %arg4[%select_n3A, %add3A_123, %dma_start3A_142] : memref<16x1024x64xf32, #tpu.memory_space<hbm>> -> memref<1x128x64xf32, #tpu.memory_space<hbm>>
      %dma_start3A_144 = tpu.memref_squeeze %dma_start3A_143 : memref<1x128x64xf32, #tpu.memory_space<hbm>> -> memref<128x64xf32, #tpu.memory_space<hbm>>
      %dma_start3A_145 = arith.constant 0 : i32
      %dma_start3A_146 = tpu.memref_slice %arg4[%select_n3A, %add3A_123, %dma_start3A_145] : memref<16x1024x64xf32, #tpu.memory_space<hbm>> -> memref<1x128x64xf32, #tpu.memory_space<hbm>>
      %dma_start3A_147 = tpu.memref_squeeze %dma_start3A_146 : memref<1x128x64xf32, #tpu.memory_space<hbm>> -> memref<128x64xf32, #tpu.memory_space<hbm>>
      tpu.enqueue_dma source(%arg7 : memref<128x64xf32, #tpu.memory_space<vmem>>) target(%dma_start3A_147 : memref<128x64xf32, #tpu.memory_space<hbm>>) target_semaphore(%run_scoped3A : memref<!tpu.dma_semaphore, #tpu.memory_space<semaphore_mem>>)
      %dma_wait3A_148 = arith.constant 0 : i32
      %dma_wait3A_149 = tpu.memref_slice %arg4[%select_n3A, %add3A_123, %dma_wait3A_148] : memref<16x1024x64xf32, #tpu.memory_space<hbm>> -> memref<1x128x64xf32, #tpu.memory_space<hbm>>
      %dma_wait3A_150 = tpu.memref_squeeze %dma_wait3A_149 : memref<1x128x64xf32, #tpu.memory_space<hbm>> -> memref<128x64xf32, #tpu.memory_space<hbm>>
      %dma_wait3A_151 = arith.constant 0 : i32
      %dma_wait3A_152 = tpu.memref_slice %arg4[%select_n3A, %add3A_123, %dma_wait3A_151] : memref<16x1024x64xf32, #tpu.memory_space<hbm>> -> memref<1x128x64xf32, #tpu.memory_space<hbm>>
      %dma_wait3A_153 = tpu.memref_squeeze %dma_wait3A_152 : memref<1x128x64xf32, #tpu.memory_space<hbm>> -> memref<128x64xf32, #tpu.memory_space<hbm>>
      tpu.wait_dma2 semaphore(%run_scoped3A : memref<!tpu.dma_semaphore, #tpu.memory_space<semaphore_mem>>) src(%arg7 : memref<128x64xf32, #tpu.memory_space<vmem>>) dst(%dma_wait3A_153 : memref<128x64xf32, #tpu.memory_space<hbm>>)
      tpu.yield
    }) : () -> ()
    %dma_wait3A_124 = arith.constant 1 : i32
    %dma_wait3A_125 = arith.constant 0 : i32
    %dma_wait3A_126 = arith.constant 0 : i32
    %dma_wait3A_127 = tpu.memref_slice %arg6[%dma_wait3A_124, %dma_wait3A_125, %dma_wait3A_126] : memref<2x128x128xf32, #tpu.memory_space<vmem>> -> memref<1x128x128xf32, #tpu.memory_space<vmem>>
    %dma_wait3A_128 = tpu.memref_squeeze %dma_wait3A_127 : memref<1x128x128xf32, #tpu.memory_space<vmem>> -> memref<128x128xf32, #tpu.memory_space<vmem>>
    %dma_wait3A_129 = arith.constant 384 : i32
    %dma_wait3A_130 = tpu.memref_slice %arg5[%dma_wait3A_129] : memref<512xi32, #tpu.memory_space<vmem>> -> memref<128xi32, #tpu.memory_space<vmem>>
    %dma_wait3A_131 = arith.constant 0 : i32
    %dma_wait3A_132 = arith.constant 0 : i32
    %dma_wait3A_133 = tpu.memref_slice %arg2[%dma_wait3A_131, %dma_wait3A_132] : memref<1152x128xf32, #tpu.memory_space<hbm>> -> memref<1152x128xf32, #tpu.memory_space<hbm>>
    tpu.wait_indirect_dma semaphore(%arg9 : memref<!tpu.dma_semaphore, #tpu.memory_space<semaphore_mem>>) src(%dma_wait3A_133 : memref<1152x128xf32, #tpu.memory_space<hbm>>) dst(%dma_wait3A_128 : memref<128x128xf32, #tpu.memory_space<vmem>>)
    %scan3A_134 = arith.constant 0 : i32
    %scan3A_135 = arith.constant 0 : i32
    %scan3A_136 = arith.constant 128 : i32
    %scan3A_137 = arith.addi %scan3A_135, %scan3A_136 : i32
    %scan3A_138 = arith.constant 1 : i32
    scf.for %scan3A_142 = %scan3A_135 to %scan3A_137 step %scan3A_138  : i32 {
      %get3A = arith.constant 1 : i32
      %get3A_143 = arith.index_cast %get3A : i32 to index
      %get3A_144 = arith.index_cast %scan3A_142 : i32 to index
      %get3A_145 = arith.constant 0 : index
      %get3A_146 = tpu.vector_load %arg6[%get3A_143, %get3A_144, %get3A_145] {strides = array<i32>} : memref<2x128x128xf32, #tpu.memory_space<vmem>>, vector<1x1x16xf32>,
      %get3A_147 = vector.shape_cast %get3A_146 : vector<1x1x16xf32> to vector<16xf32>
      %swap3A = arith.index_cast %scan3A_142 : i32 to index
      %swap3A_148 = arith.constant 0 : index
      %swap3A_149 = tpu.vector_load %arg7[%swap3A, %swap3A_148] {strides = array<i32>} : memref<128x64xf32, #tpu.memory_space<vmem>>, vector<1x16xf32>,
      %swap3A_150 = vector.shape_cast %swap3A_149 : vector<1x16xf32> to vector<16xf32>
      %swap3A_151 = vector.shape_cast %get3A_147 : vector<16xf32> to vector<1x16xf32>
      tpu.vector_store %arg7[%swap3A, %swap3A_148], %swap3A_151 {strides = array<i32>} : memref<128x64xf32, #tpu.memory_space<vmem>>, vector<1x16xf32>,
      %get3A_152 = arith.constant 1 : i32
      %get3A_153 = arith.index_cast %get3A_152 : i32 to index
      %get3A_154 = arith.index_cast %scan3A_142 : i32 to index
      %get3A_155 = arith.constant 16 : index
      %get3A_156 = tpu.vector_load %arg6[%get3A_153, %get3A_154, %get3A_155] {strides = array<i32>} : memref<2x128x128xf32, #tpu.memory_space<vmem>>, vector<1x1x16xf32>,
      %get3A_157 = vector.shape_cast %get3A_156 : vector<1x1x16xf32> to vector<16xf32>
      %swap3A_158 = arith.index_cast %scan3A_142 : i32 to index
      %swap3A_159 = arith.constant 16 : index
      %swap3A_160 = tpu.vector_load %arg7[%swap3A_158, %swap3A_159] {strides = array<i32>} : memref<128x64xf32, #tpu.memory_space<vmem>>, vector<1x16xf32>,
      %swap3A_161 = vector.shape_cast %swap3A_160 : vector<1x16xf32> to vector<16xf32>
      %swap3A_162 = vector.shape_cast %get3A_157 : vector<16xf32> to vector<1x16xf32>
      tpu.vector_store %arg7[%swap3A_158, %swap3A_159], %swap3A_162 {strides = array<i32>} : memref<128x64xf32, #tpu.memory_space<vmem>>, vector<1x16xf32>,
      %get3A_163 = arith.constant 1 : i32
      %get3A_164 = arith.index_cast %get3A_163 : i32 to index
      %get3A_165 = arith.index_cast %scan3A_142 : i32 to index
      %get3A_166 = arith.constant 32 : index
      %get3A_167 = tpu.vector_load %arg6[%get3A_164, %get3A_165, %get3A_166] {strides = array<i32>} : memref<2x128x128xf32, #tpu.memory_space<vmem>>, vector<1x1x16xf32>,
      %get3A_168 = vector.shape_cast %get3A_167 : vector<1x1x16xf32> to vector<16xf32>
      %swap3A_169 = arith.index_cast %scan3A_142 : i32 to index
      %swap3A_170 = arith.constant 32 : index
      %swap3A_171 = tpu.vector_load %arg7[%swap3A_169, %swap3A_170] {strides = array<i32>} : memref<128x64xf32, #tpu.memory_space<vmem>>, vector<1x16xf32>,
      %swap3A_172 = vector.shape_cast %swap3A_171 : vector<1x16xf32> to vector<16xf32>
      %swap3A_173 = vector.shape_cast %get3A_168 : vector<16xf32> to vector<1x16xf32>
      tpu.vector_store %arg7[%swap3A_169, %swap3A_170], %swap3A_173 {strides = array<i32>} : memref<128x64xf32, #tpu.memory_space<vmem>>, vector<1x16xf32>,
      %get3A_174 = arith.constant 1 : i32
      %get3A_175 = arith.index_cast %get3A_174 : i32 to index
      %get3A_176 = arith.index_cast %scan3A_142 : i32 to index
      %get3A_177 = arith.constant 48 : index
      %get3A_178 = tpu.vector_load %arg6[%get3A_175, %get3A_176, %get3A_177] {strides = array<i32>} : memref<2x128x128xf32, #tpu.memory_space<vmem>>, vector<1x1x16xf32>,
      %get3A_179 = vector.shape_cast %get3A_178 : vector<1x1x16xf32> to vector<16xf32>
      %swap3A_180 = arith.index_cast %scan3A_142 : i32 to index
      %swap3A_181 = arith.constant 48 : index
      %swap3A_182 = tpu.vector_load %arg7[%swap3A_180, %swap3A_181] {strides = array<i32>} : memref<128x64xf32, #tpu.memory_space<vmem>>, vector<1x16xf32>,
      %swap3A_183 = vector.shape_cast %swap3A_182 : vector<1x16xf32> to vector<16xf32>
      %swap3A_184 = vector.shape_cast %get3A_179 : vector<16xf32> to vector<1x16xf32>
      tpu.vector_store %arg7[%swap3A_180, %swap3A_181], %swap3A_184 {strides = array<i32>} : memref<128x64xf32, #tpu.memory_space<vmem>>, vector<1x16xf32>,
    }
    %scan3A_139 = arith.constant 128 : i32
    %add3A_140 = arith.constant 384 : i32
    %add3A_141 = arith.addi %select_n3A_32, %add3A_140 : i32
    "tpu.region"() ({
      %run_scoped3A = tpu.sem_alloc : memref<!tpu.dma_semaphore, #tpu.memory_space<semaphore_mem>>
      %dma_start3A_142 = arith.constant 0 : i32
      %dma_start3A_143 = tpu.memref_slice %arg4[%select_n3A, %add3A_141, %dma_start3A_142] : memref<16x1024x64xf32, #tpu.memory_space<hbm>> -> memref<1x128x64xf32, #tpu.memory_space<hbm>>
      %dma_start3A_144 = tpu.memref_squeeze %dma_start3A_143 : memref<1x128x64xf32, #tpu.memory_space<hbm>> -> memref<128x64xf32, #tpu.memory_space<hbm>>
      %dma_start3A_145 = arith.constant 0 : i32
      %dma_start3A_146 = tpu.memref_slice %arg4[%select_n3A, %add3A_141, %dma_start3A_145] : memref<16x1024x64xf32, #tpu.memory_space<hbm>> -> memref<1x128x64xf32, #tpu.memory_space<hbm>>
      %dma_start3A_147 = tpu.memref_squeeze %dma_start3A_146 : memref<1x128x64xf32, #tpu.memory_space<hbm>> -> memref<128x64xf32, #tpu.memory_space<hbm>>
      tpu.enqueue_dma source(%arg7 : memref<128x64xf32, #tpu.memory_space<vmem>>) target(%dma_start3A_147 : memref<128x64xf32, #tpu.memory_space<hbm>>) target_semaphore(%run_scoped3A : memref<!tpu.dma_semaphore, #tpu.memory_space<semaphore_mem>>)
      %dma_wait3A_148 = arith.constant 0 : i32
      %dma_wait3A_149 = tpu.memref_slice %arg4[%select_n3A, %add3A_141, %dma_wait3A_148] : memref<16x1024x64xf32, #tpu.memory_space<hbm>> -> memref<1x128x64xf32, #tpu.memory_space<hbm>>
      %dma_wait3A_150 = tpu.memref_squeeze %dma_wait3A_149 : memref<1x128x64xf32, #tpu.memory_space<hbm>> -> memref<128x64xf32, #tpu.memory_space<hbm>>
      %dma_wait3A_151 = arith.constant 0 : i32
      %dma_wait3A_152 = tpu.memref_slice %arg4[%select_n3A, %add3A_141, %dma_wait3A_151] : memref<16x1024x64xf32, #tpu.memory_space<hbm>> -> memref<1x128x64xf32, #tpu.memory_space<hbm>>
      %dma_wait3A_153 = tpu.memref_squeeze %dma_wait3A_152 : memref<1x128x64xf32, #tpu.memory_space<hbm>> -> memref<128x64xf32, #tpu.memory_space<hbm>>
      tpu.wait_dma2 semaphore(%run_scoped3A : memref<!tpu.dma_semaphore, #tpu.memory_space<semaphore_mem>>) src(%arg7 : memref<128x64xf32, #tpu.memory_space<vmem>>) dst(%dma_wait3A_153 : memref<128x64xf32, #tpu.memory_space<hbm>>)
      tpu.yield
    }) : () -> ()
    return
  }
}

module attributes {stable_mosaic.version = 14 : i64} {
  func.func @_idx_body(%arg0: i32, %arg1: memref<64x4096xf32, #tpu.memory_space<vmem>>, %arg2: memref<1152x64xbf16, #tpu.memory_space<vmem>>, %arg3: memref<1x1x4096xi32, #tpu.memory_space<vmem>>) attributes {dimension_semantics = [#tpu.dimension_semantics<arbitrary>], iteration_bounds = array<i64: 4>, scalar_prefetch = 0 : i64, scratch_operands = 0 : i64, tpu.core_type = #tpu.core_type<tc>, window_params = [{transform_indices = @transform_0, window_bounds = array<i64: 64, 4096>}, {pipeline_mode = #tpu.pipeline_mode<synchronous>, transform_indices = @transform_1, window_bounds = array<i64: 1152, 64>}, {transform_indices = @transform_2, window_bounds = array<i64: 1, 1, 4096>}]} {
    %get3A = arith.constant 0 : index
    %get3A_0 = arith.constant 0 : index
    %get3A_1 = vector.load %arg1[%get3A, %get3A_0] : memref<64x4096xf32, #tpu.memory_space<vmem>>, vector<64x4096xf32>
    %mul3A = arith.mulf %get3A_1, %get3A_1 : vector<64x4096xf32>
    %reduce_sum3A = arith.constant dense<0.000000e+00> : vector<4096xf32>
    %reduce_sum3A_2 = vector.multi_reduction <add>, %mul3A, %reduce_sum3A [0] : vector<64x4096xf32> to vector<4096xf32>
    %broadcast_in_dim3A = vector.shape_cast %reduce_sum3A_2 : vector<4096xf32> to vector<1x4096xf32>
    %sqrt3A = math.sqrt %broadcast_in_dim3A : vector<1x4096xf32>
    %max3A = arith.constant 9.99999996E-13 : f32
    %max3A_3 = vector.broadcast %max3A : f32 to vector<1x4096xf32>
    %max3A_4 = arith.maximumf %sqrt3A, %max3A_3 : vector<1x4096xf32>
    %div3A = vector.broadcast %max3A_4 : vector<1x4096xf32> to vector<64x4096xf32>
    %div3A_5 = arith.divf %get3A_1, %div3A : vector<64x4096xf32>
    %get3A_6 = arith.constant 0 : index
    %get3A_7 = arith.constant 0 : index
    %get3A_8 = vector.load %arg2[%get3A_6, %get3A_7] : memref<1152x64xbf16, #tpu.memory_space<vmem>>, vector<1152x64xbf16>
    %convert_element_type3A = arith.truncf %div3A_5 : vector<64x4096xf32> to vector<64x4096xbf16>
    %dot_general3A = arith.constant dense<0.000000e+00> : vector<1152x4096xf32>
    %dot_general3A_9 = tpu.matmul %get3A_8, %convert_element_type3A, %dot_general3A {dimension_numbers = #tpu.dot_dimension_numbers<[1], [0], [0], [1], [0, 0, 1, 1], [], []>, transpose_lhs_hint = false} : vector<1152x64xbf16>, vector<64x4096xbf16>, vector<1152x4096xf32> -> vector<1152x4096xf32>
    %argmax3A = tpu.reduce_index %dot_general3A_9 {axis = 0 : i32, kind = #tpu.reduction_kind<arg_max>} : vector<1152x4096xf32> -> vector<4096xi32>
    %sub3A = arith.constant 1151 : i32
    %sub3A_10 = vector.broadcast %sub3A : i32 to vector<4096xi32>
    %sub3A_11 = arith.subi %sub3A_10, %argmax3A : vector<4096xi32>
    %swap3A = arith.constant 0 : index
    %swap3A_12 = arith.constant 0 : index
    %swap3A_13 = arith.constant 0 : index
    %swap3A_14 = vector.load %arg3[%swap3A, %swap3A_12, %swap3A_13] : memref<1x1x4096xi32, #tpu.memory_space<vmem>>, vector<1x1x4096xi32>
    %swap3A_15 = vector.shape_cast %swap3A_14 : vector<1x1x4096xi32> to vector<4096xi32>
    %swap3A_16 = vector.shape_cast %sub3A_11 : vector<4096xi32> to vector<1x1x4096xi32>
    tpu.vector_store %arg3[%swap3A, %swap3A_12, %swap3A_13], %swap3A_16 {strides = array<i32>} : memref<1x1x4096xi32, #tpu.memory_space<vmem>>, vector<1x1x4096xi32>,
    return
  }
  func.func @transform_0(%arg0: i32) -> (i32, i32) {
    %add3A = arith.constant 8 : i32
    %add3A_0 = arith.addi %add3A, %arg0 : i32
    %c0_i32 = arith.constant 0 : i32
    %c0_i32_1 = arith.constant 0 : i32
    return %c0_i32, %add3A_0 : i32, i32
  }
  func.func @transform_1(%arg0: i32) -> (i32, i32) {
    %c0_i32 = arith.constant 0 : i32
    %c0_i32_0 = arith.constant 0 : i32
    %c0_i32_1 = arith.constant 0 : i32
    return %c0_i32, %c0_i32_0 : i32, i32
  }
  func.func @transform_2(%arg0: i32) -> (i32, i32, i32) {
    %c0_i32 = arith.constant 0 : i32
    %c0_i32_0 = arith.constant 0 : i32
    %c0_i32_1 = arith.constant 0 : i32
    return %arg0, %c0_i32, %c0_i32_0 : i32, i32, i32
  }
}

module attributes {stable_mosaic.version = 14 : i64} {
  func.func @_idx_body(%arg0: i32, %arg1: memref<64x4096xf32, #tpu.memory_space<vmem>>, %arg2: memref<1152x64xbf16, #tpu.memory_space<vmem>>, %arg3: memref<1x1x4096xi32, #tpu.memory_space<vmem>>) attributes {dimension_semantics = [#tpu.dimension_semantics<arbitrary>], iteration_bounds = array<i64: 4>, scalar_prefetch = 0 : i64, scratch_operands = 0 : i64, tpu.core_type = #tpu.core_type<tc>, window_params = [{transform_indices = @transform_0, window_bounds = array<i64: 64, 4096>}, {pipeline_mode = #tpu.pipeline_mode<synchronous>, transform_indices = @transform_1, window_bounds = array<i64: 1152, 64>}, {transform_indices = @transform_2, window_bounds = array<i64: 1, 1, 4096>}]} {
    %get3A = arith.constant 0 : index
    %get3A_0 = arith.constant 0 : index
    %get3A_1 = vector.load %arg1[%get3A, %get3A_0] : memref<64x4096xf32, #tpu.memory_space<vmem>>, vector<64x4096xf32>
    %mul3A = arith.mulf %get3A_1, %get3A_1 : vector<64x4096xf32>
    %reduce_sum3A = arith.constant dense<0.000000e+00> : vector<4096xf32>
    %reduce_sum3A_2 = vector.multi_reduction <add>, %mul3A, %reduce_sum3A [0] : vector<64x4096xf32> to vector<4096xf32>
    %broadcast_in_dim3A = vector.shape_cast %reduce_sum3A_2 : vector<4096xf32> to vector<1x4096xf32>
    %sqrt3A = math.sqrt %broadcast_in_dim3A : vector<1x4096xf32>
    %max3A = arith.constant 9.99999996E-13 : f32
    %max3A_3 = vector.broadcast %max3A : f32 to vector<1x4096xf32>
    %max3A_4 = arith.maximumf %sqrt3A, %max3A_3 : vector<1x4096xf32>
    %div3A = vector.broadcast %max3A_4 : vector<1x4096xf32> to vector<64x4096xf32>
    %div3A_5 = arith.divf %get3A_1, %div3A : vector<64x4096xf32>
    %get3A_6 = arith.constant 0 : index
    %get3A_7 = arith.constant 0 : index
    %get3A_8 = vector.load %arg2[%get3A_6, %get3A_7] : memref<1152x64xbf16, #tpu.memory_space<vmem>>, vector<1152x64xbf16>
    %convert_element_type3A = arith.truncf %div3A_5 : vector<64x4096xf32> to vector<64x4096xbf16>
    %dot_general3A = arith.constant dense<0.000000e+00> : vector<1152x4096xf32>
    %dot_general3A_9 = tpu.matmul %get3A_8, %convert_element_type3A, %dot_general3A {dimension_numbers = #tpu.dot_dimension_numbers<[1], [0], [0], [1], [0, 0, 1, 1], [], []>, transpose_lhs_hint = false} : vector<1152x64xbf16>, vector<64x4096xbf16>, vector<1152x4096xf32> -> vector<1152x4096xf32>
    %argmax3A = tpu.reduce_index %dot_general3A_9 {axis = 0 : i32, kind = #tpu.reduction_kind<arg_max>} : vector<1152x4096xf32> -> vector<4096xi32>
    %sub3A = arith.constant 1151 : i32
    %sub3A_10 = vector.broadcast %sub3A : i32 to vector<4096xi32>
    %sub3A_11 = arith.subi %sub3A_10, %argmax3A : vector<4096xi32>
    %swap3A = arith.constant 0 : index
    %swap3A_12 = arith.constant 0 : index
    %swap3A_13 = arith.constant 0 : index
    %swap3A_14 = vector.load %arg3[%swap3A, %swap3A_12, %swap3A_13] : memref<1x1x4096xi32, #tpu.memory_space<vmem>>, vector<1x1x4096xi32>
    %swap3A_15 = vector.shape_cast %swap3A_14 : vector<1x1x4096xi32> to vector<4096xi32>
    %swap3A_16 = vector.shape_cast %sub3A_11 : vector<4096xi32> to vector<1x1x4096xi32>
    tpu.vector_store %arg3[%swap3A, %swap3A_12, %swap3A_13], %swap3A_16 {strides = array<i32>} : memref<1x1x4096xi32, #tpu.memory_space<vmem>>, vector<1x1x4096xi32>,
    return
  }
  func.func @transform_0(%arg0: i32) -> (i32, i32) {
    %add3A = arith.constant 0 : i32
    %add3A_0 = arith.addi %add3A, %arg0 : i32
    %c0_i32 = arith.constant 0 : i32
    %c0_i32_1 = arith.constant 0 : i32
    return %c0_i32, %add3A_0 : i32, i32
  }
  func.func @transform_1(%arg0: i32) -> (i32, i32) {
    %c0_i32 = arith.constant 0 : i32
    %c0_i32_0 = arith.constant 0 : i32
    %c0_i32_1 = arith.constant 0 : i32
    return %c0_i32, %c0_i32_0 : i32, i32
  }
  func.func @transform_2(%arg0: i32) -> (i32, i32, i32) {
    %c0_i32 = arith.constant 0 : i32
    %c0_i32_0 = arith.constant 0 : i32
    %c0_i32_1 = arith.constant 0 : i32
    return %arg0, %c0_i32, %c0_i32_0 : i32, i32, i32
  }
}

module attributes {stable_mosaic.version = 14 : i64} {
  func.func @_idx_body(%arg0: i32, %arg1: memref<64x4096xf32, #tpu.memory_space<vmem>>, %arg2: memref<1152x64xbf16, #tpu.memory_space<vmem>>, %arg3: memref<1x1x4096xi32, #tpu.memory_space<vmem>>) attributes {dimension_semantics = [#tpu.dimension_semantics<arbitrary>], iteration_bounds = array<i64: 4>, scalar_prefetch = 0 : i64, scratch_operands = 0 : i64, tpu.core_type = #tpu.core_type<tc>, window_params = [{transform_indices = @transform_0, window_bounds = array<i64: 64, 4096>}, {pipeline_mode = #tpu.pipeline_mode<synchronous>, transform_indices = @transform_1, window_bounds = array<i64: 1152, 64>}, {transform_indices = @transform_2, window_bounds = array<i64: 1, 1, 4096>}]} {
    %get3A = arith.constant 0 : index
    %get3A_0 = arith.constant 0 : index
    %get3A_1 = vector.load %arg1[%get3A, %get3A_0] : memref<64x4096xf32, #tpu.memory_space<vmem>>, vector<64x4096xf32>
    %mul3A = arith.mulf %get3A_1, %get3A_1 : vector<64x4096xf32>
    %reduce_sum3A = arith.constant dense<0.000000e+00> : vector<4096xf32>
    %reduce_sum3A_2 = vector.multi_reduction <add>, %mul3A, %reduce_sum3A [0] : vector<64x4096xf32> to vector<4096xf32>
    %broadcast_in_dim3A = vector.shape_cast %reduce_sum3A_2 : vector<4096xf32> to vector<1x4096xf32>
    %sqrt3A = math.sqrt %broadcast_in_dim3A : vector<1x4096xf32>
    %max3A = arith.constant 9.99999996E-13 : f32
    %max3A_3 = vector.broadcast %max3A : f32 to vector<1x4096xf32>
    %max3A_4 = arith.maximumf %sqrt3A, %max3A_3 : vector<1x4096xf32>
    %div3A = vector.broadcast %max3A_4 : vector<1x4096xf32> to vector<64x4096xf32>
    %div3A_5 = arith.divf %get3A_1, %div3A : vector<64x4096xf32>
    %get3A_6 = arith.constant 0 : index
    %get3A_7 = arith.constant 0 : index
    %get3A_8 = vector.load %arg2[%get3A_6, %get3A_7] : memref<1152x64xbf16, #tpu.memory_space<vmem>>, vector<1152x64xbf16>
    %convert_element_type3A = arith.truncf %div3A_5 : vector<64x4096xf32> to vector<64x4096xbf16>
    %dot_general3A = arith.constant dense<0.000000e+00> : vector<1152x4096xf32>
    %dot_general3A_9 = tpu.matmul %get3A_8, %convert_element_type3A, %dot_general3A {dimension_numbers = #tpu.dot_dimension_numbers<[1], [0], [0], [1], [0, 0, 1, 1], [], []>, transpose_lhs_hint = false} : vector<1152x64xbf16>, vector<64x4096xbf16>, vector<1152x4096xf32> -> vector<1152x4096xf32>
    %argmax3A = tpu.reduce_index %dot_general3A_9 {axis = 0 : i32, kind = #tpu.reduction_kind<arg_max>} : vector<1152x4096xf32> -> vector<4096xi32>
    %sub3A = arith.constant 1151 : i32
    %sub3A_10 = vector.broadcast %sub3A : i32 to vector<4096xi32>
    %sub3A_11 = arith.subi %sub3A_10, %argmax3A : vector<4096xi32>
    %swap3A = arith.constant 0 : index
    %swap3A_12 = arith.constant 0 : index
    %swap3A_13 = arith.constant 0 : index
    %swap3A_14 = vector.load %arg3[%swap3A, %swap3A_12, %swap3A_13] : memref<1x1x4096xi32, #tpu.memory_space<vmem>>, vector<1x1x4096xi32>
    %swap3A_15 = vector.shape_cast %swap3A_14 : vector<1x1x4096xi32> to vector<4096xi32>
    %swap3A_16 = vector.shape_cast %sub3A_11 : vector<4096xi32> to vector<1x1x4096xi32>
    tpu.vector_store %arg3[%swap3A, %swap3A_12, %swap3A_13], %swap3A_16 {strides = array<i32>} : memref<1x1x4096xi32, #tpu.memory_space<vmem>>, vector<1x1x4096xi32>,
    return
  }
  func.func @transform_0(%arg0: i32) -> (i32, i32) {
    %add3A = arith.constant 4 : i32
    %add3A_0 = arith.addi %add3A, %arg0 : i32
    %c0_i32 = arith.constant 0 : i32
    %c0_i32_1 = arith.constant 0 : i32
    return %c0_i32, %add3A_0 : i32, i32
  }
  func.func @transform_1(%arg0: i32) -> (i32, i32) {
    %c0_i32 = arith.constant 0 : i32
    %c0_i32_0 = arith.constant 0 : i32
    %c0_i32_1 = arith.constant 0 : i32
    return %c0_i32, %c0_i32_0 : i32, i32
  }
  func.func @transform_2(%arg0: i32) -> (i32, i32, i32) {
    %c0_i32 = arith.constant 0 : i32
    %c0_i32_0 = arith.constant 0 : i32
    %c0_i32_1 = arith.constant 0 : i32
    return %arg0, %c0_i32, %c0_i32_0 : i32, i32, i32
  }
}

module attributes {stable_mosaic.version = 14 : i64} {
  func.func @_idx_body(%arg0: i32, %arg1: memref<64x4096xf32, #tpu.memory_space<vmem>>, %arg2: memref<1152x64xbf16, #tpu.memory_space<vmem>>, %arg3: memref<1x1x4096xi32, #tpu.memory_space<vmem>>) attributes {dimension_semantics = [#tpu.dimension_semantics<arbitrary>], iteration_bounds = array<i64: 4>, scalar_prefetch = 0 : i64, scratch_operands = 0 : i64, tpu.core_type = #tpu.core_type<tc>, window_params = [{transform_indices = @transform_0, window_bounds = array<i64: 64, 4096>}, {pipeline_mode = #tpu.pipeline_mode<synchronous>, transform_indices = @transform_1, window_bounds = array<i64: 1152, 64>}, {transform_indices = @transform_2, window_bounds = array<i64: 1, 1, 4096>}]} {
    %get3A = arith.constant 0 : index
    %get3A_0 = arith.constant 0 : index
    %get3A_1 = vector.load %arg1[%get3A, %get3A_0] : memref<64x4096xf32, #tpu.memory_space<vmem>>, vector<64x4096xf32>
    %mul3A = arith.mulf %get3A_1, %get3A_1 : vector<64x4096xf32>
    %reduce_sum3A = arith.constant dense<0.000000e+00> : vector<4096xf32>
    %reduce_sum3A_2 = vector.multi_reduction <add>, %mul3A, %reduce_sum3A [0] : vector<64x4096xf32> to vector<4096xf32>
    %broadcast_in_dim3A = vector.shape_cast %reduce_sum3A_2 : vector<4096xf32> to vector<1x4096xf32>
    %sqrt3A = math.sqrt %broadcast_in_dim3A : vector<1x4096xf32>
    %max3A = arith.constant 9.99999996E-13 : f32
    %max3A_3 = vector.broadcast %max3A : f32 to vector<1x4096xf32>
    %max3A_4 = arith.maximumf %sqrt3A, %max3A_3 : vector<1x4096xf32>
    %div3A = vector.broadcast %max3A_4 : vector<1x4096xf32> to vector<64x4096xf32>
    %div3A_5 = arith.divf %get3A_1, %div3A : vector<64x4096xf32>
    %get3A_6 = arith.constant 0 : index
    %get3A_7 = arith.constant 0 : index
    %get3A_8 = vector.load %arg2[%get3A_6, %get3A_7] : memref<1152x64xbf16, #tpu.memory_space<vmem>>, vector<1152x64xbf16>
    %convert_element_type3A = arith.truncf %div3A_5 : vector<64x4096xf32> to vector<64x4096xbf16>
    %dot_general3A = arith.constant dense<0.000000e+00> : vector<1152x4096xf32>
    %dot_general3A_9 = tpu.matmul %get3A_8, %convert_element_type3A, %dot_general3A {dimension_numbers = #tpu.dot_dimension_numbers<[1], [0], [0], [1], [0, 0, 1, 1], [], []>, transpose_lhs_hint = false} : vector<1152x64xbf16>, vector<64x4096xbf16>, vector<1152x4096xf32> -> vector<1152x4096xf32>
    %argmax3A = tpu.reduce_index %dot_general3A_9 {axis = 0 : i32, kind = #tpu.reduction_kind<arg_max>} : vector<1152x4096xf32> -> vector<4096xi32>
    %sub3A = arith.constant 1151 : i32
    %sub3A_10 = vector.broadcast %sub3A : i32 to vector<4096xi32>
    %sub3A_11 = arith.subi %sub3A_10, %argmax3A : vector<4096xi32>
    %swap3A = arith.constant 0 : index
    %swap3A_12 = arith.constant 0 : index
    %swap3A_13 = arith.constant 0 : index
    %swap3A_14 = vector.load %arg3[%swap3A, %swap3A_12, %swap3A_13] : memref<1x1x4096xi32, #tpu.memory_space<vmem>>, vector<1x1x4096xi32>
    %swap3A_15 = vector.shape_cast %swap3A_14 : vector<1x1x4096xi32> to vector<4096xi32>
    %swap3A_16 = vector.shape_cast %sub3A_11 : vector<4096xi32> to vector<1x1x4096xi32>
    tpu.vector_store %arg3[%swap3A, %swap3A_12, %swap3A_13], %swap3A_16 {strides = array<i32>} : memref<1x1x4096xi32, #tpu.memory_space<vmem>>, vector<1x1x4096xi32>,
    return
  }
  func.func @transform_0(%arg0: i32) -> (i32, i32) {
    %add3A = arith.constant 12 : i32
    %add3A_0 = arith.addi %add3A, %arg0 : i32
    %c0_i32 = arith.constant 0 : i32
    %c0_i32_1 = arith.constant 0 : i32
    return %c0_i32, %add3A_0 : i32, i32
  }
  func.func @transform_1(%arg0: i32) -> (i32, i32) {
    %c0_i32 = arith.constant 0 : i32
    %c0_i32_0 = arith.constant 0 : i32
    %c0_i32_1 = arith.constant 0 : i32
    return %c0_i32, %c0_i32_0 : i32, i32
  }
  func.func @transform_2(%arg0: i32) -> (i32, i32, i32) {
    %c0_i32 = arith.constant 0 : i32
    %c0_i32_0 = arith.constant 0 : i32
    %c0_i32_1 = arith.constant 0 : i32
    return %arg0, %c0_i32, %c0_i32_0 : i32, i32, i32
  }
}

</mosaic_0001>

<sc_bundles>
// kernel: kernel.10.cloned.1.call-start
scs
__scs_entry_jumppad:
0x0: {  	(pc) =	sbr.rel $0x88, $3  }
0x1: {  	(tag) =	ssettag $0x0;
	lr =	simm.s32 $0x1  }
0x2: {  	[smem:$0x3F9F] =	sst lr;
	_ =	strace $0xD0000000  }
0x3: {  	_ = 	snop  }
0x4: {  	_ = 	snop  }
0x5: {  	_ = 	snop  }
0x6: {  	_ = 	snop  }
0x7: {  	_ = 	snop  }
__scs_overlays_trampoline_lowered:
0x8: {  	[smem:$0x3FAE] =	sst s0  }
0x9: {  	[smem:$0x3FAF] =	sst s1  }
0xa: {  	[smem:$0x3FB0] =	sst s2  }
0xb: {  	[smem:$0x3FB1] =	sst s3  }
0xc: {  	[smem:$0x3FB2] =	sst s4  }
0xd: {  	[smem:$0x3FB3] =	sst s5  }
0xe: {  	[smem:$0x3FB4] =	sst s6  }
0xf: {  	[smem:$0x3FB5] =	sst s7  }
0x10: {  	[smem:$0x3FB6] =	sst s8  }
0x11: {  	[smem:$0x3FB7] =	sst s9;
	s0 =	simm.s32 @!p0 $0x0  }
0x12: {  	s1 =	sld [smem:$0x3F9D];
	s0 =	simm.s32 @p0 $0x1  }
0x13: {  	[smem:$0x3FB8] =	sst s0;
	s0 =	simm.s32 @!p1 $0x0  }
0x14: {  	s2 =	sld [smem:$0x3F9C];
	s0 =	simm.s32 @p1 $0x1  }
0x15: {  	[smem:$0x3FB9] =	sst s0;
	s0 =	simm.s32 @!p2 $0x0  }
0x16: {  	s3 =	sld [smem:$0x3FDB];
	s0 =	simm.s32 @p2 $0x1  }
0x17: {  	s4 =	simm.s32 $0x1BF5;
	[smem:$0x3FBB] =	sst s0  }
0x18: {  	s0 =	sld [smem:$0x3F9E];
	_ =	swait.ge [sflag:s4], $0x0  }
0x19: {  	s7 =	sld [smem:$0x3F9F]  }
0x1a: {  	s8 =	sadd.s32 $0xFFFFE003, lr  }
0x1b: {  	s9 =	sadd.s32 $0xFFFFFEF7, lr;
	s5 =	simm.s32 $0xFFFFFFFF;
	p2 =	slt.u32 s8, $0xFFFFF086  }
0x1c: {  	p1 =	slt.u32 s9, $0xF7A;
	s5 =	simm.s32 @!p2 $0x0  }
0x1d: {  	s5 =	simm.s32 @p1 $0x1;
	p0 =	seq.s32 s7, s2  }
0x1e: {  	s7 =	smul.u32 @!p0 $0xF7A, s2;
	p2 =	seq.s32 @!p0 s5, $0x0  }
0x1f: {  	s9 =	smul.u32 $0xF7A, s1;
	s8 =	simm.s32 @!p0 $0x1BF5;
	p2 =	por !p2, p0  }
0x20: {  	[sflag:s8] =	ssyncset.s32 @!p0 $0xFFFFF086;
	s6 =	sadd.s32 @!p0 s3, s7;
	s7 =	simm.s32 @!p0 $0x108  }
0x21: {  	s3 =	sadd.s32 s3, s9;
	s6 =	sadd.s32 @!p0 $0x88, s6;
	s7 =	simm.s32 @p2 $0x1082  }
0x22: {  	[simem:s7], [sflag:s8] =	dma.local @!p0 [hbm:s6], $0xF7A  }
0x23: {  	s9 =	sor.u32 $0xD0000000, s2;
	s6 =	simm.s32 $0x108;
	_ =	swait.ge @!p0 [sflag:s8], $0x0  }
0x24: {  	s3 =	sadd.s32 $0x88, s3;
	s6 =	simm.s32 @!p1 $0x1082;
	[sflag:s4] =	ssyncset.s32 $0xFFFFF086  }
0x25: {  	[simem:s6], [sflag:s4] =	dma.local [hbm:s3], $0xF7A  }
0x26: {  	[smem:$0x3F9F] =	sst s1;
	(tag) =	ssettag s2;
	_ =	strace s9  }
0x27: {  	s1 =	sld [smem:$0x3FAF]  }
0x28: {  	s2 =	sld [smem:$0x3FB0]  }
0x29: {  	s4 =	sld [smem:$0x3FB2]  }
0x2a: {  	p0 =	seq.s32 s5, $0x0;
	s5 =	sld [smem:$0x3FB3]  }
0x2b: {  	s6 =	sld [smem:$0x3FB4]  }
0x2c: {  	s7 =	sld [smem:$0x3FB5]  }
0x2d: {  	s3 =	simm.s32 $0x108;
	s8 =	sld [smem:$0x3FB6]  }
0x2e: {  	s3 =	simm.s32 @!p0 $0x1082;
	s9 =	sld [smem:$0x3FB7]  }
0x2f: {  	lr =	sadd.s32 s0, s3;
	s0 =	sld [smem:$0x3FAE]  }
0x30: {  	s3 =	sld [smem:$0x3FB1]  }
0x31: {  	[smem:$0x3FBA] =	sst s10  }
0x32: {  	s10 =	sld [smem:$0x3FB8];
	_ =	sdelay $0x3  }
0x33: {  	p0 =	seq.s32 s10, $0x1;
	s10 =	sld [smem:$0x3FBA];
	_ =	sdelay $0x3  }
0x34: {  	[smem:$0x3FBA] =	sst s10  }
0x35: {  	s10 =	sld [smem:$0x3FB9];
	_ =	sdelay $0x3  }
0x36: {  	p1 =	seq.s32 s10, $0x1;
	s10 =	sld [smem:$0x3FBA];
	_ =	sdelay $0x3  }
0x37: {  	[smem:$0x3FBA] =	sst s10  }
0x38: {  	s10 =	sld [smem:$0x3FBB]  }
0x39: {  	_ = 	snop;
	(pc) =	sbr.ind lr, $3  }
0x3a: {  	_ = 	snop  }
0x3b: {  	_ = 	snop  }
0x3c: {  	p2 =	seq.s32 s10, $0x1;
	s10 =	sld [smem:$0x3FBA]  }
0x3d: {  	_ =	shalt  }
0x3e: {  	_ =	shalt  }
0x3f: {  	_ =	shalt  }
0x40: {  	_ =	shalt  }
0x41: {  	_ =	shalt  }
0x42: {  	_ =	shalt  }
0x43: {  	_ =	shalt  }
0x44: {  	_ =	shalt  }
0x45: {  	_ =	shalt  }
0x46: {  	_ =	shalt  }
0x47: {  	_ =	shalt  }
0x48: {  	_ =	shalt  }
0x49: {  	_ =	shalt  }
0x4a: {  	_ =	shalt  }
0x4b: {  	_ =	shalt  }
0x4c: {  	_ =	shalt  }
0x4d: {  	_ =	shalt  }
0x4e: {  	_ =	shalt  }
0x4f: {  	_ =	shalt  }
0x50: {  	_ =	shalt  }
0x51: {  	_ =	shalt  }
0x52: {  	_ =	shalt  }
0x53: {  	_ =	shalt  }
0x54: {  	_ =	shalt  }
0x55: {  	_ =	shalt  }
0x56: {  	_ =	shalt  }
0x57: {  	_ =	shalt  }
0x58: {  	_ =	shalt  }
0x59: {  	_ =	shalt  }
0x5a: {  	_ =	shalt  }
0x5b: {  	_ =	shalt  }
0x5c: {  	_ =	shalt  }
0x5d: {  	_ =	shalt  }
0x5e: {  	_ =	shalt  }
0x5f: {  	_ =	shalt  }
0x60: {  	_ =	shalt  }
0x61: {  	_ =	shalt  }
0x62: {  	_ =	shalt  }
0x63: {  	_ =	shalt  }
0x64: {  	_ =	shalt  }
0x65: {  	_ =	shalt  }
0x66: {  	_ =	shalt  }
0x67: {  	_ =	shalt  }
0x68: {  	_ =	shalt  }
0x69: {  	_ =	shalt  }
0x6a: {  	_ =	shalt  }
0x6b: {  	_ =	shalt  }
0x6c: {  	_ =	shalt  }
0x6d: {  	_ =	shalt  }
0x6e: {  	_ =	shalt  }
0x6f: {  	_ =	shalt  }
0x70: {  	_ =	shalt  }
0x71: {  	_ =	shalt  }
0x72: {  	_ =	shalt  }
0x73: {  	_ =	shalt  }
0x74: {  	_ =	shalt  }
0x75: {  	_ =	shalt  }
0x76: {  	_ =	shalt  }
0x77: {  	_ =	shalt  }
0x78: {  	_ =	shalt  }
0x79: {  	_ =	shalt  }
0x7a: {  	_ =	shalt  }
0x7b: {  	_ =	shalt  }
0x7c: {  	_ =	shalt  }
0x7d: {  	_ =	shalt  }
0x7e: {  	_ =	shalt  }
0x7f: {  	_ =	shalt  }
0x80: {  	_ =	shalt  }
0x81: {  	_ =	shalt  }
0x82: {  	_ =	shalt  }
0x83: {  	_ =	shalt  }
0x84: {  	_ =	shalt  }
0x85: {  	_ =	shalt  }
0x86: {  	_ =	shalt  }
0x87: {  	_ =	shalt  }
.Lfunc_end0:
.L_simem_size_0:
called_computation_lowered:
.L_overlay_start_0:
0x88: {  	s2 =	sld [smem:$0x3FD9]  }
0x89: {  	s3 =	sld [smem:$0x3FFE];
	_ =	sdelay $0x1  }
0x8a: {  	s1 =	srdreg.scid  }
0x8b: {  	s0 =	sand.u32 $0x1, s1  }
0x8c: {  	s17 =	sshll.u32 s0, $0xA;
	s2 =	sadd.s32 s3, s2  }
0x8d: {  	s2 =	sadd.s32 s2, s17  }
0x8e: {  	[smem:$0x3FC6] =	sst s2  }
0x8f: {  	_ = 	snop  }
0x90: {  	(tm) =	ssettm $0x1  }
0x91: {  	s18 =	sld [smem:$0x3FFB];
	_ =	sdelay $0x3  }
0x92: {  	_ =	strace s18  }
0x93: {  	s2 =	sld [smem:$0x3FFC];
	_ =	sdelay $0x3  }
0x94: {  	_ =	strace s2  }
0x95: {  	s2 =	sld [smem:$0x3FFD];
	_ =	sdelay $0x3  }
0x96: {  	_ =	strace s2  }
0x97: {  	_ =	strace $0x8FFFFFFF  }
0x98: {  	s19 =	sld [smem:$0x3FDB];
	_ =	sdelay $0x1  }
0x99: {  	s20 =	simm.s32 $_scs_section_size  }
0x9a: {  	s4 =	simm.s32 $_size__tile_overlayer_lowered;
	s5 =	simm.s32 $_tile_overlayer_lowered  }
0x9b: {  	s6 =	simm.s32 $0x1BFF;
	s21 =	sshll.u32 s5, $0x1;
	s3 =	sadd.s32 s20, s19  }
0x9c: {  	s22 =	simm.s32 $0x0;
	s4 =	sshll.u32 s4, $0x1;
	s5 =	sadd.s32 s21, s3  }
0x9d: {  	[timem:s22], [sflag:s6] =	dma.local [hbm:s5], s4  }
0x9e: {  	_ =	swait.ge [sflag:s6], s4  }
0x9f: {  	s4 =	ssub.s32 $0x0, s4;
	[sflag:s6] =	ssyncset.done $0x0  }
0xa0: {  	[sflag:s6] =	ssyncadd.s32 s4;
	_ =	sdelay $0x1  }
0xa1: {  	s23 =	simm.s32 $0x1B8B  }
0xa2: {  	_ =	swait.ge [sflag:s23], $0x1  }
0xa3: {  	[sflag:s23] =	ssyncset.done $0x0  }
0xa4: {  	[sflag:s23] =	ssyncadd.s32 $0xFFFFFFFF  }
0xa5: {  	s4 =	sld [smem:$0x0]  }
0xa6: {  	s5 =	sand.u32 $0xFFFFFFFE, s1  }
0xa7: {  	p0 =	sne.s32 s1, s5  }
0xa8: {  	s5 =	sshll.u32 @p0 s5, $0xE  }
0xa9: {  	s5 =	sadd.s32 @p0 $0x11B8D, s5;
	s6 =	sshll.u32 @p0 s4, $0x11  }
0xaa: {  	s5 =	sor.u32 @p0 s6, s5  }
0xab: {  	[sflag:s5] =	ssyncadd.remote.s32 @p0 $0x1;
	_ =	sdelay $0x1  }
0xac: {  	s5 =	simm.s32 @p0 $0x1B8D  }
0xad: {  	_ =	swait.eq @p0 [sflag:s5], $0x1  }
0xae: {  	[sflag:s5] =	ssyncadd.s32 @p0 $0xFFFFFFFF  }
0xaf: {  	s6 =	sshll.u32 @!p0 s1, $0xE  }
0xb0: {  	s6 =	sor.u32 @!p0 $0x4000, s6;
	s5 =	simm.s32 @!p0 $0x1B8D  }
0xb1: {  	s4 =	sshll.u32 @!p0 s4, $0x11;
	s6 =	sadd.s32 @!p0 $0x11B8D, s6;
	_ =	swait.eq @!p0 [sflag:s5], $0x1  }
0xb2: {  	s4 =	sor.u32 @!p0 s4, s6;
	[sflag:s5] =	ssyncadd.s32 @!p0 $0xFFFFFFFF  }
0xb3: {  	s25 =	simm.s32 $0x1B8E;
	s24 =	sld [smem:$0x3FFE];
	[sflag:s4] =	ssyncadd.remote.s32 @!p0 $0x1  }
0xb4: {  	s26 =	simm.s32 $execute0_lowered;
	[smem:$0x3FD2] =	sst s25  }
0xb5: {  	s5 =	sshll.u32 s26, $0x1;
	_ =	strace $0x80000049;
	[dreg:$0x1] =	wrdreg $0xFFFFFFFF  }
0xb6: {  	s28 =	simm.s32 $_size_execute0_lowered;
	s3 =	sadd.s32 s3, s5;
	[dreg:$0x0] =	wrdreg $0x0  }
0xb7: {  	s5 =	sshll.u32 s28, $0x1;
	[dreg:$0x2] =	wrdreg s3  }
0xb8: {  	[dreg:$0x3] =	wrdreg s5  }
0xb9: {  	[dreg:$0x4] =	wrdreg $0xC0  }
0xba: {  	_ =	task [dreg:s22], $0x5FFFF  }
0xbb: {  	[dreg:$0x1] =	wrdreg $0xFFFFFFFF  }
0xbc: {  	[dreg:$0x0] =	wrdreg $0x60  }
0xbd: {  	[dreg:$0x2] =	wrdreg s24  }
0xbe: {  	[dreg:$0x3] =	wrdreg $0x9  }
0xbf: {  	_ =	task.clear_ibuf [dreg:s22], $0x4FFFF;
	_ =	strace $0x90000049  }
0xc0: {  	s29 =	simm.s32 $0x9;
	_ =	strace $0x8000004B  }
0xc1: {  	_ =	swait.ge [sflag:s29], $0x1  }
0xc2: {  	[sflag:s29] =	ssyncadd.s32 $0xFFFFFFFF  }
0xc3: {  	_ =	strace $0x9000004B  }
0xc4: {  	_ =	sfence  }
0xc5: {  	s30 =	sld [smem:$0x0];
	_ =	sdelay $0x2  }
0xc6: {  	s31 =	sshll.u32 s1, $0xD;
	s1 =	sshrl.u32 s1, $0x2  }
0xc7: {  	s4 =	sand.u32 $0x4000, s31;
	s1 =	sadd.s32 s1, s30  }
0xc8: {  	s0 =	sor.u32 s4, s0;
	s1 =	sshll.u32 s1, $0x11  }
0xc9: {  	s0 =	sor.u32 s1, s0  }
0xca: {  	s0 =	sadd.s32 $0x8F2B, s0  }
0xcb: {  	[sflag:s0] =	ssyncadd.remote.s32 $0x1  }
0xcc: {  	_ =	sfence.sel $0xFFFF  }
0xcd: {  	[dreg:$0x0] =	wrdreg $0xFFFFFFFF;
	(pc) =	sbr.abs _section_cstart, $3  }
0xce: {  	[dreg:$0x1] =	wrdreg $0xFFFFFFFF  }
0xcf: {  	_ =	task.clear_ibuf [dreg:s22], $0x2FFFF;
	_ =	strace $0x9FFFFFFF  }
0xd0: {  	(tm) =	ssettm $0x7FFFFFFF  }
0xd1: {  	_ =	shalt  }
tec
execute0_lowered:
.L_overlay_start_1:
0x0: {  	(tag) =	ssettag $0x1  }
0x1: {  	s1 =	srdreg.scid  }
0x2: {  	s0 =	stileid.u32;
	s6 =	rddreg [dreg:$0x0]  }
0x3: {  	s3 =	simm.s32 $0x1;
	s12 =	simm.s32 $0x80;
	s4 =	sand.u32 $0x1, s1  }
0x4: {  	s13 =	simm.s32 $0x200;
	s30 =	sshll.u32 s0, $0xA;
	s2 =	sshll.u32 s4, $0x9  }
0x5: {  	s14 =	simm.s32 $0x4200;
	s15 =	simm.s32 $0x8200;
	s5 =	sor.u32 s2, s30  }
0x6: {  	s16 =	simm.s32 $0x100;
	p1 =	seq.s32 s4, $0x1;
	p0 =	seq.s32 s5, $0x0  }
0x7: {  	s17 =	simm.s32 $0x2;
	s18 =	simm.s32 $0x180;
	p0 =	por !p0, !p1  }
0x8: {  	s19 =	simm.s32 $0x0;
	s1 =	rddreg [dreg:$0x1];
	p0 =	por !p0, !p0  }
0x9: {  	s8 =	sshll.u32 s4, $0x10;
	s31 =	ssub.s32 $0x2, s4;
	s3 =	simm.s32 @!p0 $0x0  }
0xa: {  	s4 =	simm.s32 $0x1;
	s2 =	simm.s32 $0x0;
	s7 =	ssub.s32 s0, s3  }
0xb: {  	s9 =	sshrl.u32 s31, $0x1;
	[smem:$0x7FF] =	sst s2;
	s7 =	sshll.u32 s7, $0x11  }
0xc: {  	s5 =	sshrl.u32 s5, $0x3;
	s11 =	ssub.s32 s31, s9;
	s7 =	sor.u32 s8, s7  }
0xd: {  	_ =	strace $0x8000004A;
	s5 =	sadd.s32 s5, s6;
	s7 =	sshrl.u32 s7, $0x3  }
0xe: {  	s5 =	sadd.s32 $0x46400, s5;
	s3 =	sadd.s32 $0x1400, s6;
	s10 =	sadd.s32 s7, s6  }
0xf: {  	s6 =	sadd.s32 $0x46C00, s10;
	s7 =	sadd.s32 $0x47400, s10;
	s8 =	sadd.s32 $0x47C00, s10  }
0x10: {  	s9 =	sadd.s32 $0x48400, s10;
	s10 =	smax.u32 s11, $0x1;
	s11 =	simm.s32 $0x3  }
.LBB2_1:
0x11: {  	[tilespmem:s2], [sflag:$0x3] =	stream.linear.gather [hbm4b:s5+s2], $0x200, $0x38;
	[tilespmem:$0xC200] =	vst v63  }
0x12: {  	_ =	swait.ge [sflag:s11], $0x200  }
0x13: {  	[sflag:s11] =	ssyncset.done $0x0  }
0x14: {  	[sflag:s11] =	ssyncadd.s32 $0xFFFFFE00  }
0x15: {  	[tilespmem:s13], [sflag:$0x1] =	stream.indirect.gather [hbm4b:s3+s12], $0x80, s2, s12, $0xb8;
	[tilespmem:$0xC200] =	vst v63  }
0x16: {  	_ = 	snop  }
0x17: {  	[tilespmem:s14], [sflag:$0x2] =	stream.indirect.gather [hbm4b:s3+s12], $0x80, s12, s12, $0xb8;
	[tilespmem:$0xC200] =	vst v63  }
0x18: {  	_ =	swait.ge [sflag:s4], $0x4000  }
0x19: {  	[sflag:s4] =	ssyncset.done $0x0  }
0x1a: {  	s20 =	simm.s32 $0x0;
	[sflag:s4] =	ssyncadd.s32 $0xFFFFC000  }
0x1b: {  	v0 =	vld [tilespmem:s20+$0x230]  }
0x1c: {  	v1 =	vld [tilespmem:s20+$0x200]  }
0x1d: {  	v2 =	vld [tilespmem:s20+$0x210]  }
0x1e: {  	s21 =	simm.s32 $0x200;
	v3 =	vld [tilespmem:s20+$0x220]  }
.LBB2_2:
0x1f: {  	p0 =	sne.s32 s21, $0xFE00  }
.Ltmp0:
0x20: {  	s22 =	sshra.s32 s21, $0x2;
	s21 =	sadd.s32 $0x200, s21;
	[tilespmem:s20+$0x8230] =	vst v0;
	(pc) =	sbr.rel @p0 .LBB2_2-.Ltmp0, $4  }
0x21: {  	v0 =	vld [tilespmem:s22+$0x230];
	[tilespmem:s20+$0x8200] =	vst v1  }
0x22: {  	v1 =	vld [tilespmem:s22+$0x200];
	[tilespmem:s20+$0x8210] =	vst v2  }
0x23: {  	v2 =	vld [tilespmem:s22+$0x210];
	[tilespmem:s20+$0x8220] =	vst v3;
	s20 =	smov.u32 s22  }
0x24: {  	v3 =	vld [tilespmem:s20+$0x220]  }
0x25: {  	_ = 	snop  }
0x26: {  	[tilespmem:s20+$0x8230] =	vst v0  }
0x27: {  	[tilespmem:s20+$0x8200] =	vst v1  }
0x28: {  	[tilespmem:s20+$0x8210] =	vst v2  }
0x29: {  	s31 =	simm.s32 $0x0;
	[tilespmem:s20+$0x8220] =	vst v3  }
0x2a: {  	[hbm4b:s6+s31] =	stream.linear.scatter [tilespmem:s15], [sflag:$0x3], $0x4000, $0x38;
	[tilespmem:$0xC200] =	vst v63  }
0x2b: {  	_ =	swait.ge [sflag:s11], $0x4000  }
0x2c: {  	[sflag:s11] =	ssyncset.done $0x0  }
0x2d: {  	[sflag:s11] =	ssyncadd.s32 $0xFFFFC000  }
0x2e: {  	[tilespmem:s13], [sflag:$0x1] =	stream.indirect.gather [hbm4b:s3+s12], $0x80, s16, s12, $0xb8;
	[tilespmem:$0xC200] =	vst v63  }
0x2f: {  	_ =	swait.ge [sflag:s17], $0x4000  }
0x30: {  	[sflag:s17] =	ssyncset.done $0x0  }
0x31: {  	s20 =	simm.s32 $0x0;
	[sflag:s17] =	ssyncadd.s32 $0xFFFFC000  }
0x32: {  	v0 =	vld [tilespmem:s20+$0x4230]  }
0x33: {  	v1 =	vld [tilespmem:s20+$0x4200]  }
0x34: {  	v2 =	vld [tilespmem:s20+$0x4210]  }
0x35: {  	s21 =	simm.s32 $0x200;
	v3 =	vld [tilespmem:s20+$0x4220]  }
.LBB2_4:
0x36: {  	p0 =	sne.s32 s21, $0xFE00  }
.Ltmp1:
0x37: {  	s22 =	sshra.s32 s21, $0x2;
	s21 =	sadd.s32 $0x200, s21;
	[tilespmem:s20+$0x8230] =	vst v0;
	(pc) =	sbr.rel @p0 .LBB2_4-.Ltmp1, $4  }
0x38: {  	v0 =	vld [tilespmem:s22+$0x4230];
	[tilespmem:s20+$0x8200] =	vst v1  }
0x39: {  	v1 =	vld [tilespmem:s22+$0x4200];
	[tilespmem:s20+$0x8210] =	vst v2  }
0x3a: {  	v2 =	vld [tilespmem:s22+$0x4210];
	[tilespmem:s20+$0x8220] =	vst v3;
	s20 =	smov.u32 s22  }
0x3b: {  	v3 =	vld [tilespmem:s20+$0x4220]  }
0x3c: {  	_ = 	snop  }
0x3d: {  	[tilespmem:s20+$0x8230] =	vst v0  }
0x3e: {  	[tilespmem:s20+$0x8200] =	vst v1  }
0x3f: {  	[tilespmem:s20+$0x8210] =	vst v2  }
0x40: {  	s31 =	simm.s32 $0x0;
	[tilespmem:s20+$0x8220] =	vst v3  }
0x41: {  	[hbm4b:s7+s31] =	stream.linear.scatter [tilespmem:s15], [sflag:$0x3], $0x4000, $0x38;
	[tilespmem:$0xC200] =	vst v63  }
0x42: {  	_ =	swait.ge [sflag:s11], $0x4000  }
0x43: {  	[sflag:s11] =	ssyncset.done $0x0  }
0x44: {  	[sflag:s11] =	ssyncadd.s32 $0xFFFFC000  }
0x45: {  	[tilespmem:s14], [sflag:$0x2] =	stream.indirect.gather [hbm4b:s3+s12], $0x80, s18, s12, $0xb8;
	[tilespmem:$0xC200] =	vst v63  }
0x46: {  	_ =	swait.ge [sflag:s4], $0x4000  }
0x47: {  	[sflag:s4] =	ssyncset.done $0x0  }
0x48: {  	s20 =	simm.s32 $0x0;
	[sflag:s4] =	ssyncadd.s32 $0xFFFFC000  }
0x49: {  	v0 =	vld [tilespmem:s20+$0x230]  }
0x4a: {  	v1 =	vld [tilespmem:s20+$0x200]  }
0x4b: {  	v2 =	vld [tilespmem:s20+$0x210]  }
0x4c: {  	s21 =	simm.s32 $0x200;
	v3 =	vld [tilespmem:s20+$0x220]  }
.LBB2_6:
0x4d: {  	p0 =	sne.s32 s21, $0xFE00  }
.Ltmp2:
0x4e: {  	s22 =	sshra.s32 s21, $0x2;
	s21 =	sadd.s32 $0x200, s21;
	[tilespmem:s20+$0x8230] =	vst v0;
	(pc) =	sbr.rel @p0 .LBB2_6-.Ltmp2, $4  }
0x4f: {  	v0 =	vld [tilespmem:s22+$0x230];
	[tilespmem:s20+$0x8200] =	vst v1  }
0x50: {  	v1 =	vld [tilespmem:s22+$0x200];
	[tilespmem:s20+$0x8210] =	vst v2  }
0x51: {  	v2 =	vld [tilespmem:s22+$0x210];
	[tilespmem:s20+$0x8220] =	vst v3;
	s20 =	smov.u32 s22  }
0x52: {  	v3 =	vld [tilespmem:s20+$0x220]  }
0x53: {  	_ = 	snop  }
0x54: {  	[tilespmem:s20+$0x8230] =	vst v0  }
0x55: {  	[tilespmem:s20+$0x8200] =	vst v1  }
0x56: {  	[tilespmem:s20+$0x8210] =	vst v2  }
0x57: {  	s31 =	simm.s32 $0x0;
	[tilespmem:s20+$0x8220] =	vst v3  }
0x58: {  	[hbm4b:s8+s31] =	stream.linear.scatter [tilespmem:s15], [sflag:$0x3], $0x4000, $0x38;
	[tilespmem:$0xC200] =	vst v63  }
0x59: {  	_ =	swait.ge [sflag:s11], $0x4000  }
0x5a: {  	[sflag:s11] =	ssyncset.done $0x0  }
0x5b: {  	[sflag:s11] =	ssyncadd.s32 $0xFFFFC000  }
0x5c: {  	_ =	swait.ge [sflag:s17], $0x4000  }
0x5d: {  	[sflag:s17] =	ssyncset.done $0x0  }
0x5e: {  	s20 =	simm.s32 $0x0;
	[sflag:s17] =	ssyncadd.s32 $0xFFFFC000  }
0x5f: {  	v0 =	vld [tilespmem:s20+$0x4230]  }
0x60: {  	v1 =	vld [tilespmem:s20+$0x4200]  }
0x61: {  	v2 =	vld [tilespmem:s20+$0x4210]  }
0x62: {  	s21 =	simm.s32 $0x200;
	v3 =	vld [tilespmem:s20+$0x4220]  }
.LBB2_8:
0x63: {  	p0 =	sne.s32 s21, $0xFE00  }
.Ltmp3:
0x64: {  	s22 =	sshra.s32 s21, $0x2;
	s21 =	sadd.s32 $0x200, s21;
	[tilespmem:s20+$0x8230] =	vst v0;
	(pc) =	sbr.rel @p0 .LBB2_8-.Ltmp3, $4  }
0x65: {  	v0 =	vld [tilespmem:s22+$0x4230];
	[tilespmem:s20+$0x8200] =	vst v1  }
0x66: {  	v1 =	vld [tilespmem:s22+$0x4200];
	[tilespmem:s20+$0x8210] =	vst v2  }
0x67: {  	v2 =	vld [tilespmem:s22+$0x4210];
	[tilespmem:s20+$0x8220] =	vst v3;
	s20 =	smov.u32 s22  }
0x68: {  	v3 =	vld [tilespmem:s20+$0x4220]  }
0x69: {  	_ = 	snop  }
0x6a: {  	[tilespmem:s20+$0x8230] =	vst v0  }
0x6b: {  	s19 =	sadd.s32 $0x1, s19;
	[tilespmem:s20+$0x8200] =	vst v1  }
0x6c: {  	p0 =	sne.s32 s19, s10;
	[tilespmem:s20+$0x8210] =	vst v2  }
.Ltmp4:
0x6d: {  	[tilespmem:s20+$0x8220] =	vst v3;
	(pc) =	sbr.rel @p0 .LBB2_1-.Ltmp4, $4  }
0x6e: {  	[hbm4b:s9+s2] =	stream.linear.scatter [tilespmem:s15], [sflag:$0x3], $0x4000, $0x38;
	[tilespmem:$0xC200] =	vst v63  }
0x6f: {  	_ =	swait.ge [sflag:s11], $0x4000  }
0x70: {  	[sflag:s11] =	ssyncset.done $0x0  }
0x71: {  	[sflag:s11] =	ssyncadd.s32 $0xFFFFC000  }
0x72: {  	_ =	sfence.sel $0x180000  }
0x73: {  	[bflag:$0x0] =	sbarrier.arrive $0xFFFF  }
0x74: {  	p0 =	sne.s32 s0, $0x0;
	_ =	strace $0x9000004A  }
0x75: {  	s0 =	sadd.s32 @!p0 $0x100000, s1;
	[bflag:$0x2] =	sbarrier.arrive $0xFFFF  }
0x76: {  	[sflag:s0] =	ssyncadd.tile.s32 @!p0 $0x1;
	_ =	shalt  }
.Lfunc_end2:
_tile_overlayer_lowered:
.L_overlay_start_2:
0x77: {  	(tag) =	ssettag $0x2  }
0x78: {  	s0 =	rddreg [dreg:$0x0];
	s2 =	stileid.u32  }
0x79: {  	s1 =	rddreg [dreg:$0x1];
	p0 =	sne.s32 s2, $0x0  }
0x7a: {  	s3 =	rddreg [dreg:$0x2];
	[bflag:$0x3] =	sbarrier.arrive $0xFFFF;
	s2 =	simm.s32 @!p0 $0x1C03  }
0x7b: {  	[timem:s3], [sflag:s2] =	dma.local @!p0 [hbm:s0], s1  }
0x7c: {  	s0 =	simm.s32 @!p0 $0x3  }
0x7d: {  	_ =	swait.ge @!p0 [sflag:s0], s1  }
0x7e: {  	s1 =	ssub.s32 @!p0 $0x0, s1;
	[sflag:s0] =	ssyncset.done @!p0 $0x0  }
0x7f: {  	[sflag:s0] =	ssyncadd.s32 @!p0 s1  }
0x80: {  	[bflag:$0x3] =	sbarrier.arrive $0xFFFF  }
0x81: {  	_ =	shalt  }

// kernel: kernel.13.cloned.1.call-start
scs
__scs_entry_jumppad:
0x0: {  	(pc) =	sbr.rel $0x88, $3  }
0x1: {  	(tag) =	ssettag $0x0;
	lr =	simm.s32 $0x1  }
0x2: {  	[smem:$0x3F9F] =	sst lr;
	_ =	strace $0xD0000000  }
0x3: {  	_ = 	snop  }
0x4: {  	_ = 	snop  }
0x5: {  	_ = 	snop  }
0x6: {  	_ = 	snop  }
0x7: {  	_ = 	snop  }
__scs_overlays_trampoline_lowered:
0x8: {  	[smem:$0x3FAE] =	sst s0  }
0x9: {  	[smem:$0x3FAF] =	sst s1  }
0xa: {  	[smem:$0x3FB0] =	sst s2  }
0xb: {  	[smem:$0x3FB1] =	sst s3  }
0xc: {  	[smem:$0x3FB2] =	sst s4  }
0xd: {  	[smem:$0x3FB3] =	sst s5  }
0xe: {  	[smem:$0x3FB4] =	sst s6  }
0xf: {  	[smem:$0x3FB5] =	sst s7  }
0x10: {  	[smem:$0x3FB6] =	sst s8  }
0x11: {  	[smem:$0x3FB7] =	sst s9;
	s0 =	simm.s32 @!p0 $0x0  }
0x12: {  	s1 =	sld [smem:$0x3F9D];
	s0 =	simm.s32 @p0 $0x1  }
0x13: {  	[smem:$0x3FB8] =	sst s0;
	s0 =	simm.s32 @!p1 $0x0  }
0x14: {  	s2 =	sld [smem:$0x3F9C];
	s0 =	simm.s32 @p1 $0x1  }
0x15: {  	[smem:$0x3FB9] =	sst s0;
	s0 =	simm.s32 @!p2 $0x0  }
0x16: {  	s3 =	sld [smem:$0x3FDB];
	s0 =	simm.s32 @p2 $0x1  }
0x17: {  	s4 =	simm.s32 $0x1BF5;
	[smem:$0x3FBB] =	sst s0  }
0x18: {  	s0 =	sld [smem:$0x3F9E];
	_ =	swait.ge [sflag:s4], $0x0  }
0x19: {  	s7 =	sld [smem:$0x3F9F]  }
0x1a: {  	s8 =	sadd.s32 $0xFFFFE003, lr  }
0x1b: {  	s9 =	sadd.s32 $0xFFFFFEF7, lr;
	s5 =	simm.s32 $0xFFFFFFFF;
	p2 =	slt.u32 s8, $0xFFFFF086  }
0x1c: {  	p1 =	slt.u32 s9, $0xF7A;
	s5 =	simm.s32 @!p2 $0x0  }
0x1d: {  	s5 =	simm.s32 @p1 $0x1;
	p0 =	seq.s32 s7, s2  }
0x1e: {  	s7 =	smul.u32 @!p0 $0xF7A, s2;
	p2 =	seq.s32 @!p0 s5, $0x0  }
0x1f: {  	s9 =	smul.u32 $0xF7A, s1;
	s8 =	simm.s32 @!p0 $0x1BF5;
	p2 =	por !p2, p0  }
0x20: {  	[sflag:s8] =	ssyncset.s32 @!p0 $0xFFFFF086;
	s6 =	sadd.s32 @!p0 s3, s7;
	s7 =	simm.s32 @!p0 $0x108  }
0x21: {  	s3 =	sadd.s32 s3, s9;
	s6 =	sadd.s32 @!p0 $0x88, s6;
	s7 =	simm.s32 @p2 $0x1082  }
0x22: {  	[simem:s7], [sflag:s8] =	dma.local @!p0 [hbm:s6], $0xF7A  }
0x23: {  	s9 =	sor.u32 $0xD0000000, s2;
	s6 =	simm.s32 $0x108;
	_ =	swait.ge @!p0 [sflag:s8], $0x0  }
0x24: {  	s3 =	sadd.s32 $0x88, s3;
	s6 =	simm.s32 @!p1 $0x1082;
	[sflag:s4] =	ssyncset.s32 $0xFFFFF086  }
0x25: {  	[simem:s6], [sflag:s4] =	dma.local [hbm:s3], $0xF7A  }
0x26: {  	[smem:$0x3F9F] =	sst s1;
	(tag) =	ssettag s2;
	_ =	strace s9  }
0x27: {  	s1 =	sld [smem:$0x3FAF]  }
0x28: {  	s2 =	sld [smem:$0x3FB0]  }
0x29: {  	s4 =	sld [smem:$0x3FB2]  }
0x2a: {  	p0 =	seq.s32 s5, $0x0;
	s5 =	sld [smem:$0x3FB3]  }
0x2b: {  	s6 =	sld [smem:$0x3FB4]  }
0x2c: {  	s7 =	sld [smem:$0x3FB5]  }
0x2d: {  	s3 =	simm.s32 $0x108;
	s8 =	sld [smem:$0x3FB6]  }
0x2e: {  	s3 =	simm.s32 @!p0 $0x1082;
	s9 =	sld [smem:$0x3FB7]  }
0x2f: {  	lr =	sadd.s32 s0, s3;
	s0 =	sld [smem:$0x3FAE]  }
0x30: {  	s3 =	sld [smem:$0x3FB1]  }
0x31: {  	[smem:$0x3FBA] =	sst s10  }
0x32: {  	s10 =	sld [smem:$0x3FB8];
	_ =	sdelay $0x3  }
0x33: {  	p0 =	seq.s32 s10, $0x1;
	s10 =	sld [smem:$0x3FBA];
	_ =	sdelay $0x3  }
0x34: {  	[smem:$0x3FBA] =	sst s10  }
0x35: {  	s10 =	sld [smem:$0x3FB9];
	_ =	sdelay $0x3  }
0x36: {  	p1 =	seq.s32 s10, $0x1;
	s10 =	sld [smem:$0x3FBA];
	_ =	sdelay $0x3  }
0x37: {  	[smem:$0x3FBA] =	sst s10  }
0x38: {  	s10 =	sld [smem:$0x3FBB]  }
0x39: {  	_ = 	snop;
	(pc) =	sbr.ind lr, $3  }
0x3a: {  	_ = 	snop  }
0x3b: {  	_ = 	snop  }
0x3c: {  	p2 =	seq.s32 s10, $0x1;
	s10 =	sld [smem:$0x3FBA]  }
0x3d: {  	_ =	shalt  }
0x3e: {  	_ =	shalt  }
0x3f: {  	_ =	shalt  }
0x40: {  	_ =	shalt  }
0x41: {  	_ =	shalt  }
0x42: {  	_ =	shalt  }
0x43: {  	_ =	shalt  }
0x44: {  	_ =	shalt  }
0x45: {  	_ =	shalt  }
0x46: {  	_ =	shalt  }
0x47: {  	_ =	shalt  }
0x48: {  	_ =	shalt  }
0x49: {  	_ =	shalt  }
0x4a: {  	_ =	shalt  }
0x4b: {  	_ =	shalt  }
0x4c: {  	_ =	shalt  }
0x4d: {  	_ =	shalt  }
0x4e: {  	_ =	shalt  }
0x4f: {  	_ =	shalt  }
0x50: {  	_ =	shalt  }
0x51: {  	_ =	shalt  }
0x52: {  	_ =	shalt  }
0x53: {  	_ =	shalt  }
0x54: {  	_ =	shalt  }
0x55: {  	_ =	shalt  }
0x56: {  	_ =	shalt  }
0x57: {  	_ =	shalt  }
0x58: {  	_ =	shalt  }
0x59: {  	_ =	shalt  }
0x5a: {  	_ =	shalt  }
0x5b: {  	_ =	shalt  }
0x5c: {  	_ =	shalt  }
0x5d: {  	_ =	shalt  }
0x5e: {  	_ =	shalt  }
0x5f: {  	_ =	shalt  }
0x60: {  	_ =	shalt  }
0x61: {  	_ =	shalt  }
0x62: {  	_ =	shalt  }
0x63: {  	_ =	shalt  }
0x64: {  	_ =	shalt  }
0x65: {  	_ =	shalt  }
0x66: {  	_ =	shalt  }
0x67: {  	_ =	shalt  }
0x68: {  	_ =	shalt  }
0x69: {  	_ =	shalt  }
0x6a: {  	_ =	shalt  }
0x6b: {  	_ =	shalt  }
0x6c: {  	_ =	shalt  }
0x6d: {  	_ =	shalt  }
0x6e: {  	_ =	shalt  }
0x6f: {  	_ =	shalt  }
0x70: {  	_ =	shalt  }
0x71: {  	_ =	shalt  }
0x72: {  	_ =	shalt  }
0x73: {  	_ =	shalt  }
0x74: {  	_ =	shalt  }
0x75: {  	_ =	shalt  }
0x76: {  	_ =	shalt  }
0x77: {  	_ =	shalt  }
0x78: {  	_ =	shalt  }
0x79: {  	_ =	shalt  }
0x7a: {  	_ =	shalt  }
0x7b: {  	_ =	shalt  }
0x7c: {  	_ =	shalt  }
0x7d: {  	_ =	shalt  }
0x7e: {  	_ =	shalt  }
0x7f: {  	_ =	shalt  }
0x80: {  	_ =	shalt  }
0x81: {  	_ =	shalt  }
0x82: {  	_ =	shalt  }
0x83: {  	_ =	shalt  }
0x84: {  	_ =	shalt  }
0x85: {  	_ =	shalt  }
0x86: {  	_ =	shalt  }
0x87: {  	_ =	shalt  }
.Lfunc_end0:
.L_simem_size_0:
called_computation.1_lowered:
.L_overlay_start_0:
0x88: {  	s2 =	sld [smem:$0x3FD9]  }
0x89: {  	s3 =	sld [smem:$0x3FFE];
	_ =	sdelay $0x1  }
0x8a: {  	s1 =	srdreg.scid  }
0x8b: {  	s0 =	sand.u32 $0x1, s1  }
0x8c: {  	s16 =	sshll.u32 s0, $0xA;
	s2 =	sadd.s32 s3, s2  }
0x8d: {  	s2 =	sadd.s32 s2, s16  }
0x8e: {  	[smem:$0x3FC6] =	sst s2  }
0x8f: {  	_ = 	snop  }
0x90: {  	(tm) =	ssettm $0x1  }
0x91: {  	s17 =	sld [smem:$0x3FFB];
	_ =	sdelay $0x3  }
0x92: {  	_ =	strace s17  }
0x93: {  	s2 =	sld [smem:$0x3FFC];
	_ =	sdelay $0x3  }
0x94: {  	_ =	strace s2  }
0x95: {  	s2 =	sld [smem:$0x3FFD];
	_ =	sdelay $0x3  }
0x96: {  	_ =	strace s2  }
0x97: {  	_ =	strace $0x8FFFFFFF  }
0x98: {  	s18 =	sld [smem:$0x3FDB];
	_ =	sdelay $0x1  }
0x99: {  	s19 =	simm.s32 $_scs_section_size  }
0x9a: {  	s4 =	simm.s32 $_size__tile_overlayer_lowered;
	s5 =	simm.s32 $_tile_overlayer_lowered  }
0x9b: {  	s22 =	simm.s32 $0x1BFF;
	s21 =	sshll.u32 s5, $0x1;
	s2 =	sadd.s32 s19, s18  }
0x9c: {  	s6 =	simm.s32 $0x0;
	s20 =	sshll.u32 s4, $0x1;
	s4 =	sadd.s32 s21, s2  }
0x9d: {  	[timem:s6], [sflag:s22] =	dma.local [hbm:s4], s20  }
0x9e: {  	_ =	swait.ge [sflag:s22], s20  }
0x9f: {  	s3 =	ssub.s32 $0x0, s20;
	[sflag:s22] =	ssyncset.done $0x0  }
0xa0: {  	[sflag:s22] =	ssyncadd.s32 s3;
	_ =	sdelay $0x1  }
0xa1: {  	s23 =	simm.s32 $0x1B8B  }
0xa2: {  	_ =	swait.ge [sflag:s23], $0x1  }
0xa3: {  	[sflag:s23] =	ssyncset.done $0x0  }
0xa4: {  	s25 =	simm.s32 $0x1B8E;
	s24 =	sld [smem:$0x3FFE];
	[sflag:s23] =	ssyncadd.s32 $0xFFFFFFFF  }
0xa5: {  	s26 =	simm.s32 $execute0_lowered;
	[smem:$0x3FD2] =	sst s25  }
0xa6: {  	s4 =	sshll.u32 s26, $0x1;
	_ =	strace $0x80000046;
	[dreg:$0x1] =	wrdreg $0xFFFFFFFF  }
0xa7: {  	s28 =	simm.s32 $_size_execute0_lowered;
	s2 =	sadd.s32 s2, s4;
	[dreg:$0x0] =	wrdreg $0x0  }
0xa8: {  	s4 =	sshll.u32 s28, $0x1;
	[dreg:$0x2] =	wrdreg s2  }
0xa9: {  	[dreg:$0x3] =	wrdreg s4  }
0xaa: {  	[dreg:$0x4] =	wrdreg $0xC0  }
0xab: {  	_ =	task [dreg:s6], $0x5FFFF  }
0xac: {  	[dreg:$0x1] =	wrdreg $0xFFFFFFFF  }
0xad: {  	[dreg:$0x0] =	wrdreg $0x60  }
0xae: {  	[dreg:$0x2] =	wrdreg s24  }
0xaf: {  	[dreg:$0x3] =	wrdreg $0xA  }
0xb0: {  	_ =	task.clear_ibuf [dreg:s6], $0x4FFFF;
	_ =	strace $0x90000046  }
0xb1: {  	s29 =	simm.s32 $0xA;
	_ =	strace $0x80000048  }
0xb2: {  	_ =	swait.ge [sflag:s29], $0x1  }
0xb3: {  	[sflag:s29] =	ssyncadd.s32 $0xFFFFFFFF  }
0xb4: {  	_ =	strace $0x90000048  }
0xb5: {  	_ =	sfence  }
0xb6: {  	s30 =	sld [smem:$0x0];
	_ =	sdelay $0x2  }
0xb7: {  	s31 =	sshll.u32 s1, $0xD;
	s1 =	sshrl.u32 s1, $0x2  }
0xb8: {  	s3 =	sand.u32 $0x4000, s31;
	s1 =	sadd.s32 s1, s30  }
0xb9: {  	s0 =	sor.u32 s3, s0;
	s1 =	sshll.u32 s1, $0x11  }
0xba: {  	s0 =	sor.u32 s1, s0  }
0xbb: {  	s0 =	sadd.s32 $0x8F2B, s0  }
0xbc: {  	[sflag:s0] =	ssyncadd.remote.s32 $0x1  }
0xbd: {  	_ =	sfence.sel $0xFFFF  }
0xbe: {  	[dreg:$0x0] =	wrdreg $0xFFFFFFFF;
	(pc) =	sbr.abs _section_cstart, $3  }
0xbf: {  	[dreg:$0x1] =	wrdreg $0xFFFFFFFF  }
0xc0: {  	_ =	task.clear_ibuf [dreg:s6], $0x2FFFF;
	_ =	strace $0x9FFFFFFF  }
0xc1: {  	(tm) =	ssettm $0x7FFFFFFF  }
tec
execute0_lowered:
.L_overlay_start_1:
0x0: {  	(tag) =	ssettag $0x1  }
0x1: {  	s1 =	srdreg.scid  }
0x2: {  	s0 =	stileid.u32;
	s6 =	rddreg [dreg:$0x0]  }
0x3: {  	s3 =	simm.s32 $0x1;
	s12 =	simm.s32 $0x80;
	s4 =	sand.u32 $0x1, s1  }
0x4: {  	s13 =	simm.s32 $0x200;
	s30 =	sshll.u32 s0, $0xA;
	s2 =	sshll.u32 s4, $0x9  }
0x5: {  	s14 =	simm.s32 $0x4200;
	s15 =	simm.s32 $0x8200;
	s5 =	sor.u32 s2, s30  }
0x6: {  	s16 =	simm.s32 $0x100;
	p1 =	seq.s32 s4, $0x1;
	p0 =	seq.s32 s5, $0x0  }
0x7: {  	s17 =	simm.s32 $0x2;
	s18 =	simm.s32 $0x180;
	p0 =	por !p0, !p1  }
0x8: {  	s19 =	simm.s32 $0x0;
	s1 =	rddreg [dreg:$0x1];
	p0 =	por !p0, !p0  }
0x9: {  	s8 =	sshll.u32 s4, $0x10;
	s31 =	ssub.s32 $0x2, s4;
	s3 =	simm.s32 @!p0 $0x0  }
0xa: {  	s4 =	simm.s32 $0x1;
	s2 =	simm.s32 $0x0;
	s7 =	ssub.s32 s0, s3  }
0xb: {  	s9 =	sshrl.u32 s31, $0x1;
	[smem:$0x7FF] =	sst s2;
	s7 =	sshll.u32 s7, $0x11  }
0xc: {  	s5 =	sshrl.u32 s5, $0x3;
	s11 =	ssub.s32 s31, s9;
	s7 =	sor.u32 s8, s7  }
0xd: {  	_ =	strace $0x80000047;
	s5 =	sadd.s32 s5, s6;
	s7 =	sshrl.u32 s7, $0x3  }
0xe: {  	s5 =	sadd.s32 $0x5C00, s5;
	s3 =	sadd.s32 $0x1400, s6;
	s10 =	sadd.s32 s7, s6  }
0xf: {  	s6 =	sadd.s32 $0x6400, s10;
	s7 =	sadd.s32 $0x6C00, s10;
	s8 =	sadd.s32 $0x7400, s10  }
0x10: {  	s9 =	sadd.s32 $0x7C00, s10;
	s10 =	smax.u32 s11, $0x1;
	s11 =	simm.s32 $0x3  }
.LBB2_1:
0x11: {  	[tilespmem:s2], [sflag:$0x3] =	stream.linear.gather [hbm4b:s5+s2], $0x200, $0x38;
	[tilespmem:$0xC200] =	vst v63  }
0x12: {  	_ =	swait.ge [sflag:s11], $0x200  }
0x13: {  	[sflag:s11] =	ssyncset.done $0x0  }
0x14: {  	[sflag:s11] =	ssyncadd.s32 $0xFFFFFE00  }
0x15: {  	[tilespmem:s13], [sflag:$0x1] =	stream.indirect.gather [hbm4b:s3+s12], $0x80, s2, s12, $0xb8;
	[tilespmem:$0xC200] =	vst v63  }
0x16: {  	_ = 	snop  }
0x17: {  	[tilespmem:s14], [sflag:$0x2] =	stream.indirect.gather [hbm4b:s3+s12], $0x80, s12, s12, $0xb8;
	[tilespmem:$0xC200] =	vst v63  }
0x18: {  	_ =	swait.ge [sflag:s4], $0x4000  }
0x19: {  	[sflag:s4] =	ssyncset.done $0x0  }
0x1a: {  	s20 =	simm.s32 $0x0;
	[sflag:s4] =	ssyncadd.s32 $0xFFFFC000  }
0x1b: {  	v0 =	vld [tilespmem:s20+$0x230]  }
0x1c: {  	v1 =	vld [tilespmem:s20+$0x200]  }
0x1d: {  	v2 =	vld [tilespmem:s20+$0x210]  }
0x1e: {  	s21 =	simm.s32 $0x200;
	v3 =	vld [tilespmem:s20+$0x220]  }
.LBB2_2:
0x1f: {  	p0 =	sne.s32 s21, $0xFE00  }
.Ltmp0:
0x20: {  	s22 =	sshra.s32 s21, $0x2;
	s21 =	sadd.s32 $0x200, s21;
	[tilespmem:s20+$0x8230] =	vst v0;
	(pc) =	sbr.rel @p0 .LBB2_2-.Ltmp0, $4  }
0x21: {  	v0 =	vld [tilespmem:s22+$0x230];
	[tilespmem:s20+$0x8200] =	vst v1  }
0x22: {  	v1 =	vld [tilespmem:s22+$0x200];
	[tilespmem:s20+$0x8210] =	vst v2  }
0x23: {  	v2 =	vld [tilespmem:s22+$0x210];
	[tilespmem:s20+$0x8220] =	vst v3;
	s20 =	smov.u32 s22  }
0x24: {  	v3 =	vld [tilespmem:s20+$0x220]  }
0x25: {  	_ = 	snop  }
0x26: {  	[tilespmem:s20+$0x8230] =	vst v0  }
0x27: {  	[tilespmem:s20+$0x8200] =	vst v1  }
0x28: {  	[tilespmem:s20+$0x8210] =	vst v2  }
0x29: {  	s31 =	simm.s32 $0x0;
	[tilespmem:s20+$0x8220] =	vst v3  }
0x2a: {  	[hbm4b:s6+s31] =	stream.linear.scatter [tilespmem:s15], [sflag:$0x3], $0x4000, $0x38;
	[tilespmem:$0xC200] =	vst v63  }
0x2b: {  	_ =	swait.ge [sflag:s11], $0x4000  }
0x2c: {  	[sflag:s11] =	ssyncset.done $0x0  }
0x2d: {  	[sflag:s11] =	ssyncadd.s32 $0xFFFFC000  }
0x2e: {  	[tilespmem:s13], [sflag:$0x1] =	stream.indirect.gather [hbm4b:s3+s12], $0x80, s16, s12, $0xb8;
	[tilespmem:$0xC200] =	vst v63  }
0x2f: {  	_ =	swait.ge [sflag:s17], $0x4000  }
0x30: {  	[sflag:s17] =	ssyncset.done $0x0  }
0x31: {  	s20 =	simm.s32 $0x0;
	[sflag:s17] =	ssyncadd.s32 $0xFFFFC000  }
0x32: {  	v0 =	vld [tilespmem:s20+$0x4230]  }
0x33: {  	v1 =	vld [tilespmem:s20+$0x4200]  }
0x34: {  	v2 =	vld [tilespmem:s20+$0x4210]  }
0x35: {  	s21 =	simm.s32 $0x200;
	v3 =	vld [tilespmem:s20+$0x4220]  }
.LBB2_4:
0x36: {  	p0 =	sne.s32 s21, $0xFE00  }
.Ltmp1:
0x37: {  	s22 =	sshra.s32 s21, $0x2;
	s21 =	sadd.s32 $0x200, s21;
	[tilespmem:s20+$0x8230] =	vst v0;
	(pc) =	sbr.rel @p0 .LBB2_4-.Ltmp1, $4  }
0x38: {  	v0 =	vld [tilespmem:s22+$0x4230];
	[tilespmem:s20+$0x8200] =	vst v1  }
0x39: {  	v1 =	vld [tilespmem:s22+$0x4200];
	[tilespmem:s20+$0x8210] =	vst v2  }
0x3a: {  	v2 =	vld [tilespmem:s22+$0x4210];
	[tilespmem:s20+$0x8220] =	vst v3;
	s20 =	smov.u32 s22  }
0x3b: {  	v3 =	vld [tilespmem:s20+$0x4220]  }
0x3c: {  	_ = 	snop  }
0x3d: {  	[tilespmem:s20+$0x8230] =	vst v0  }
0x3e: {  	[tilespmem:s20+$0x8200] =	vst v1  }
0x3f: {  	[tilespmem:s20+$0x8210] =	vst v2  }
0x40: {  	s31 =	simm.s32 $0x0;
	[tilespmem:s20+$0x8220] =	vst v3  }
0x41: {  	[hbm4b:s7+s31] =	stream.linear.scatter [tilespmem:s15], [sflag:$0x3], $0x4000, $0x38;
	[tilespmem:$0xC200] =	vst v63  }
0x42: {  	_ =	swait.ge [sflag:s11], $0x4000  }
0x43: {  	[sflag:s11] =	ssyncset.done $0x0  }
0x44: {  	[sflag:s11] =	ssyncadd.s32 $0xFFFFC000  }
0x45: {  	[tilespmem:s14], [sflag:$0x2] =	stream.indirect.gather [hbm4b:s3+s12], $0x80, s18, s12, $0xb8;
	[tilespmem:$0xC200] =	vst v63  }
0x46: {  	_ =	swait.ge [sflag:s4], $0x4000  }
0x47: {  	[sflag:s4] =	ssyncset.done $0x0  }
0x48: {  	s20 =	simm.s32 $0x0;
	[sflag:s4] =	ssyncadd.s32 $0xFFFFC000  }
0x49: {  	v0 =	vld [tilespmem:s20+$0x230]  }
0x4a: {  	v1 =	vld [tilespmem:s20+$0x200]  }
0x4b: {  	v2 =	vld [tilespmem:s20+$0x210]  }
0x4c: {  	s21 =	simm.s32 $0x200;
	v3 =	vld [tilespmem:s20+$0x220]  }
.LBB2_6:
0x4d: {  	p0 =	sne.s32 s21, $0xFE00  }
.Ltmp2:
0x4e: {  	s22 =	sshra.s32 s21, $0x2;
	s21 =	sadd.s32 $0x200, s21;
	[tilespmem:s20+$0x8230] =	vst v0;
	(pc) =	sbr.rel @p0 .LBB2_6-.Ltmp2, $4  }
0x4f: {  	v0 =	vld [tilespmem:s22+$0x230];
	[tilespmem:s20+$0x8200] =	vst v1  }
0x50: {  	v1 =	vld [tilespmem:s22+$0x200];
	[tilespmem:s20+$0x8210] =	vst v2  }
0x51: {  	v2 =	vld [tilespmem:s22+$0x210];
	[tilespmem:s20+$0x8220] =	vst v3;
	s20 =	smov.u32 s22  }
0x52: {  	v3 =	vld [tilespmem:s20+$0x220]  }
0x53: {  	_ = 	snop  }
0x54: {  	[tilespmem:s20+$0x8230] =	vst v0  }
0x55: {  	[tilespmem:s20+$0x8200] =	vst v1  }
0x56: {  	[tilespmem:s20+$0x8210] =	vst v2  }
0x57: {  	s31 =	simm.s32 $0x0;
	[tilespmem:s20+$0x8220] =	vst v3  }
0x58: {  	[hbm4b:s8+s31] =	stream.linear.scatter [tilespmem:s15], [sflag:$0x3], $0x4000, $0x38;
	[tilespmem:$0xC200] =	vst v63  }
0x59: {  	_ =	swait.ge [sflag:s11], $0x4000  }
0x5a: {  	[sflag:s11] =	ssyncset.done $0x0  }
0x5b: {  	[sflag:s11] =	ssyncadd.s32 $0xFFFFC000  }
0x5c: {  	_ =	swait.ge [sflag:s17], $0x4000  }
0x5d: {  	[sflag:s17] =	ssyncset.done $0x0  }
0x5e: {  	s20 =	simm.s32 $0x0;
	[sflag:s17] =	ssyncadd.s32 $0xFFFFC000  }
0x5f: {  	v0 =	vld [tilespmem:s20+$0x4230]  }
0x60: {  	v1 =	vld [tilespmem:s20+$0x4200]  }
0x61: {  	v2 =	vld [tilespmem:s20+$0x4210]  }
0x62: {  	s21 =	simm.s32 $0x200;
	v3 =	vld [tilespmem:s20+$0x4220]  }
.LBB2_8:
0x63: {  	p0 =	sne.s32 s21, $0xFE00  }
.Ltmp3:
0x64: {  	s22 =	sshra.s32 s21, $0x2;
	s21 =	sadd.s32 $0x200, s21;
	[tilespmem:s20+$0x8230] =	vst v0;
	(pc) =	sbr.rel @p0 .LBB2_8-.Ltmp3, $4  }
0x65: {  	v0 =	vld [tilespmem:s22+$0x4230];
	[tilespmem:s20+$0x8200] =	vst v1  }
0x66: {  	v1 =	vld [tilespmem:s22+$0x4200];
	[tilespmem:s20+$0x8210] =	vst v2  }
0x67: {  	v2 =	vld [tilespmem:s22+$0x4210];
	[tilespmem:s20+$0x8220] =	vst v3;
	s20 =	smov.u32 s22  }
0x68: {  	v3 =	vld [tilespmem:s20+$0x4220]  }
0x69: {  	_ = 	snop  }
0x6a: {  	[tilespmem:s20+$0x8230] =	vst v0  }
0x6b: {  	s19 =	sadd.s32 $0x1, s19;
	[tilespmem:s20+$0x8200] =	vst v1  }
0x6c: {  	p0 =	sne.s32 s19, s10;
	[tilespmem:s20+$0x8210] =	vst v2  }
.Ltmp4:
0x6d: {  	[tilespmem:s20+$0x8220] =	vst v3;
	(pc) =	sbr.rel @p0 .LBB2_1-.Ltmp4, $4  }
0x6e: {  	[hbm4b:s9+s2] =	stream.linear.scatter [tilespmem:s15], [sflag:$0x3], $0x4000, $0x38;
	[tilespmem:$0xC200] =	vst v63  }
0x6f: {  	_ =	swait.ge [sflag:s11], $0x4000  }
0x70: {  	[sflag:s11] =	ssyncset.done $0x0  }
0x71: {  	[sflag:s11] =	ssyncadd.s32 $0xFFFFC000  }
0x72: {  	_ =	sfence.sel $0x180000  }
0x73: {  	[bflag:$0x0] =	sbarrier.arrive $0xFFFF  }
0x74: {  	p0 =	sne.s32 s0, $0x0;
	_ =	strace $0x90000047  }
0x75: {  	s0 =	sadd.s32 @!p0 $0x100000, s1;
	[bflag:$0x2] =	sbarrier.arrive $0xFFFF  }
0x76: {  	[sflag:s0] =	ssyncadd.tile.s32 @!p0 $0x1;
	_ =	shalt  }
.Lfunc_end2:
_tile_overlayer_lowered:
.L_overlay_start_2:
0x77: {  	(tag) =	ssettag $0x2  }
0x78: {  	s0 =	rddreg [dreg:$0x0];
	s2 =	stileid.u32  }
0x79: {  	s1 =	rddreg [dreg:$0x1];
	p0 =	sne.s32 s2, $0x0  }
0x7a: {  	s3 =	rddreg [dreg:$0x2];
	[bflag:$0x3] =	sbarrier.arrive $0xFFFF;
	s2 =	simm.s32 @!p0 $0x1C03  }
0x7b: {  	[timem:s3], [sflag:s2] =	dma.local @!p0 [hbm:s0], s1  }
0x7c: {  	s0 =	simm.s32 @!p0 $0x3  }
0x7d: {  	_ =	swait.ge @!p0 [sflag:s0], s1  }
0x7e: {  	s1 =	ssub.s32 @!p0 $0x0, s1;
	[sflag:s0] =	ssyncset.done @!p0 $0x0  }
0x7f: {  	[sflag:s0] =	ssyncadd.s32 @!p0 s1  }
0x80: {  	[bflag:$0x3] =	sbarrier.arrive $0xFFFF  }
0x81: {  	_ =	shalt  }

// kernel: kernel.16.cloned.1.call-start
scs
__scs_entry_jumppad:
0x0: {  	(pc) =	sbr.rel $0x88, $3  }
0x1: {  	(tag) =	ssettag $0x0;
	lr =	simm.s32 $0x1  }
0x2: {  	[smem:$0x3F9F] =	sst lr;
	_ =	strace $0xD0000000  }
0x3: {  	_ = 	snop  }
0x4: {  	_ = 	snop  }
0x5: {  	_ = 	snop  }
0x6: {  	_ = 	snop  }
0x7: {  	_ = 	snop  }
__scs_overlays_trampoline_lowered:
0x8: {  	[smem:$0x3FAE] =	sst s0  }
0x9: {  	[smem:$0x3FAF] =	sst s1  }
0xa: {  	[smem:$0x3FB0] =	sst s2  }
0xb: {  	[smem:$0x3FB1] =	sst s3  }
0xc: {  	[smem:$0x3FB2] =	sst s4  }
0xd: {  	[smem:$0x3FB3] =	sst s5  }
0xe: {  	[smem:$0x3FB4] =	sst s6  }
0xf: {  	[smem:$0x3FB5] =	sst s7  }
0x10: {  	[smem:$0x3FB6] =	sst s8  }
0x11: {  	[smem:$0x3FB7] =	sst s9;
	s0 =	simm.s32 @!p0 $0x0  }
0x12: {  	s1 =	sld [smem:$0x3F9D];
	s0 =	simm.s32 @p0 $0x1  }
0x13: {  	[smem:$0x3FB8] =	sst s0;
	s0 =	simm.s32 @!p1 $0x0  }
0x14: {  	s2 =	sld [smem:$0x3F9C];
	s0 =	simm.s32 @p1 $0x1  }
0x15: {  	[smem:$0x3FB9] =	sst s0;
	s0 =	simm.s32 @!p2 $0x0  }
0x16: {  	s3 =	sld [smem:$0x3FDB];
	s0 =	simm.s32 @p2 $0x1  }
0x17: {  	s4 =	simm.s32 $0x1BF5;
	[smem:$0x3FBB] =	sst s0  }
0x18: {  	s0 =	sld [smem:$0x3F9E];
	_ =	swait.ge [sflag:s4], $0x0  }
0x19: {  	s7 =	sld [smem:$0x3F9F]  }
0x1a: {  	s8 =	sadd.s32 $0xFFFFE003, lr  }
0x1b: {  	s9 =	sadd.s32 $0xFFFFFEF7, lr;
	s5 =	simm.s32 $0xFFFFFFFF;
	p2 =	slt.u32 s8, $0xFFFFF086  }
0x1c: {  	p1 =	slt.u32 s9, $0xF7A;
	s5 =	simm.s32 @!p2 $0x0  }
0x1d: {  	s5 =	simm.s32 @p1 $0x1;
	p0 =	seq.s32 s7, s2  }
0x1e: {  	s7 =	smul.u32 @!p0 $0xF7A, s2;
	p2 =	seq.s32 @!p0 s5, $0x0  }
0x1f: {  	s9 =	smul.u32 $0xF7A, s1;
	s8 =	simm.s32 @!p0 $0x1BF5;
	p2 =	por !p2, p0  }
0x20: {  	[sflag:s8] =	ssyncset.s32 @!p0 $0xFFFFF086;
	s6 =	sadd.s32 @!p0 s3, s7;
	s7 =	simm.s32 @!p0 $0x108  }
0x21: {  	s3 =	sadd.s32 s3, s9;
	s6 =	sadd.s32 @!p0 $0x88, s6;
	s7 =	simm.s32 @p2 $0x1082  }
0x22: {  	[simem:s7], [sflag:s8] =	dma.local @!p0 [hbm:s6], $0xF7A  }
0x23: {  	s9 =	sor.u32 $0xD0000000, s2;
	s6 =	simm.s32 $0x108;
	_ =	swait.ge @!p0 [sflag:s8], $0x0  }
0x24: {  	s3 =	sadd.s32 $0x88, s3;
	s6 =	simm.s32 @!p1 $0x1082;
	[sflag:s4] =	ssyncset.s32 $0xFFFFF086  }
0x25: {  	[simem:s6], [sflag:s4] =	dma.local [hbm:s3], $0xF7A  }
0x26: {  	[smem:$0x3F9F] =	sst s1;
	(tag) =	ssettag s2;
	_ =	strace s9  }
0x27: {  	s1 =	sld [smem:$0x3FAF]  }
0x28: {  	s2 =	sld [smem:$0x3FB0]  }
0x29: {  	s4 =	sld [smem:$0x3FB2]  }
0x2a: {  	p0 =	seq.s32 s5, $0x0;
	s5 =	sld [smem:$0x3FB3]  }
0x2b: {  	s6 =	sld [smem:$0x3FB4]  }
0x2c: {  	s7 =	sld [smem:$0x3FB5]  }
0x2d: {  	s3 =	simm.s32 $0x108;
	s8 =	sld [smem:$0x3FB6]  }
0x2e: {  	s3 =	simm.s32 @!p0 $0x1082;
	s9 =	sld [smem:$0x3FB7]  }
0x2f: {  	lr =	sadd.s32 s0, s3;
	s0 =	sld [smem:$0x3FAE]  }
0x30: {  	s3 =	sld [smem:$0x3FB1]  }
0x31: {  	[smem:$0x3FBA] =	sst s10  }
0x32: {  	s10 =	sld [smem:$0x3FB8];
	_ =	sdelay $0x3  }
0x33: {  	p0 =	seq.s32 s10, $0x1;
	s10 =	sld [smem:$0x3FBA];
	_ =	sdelay $0x3  }
0x34: {  	[smem:$0x3FBA] =	sst s10  }
0x35: {  	s10 =	sld [smem:$0x3FB9];
	_ =	sdelay $0x3  }
0x36: {  	p1 =	seq.s32 s10, $0x1;
	s10 =	sld [smem:$0x3FBA];
	_ =	sdelay $0x3  }
0x37: {  	[smem:$0x3FBA] =	sst s10  }
0x38: {  	s10 =	sld [smem:$0x3FBB]  }
0x39: {  	_ = 	snop;
	(pc) =	sbr.ind lr, $3  }
0x3a: {  	_ = 	snop  }
0x3b: {  	_ = 	snop  }
0x3c: {  	p2 =	seq.s32 s10, $0x1;
	s10 =	sld [smem:$0x3FBA]  }
0x3d: {  	_ =	shalt  }
0x3e: {  	_ =	shalt  }
0x3f: {  	_ =	shalt  }
0x40: {  	_ =	shalt  }
0x41: {  	_ =	shalt  }
0x42: {  	_ =	shalt  }
0x43: {  	_ =	shalt  }
0x44: {  	_ =	shalt  }
0x45: {  	_ =	shalt  }
0x46: {  	_ =	shalt  }
0x47: {  	_ =	shalt  }
0x48: {  	_ =	shalt  }
0x49: {  	_ =	shalt  }
0x4a: {  	_ =	shalt  }
0x4b: {  	_ =	shalt  }
0x4c: {  	_ =	shalt  }
0x4d: {  	_ =	shalt  }
0x4e: {  	_ =	shalt  }
0x4f: {  	_ =	shalt  }
0x50: {  	_ =	shalt  }
0x51: {  	_ =	shalt  }
0x52: {  	_ =	shalt  }
0x53: {  	_ =	shalt  }
0x54: {  	_ =	shalt  }
0x55: {  	_ =	shalt  }
0x56: {  	_ =	shalt  }
0x57: {  	_ =	shalt  }
0x58: {  	_ =	shalt  }
0x59: {  	_ =	shalt  }
0x5a: {  	_ =	shalt  }
0x5b: {  	_ =	shalt  }
0x5c: {  	_ =	shalt  }
0x5d: {  	_ =	shalt  }
0x5e: {  	_ =	shalt  }
0x5f: {  	_ =	shalt  }
0x60: {  	_ =	shalt  }
0x61: {  	_ =	shalt  }
0x62: {  	_ =	shalt  }
0x63: {  	_ =	shalt  }
0x64: {  	_ =	shalt  }
0x65: {  	_ =	shalt  }
0x66: {  	_ =	shalt  }
0x67: {  	_ =	shalt  }
0x68: {  	_ =	shalt  }
0x69: {  	_ =	shalt  }
0x6a: {  	_ =	shalt  }
0x6b: {  	_ =	shalt  }
0x6c: {  	_ =	shalt  }
0x6d: {  	_ =	shalt  }
0x6e: {  	_ =	shalt  }
0x6f: {  	_ =	shalt  }
0x70: {  	_ =	shalt  }
0x71: {  	_ =	shalt  }
0x72: {  	_ =	shalt  }
0x73: {  	_ =	shalt  }
0x74: {  	_ =	shalt  }
0x75: {  	_ =	shalt  }
0x76: {  	_ =	shalt  }
0x77: {  	_ =	shalt  }
0x78: {  	_ =	shalt  }
0x79: {  	_ =	shalt  }
0x7a: {  	_ =	shalt  }
0x7b: {  	_ =	shalt  }
0x7c: {  	_ =	shalt  }
0x7d: {  	_ =	shalt  }
0x7e: {  	_ =	shalt  }
0x7f: {  	_ =	shalt  }
0x80: {  	_ =	shalt  }
0x81: {  	_ =	shalt  }
0x82: {  	_ =	shalt  }
0x83: {  	_ =	shalt  }
0x84: {  	_ =	shalt  }
0x85: {  	_ =	shalt  }
0x86: {  	_ =	shalt  }
0x87: {  	_ =	shalt  }
.Lfunc_end0:
.L_simem_size_0:
called_computation.2_lowered:
.L_overlay_start_0:
0x88: {  	s2 =	sld [smem:$0x3FD9]  }
0x89: {  	s3 =	sld [smem:$0x3FFE];
	_ =	sdelay $0x1  }
0x8a: {  	s1 =	srdreg.scid  }
0x8b: {  	s0 =	sand.u32 $0x1, s1  }
0x8c: {  	s17 =	sshll.u32 s0, $0xA;
	s2 =	sadd.s32 s3, s2  }
0x8d: {  	s2 =	sadd.s32 s2, s17  }
0x8e: {  	[smem:$0x3FC6] =	sst s2  }
0x8f: {  	_ = 	snop  }
0x90: {  	(tm) =	ssettm $0x1  }
0x91: {  	s18 =	sld [smem:$0x3FFB];
	_ =	sdelay $0x3  }
0x92: {  	_ =	strace s18  }
0x93: {  	s2 =	sld [smem:$0x3FFC];
	_ =	sdelay $0x3  }
0x94: {  	_ =	strace s2  }
0x95: {  	s2 =	sld [smem:$0x3FFD];
	_ =	sdelay $0x3  }
0x96: {  	_ =	strace s2  }
0x97: {  	_ =	strace $0x8FFFFFFF  }
0x98: {  	s19 =	sld [smem:$0x3FDB];
	_ =	sdelay $0x1  }
0x99: {  	s20 =	simm.s32 $_scs_section_size  }
0x9a: {  	s4 =	simm.s32 $_size__tile_overlayer_lowered;
	s5 =	simm.s32 $_tile_overlayer_lowered  }
0x9b: {  	s6 =	simm.s32 $0x1BFF;
	s21 =	sshll.u32 s5, $0x1;
	s3 =	sadd.s32 s20, s19  }
0x9c: {  	s22 =	simm.s32 $0x0;
	s4 =	sshll.u32 s4, $0x1;
	s5 =	sadd.s32 s21, s3  }
0x9d: {  	[timem:s22], [sflag:s6] =	dma.local [hbm:s5], s4  }
0x9e: {  	_ =	swait.ge [sflag:s6], s4  }
0x9f: {  	s4 =	ssub.s32 $0x0, s4;
	[sflag:s6] =	ssyncset.done $0x0  }
0xa0: {  	[sflag:s6] =	ssyncadd.s32 s4;
	_ =	sdelay $0x1  }
0xa1: {  	s23 =	simm.s32 $0x1B8B  }
0xa2: {  	_ =	swait.ge [sflag:s23], $0x1  }
0xa3: {  	[sflag:s23] =	ssyncset.done $0x0  }
0xa4: {  	[sflag:s23] =	ssyncadd.s32 $0xFFFFFFFF  }
0xa5: {  	s4 =	sld [smem:$0x0]  }
0xa6: {  	s5 =	sand.u32 $0xFFFFFFFE, s1  }
0xa7: {  	p0 =	sne.s32 s1, s5  }
0xa8: {  	s5 =	sshll.u32 @p0 s5, $0xE  }
0xa9: {  	s5 =	sadd.s32 @p0 $0x11B8D, s5;
	s6 =	sshll.u32 @p0 s4, $0x11  }
0xaa: {  	s5 =	sor.u32 @p0 s6, s5  }
0xab: {  	[sflag:s5] =	ssyncadd.remote.s32 @p0 $0x1;
	_ =	sdelay $0x1  }
0xac: {  	s5 =	simm.s32 @p0 $0x1B8D  }
0xad: {  	_ =	swait.eq @p0 [sflag:s5], $0x1  }
0xae: {  	[sflag:s5] =	ssyncadd.s32 @p0 $0xFFFFFFFF  }
0xaf: {  	s6 =	sshll.u32 @!p0 s1, $0xE  }
0xb0: {  	s6 =	sor.u32 @!p0 $0x4000, s6;
	s5 =	simm.s32 @!p0 $0x1B8D  }
0xb1: {  	s4 =	sshll.u32 @!p0 s4, $0x11;
	s6 =	sadd.s32 @!p0 $0x11B8D, s6;
	_ =	swait.eq @!p0 [sflag:s5], $0x1  }
0xb2: {  	s4 =	sor.u32 @!p0 s4, s6;
	[sflag:s5] =	ssyncadd.s32 @!p0 $0xFFFFFFFF  }
0xb3: {  	s25 =	simm.s32 $0x1B8E;
	s24 =	sld [smem:$0x3FFE];
	[sflag:s4] =	ssyncadd.remote.s32 @!p0 $0x1  }
0xb4: {  	s26 =	simm.s32 $execute0_lowered;
	[smem:$0x3FD2] =	sst s25  }
0xb5: {  	s5 =	sshll.u32 s26, $0x1;
	_ =	strace $0x8000004C;
	[dreg:$0x1] =	wrdreg $0xFFFFFFFF  }
0xb6: {  	s28 =	simm.s32 $_size_execute0_lowered;
	s3 =	sadd.s32 s3, s5;
	[dreg:$0x0] =	wrdreg $0x0  }
0xb7: {  	s5 =	sshll.u32 s28, $0x1;
	[dreg:$0x2] =	wrdreg s3  }
0xb8: {  	[dreg:$0x3] =	wrdreg s5  }
0xb9: {  	[dreg:$0x4] =	wrdreg $0xC0  }
0xba: {  	_ =	task [dreg:s22], $0x5FFFF  }
0xbb: {  	[dreg:$0x1] =	wrdreg $0xFFFFFFFF  }
0xbc: {  	[dreg:$0x0] =	wrdreg $0x60  }
0xbd: {  	[dreg:$0x2] =	wrdreg s24  }
0xbe: {  	[dreg:$0x3] =	wrdreg $0xB  }
0xbf: {  	_ =	task.clear_ibuf [dreg:s22], $0x4FFFF;
	_ =	strace $0x9000004C  }
0xc0: {  	s29 =	simm.s32 $0xB;
	_ =	strace $0x8000004E  }
0xc1: {  	_ =	swait.ge [sflag:s29], $0x1  }
0xc2: {  	[sflag:s29] =	ssyncadd.s32 $0xFFFFFFFF  }
0xc3: {  	_ =	strace $0x9000004E  }
0xc4: {  	_ =	sfence  }
0xc5: {  	s30 =	sld [smem:$0x0];
	_ =	sdelay $0x2  }
0xc6: {  	s31 =	sshll.u32 s1, $0xD;
	s1 =	sshrl.u32 s1, $0x2  }
0xc7: {  	s4 =	sand.u32 $0x4000, s31;
	s1 =	sadd.s32 s1, s30  }
0xc8: {  	s0 =	sor.u32 s4, s0;
	s1 =	sshll.u32 s1, $0x11  }
0xc9: {  	s0 =	sor.u32 s1, s0  }
0xca: {  	s0 =	sadd.s32 $0x8F2B, s0  }
0xcb: {  	[sflag:s0] =	ssyncadd.remote.s32 $0x1  }
0xcc: {  	_ =	sfence.sel $0xFFFF  }
0xcd: {  	[dreg:$0x0] =	wrdreg $0xFFFFFFFF;
	(pc) =	sbr.abs _section_cstart, $3  }
0xce: {  	[dreg:$0x1] =	wrdreg $0xFFFFFFFF  }
0xcf: {  	_ =	task.clear_ibuf [dreg:s22], $0x2FFFF;
	_ =	strace $0x9FFFFFFF  }
0xd0: {  	(tm) =	ssettm $0x7FFFFFFF  }
0xd1: {  	_ =	shalt  }
tec
execute0_lowered:
.L_overlay_start_1:
0x0: {  	(tag) =	ssettag $0x1  }
0x1: {  	s1 =	srdreg.scid  }
0x2: {  	s0 =	stileid.u32;
	s6 =	rddreg [dreg:$0x0]  }
0x3: {  	s3 =	simm.s32 $0x1;
	s12 =	simm.s32 $0x80;
	s4 =	sand.u32 $0x1, s1  }
0x4: {  	s13 =	simm.s32 $0x200;
	s30 =	sshll.u32 s0, $0xA;
	s2 =	sshll.u32 s4, $0x9  }
0x5: {  	s14 =	simm.s32 $0x4200;
	s15 =	simm.s32 $0x8200;
	s5 =	sor.u32 s2, s30  }
0x6: {  	s16 =	simm.s32 $0x100;
	p1 =	seq.s32 s4, $0x1;
	p0 =	seq.s32 s5, $0x0  }
0x7: {  	s17 =	simm.s32 $0x2;
	s18 =	simm.s32 $0x180;
	p0 =	por !p0, !p1  }
0x8: {  	s19 =	simm.s32 $0x0;
	s1 =	rddreg [dreg:$0x1];
	p0 =	por !p0, !p0  }
0x9: {  	s8 =	sshll.u32 s4, $0x10;
	s31 =	ssub.s32 $0x2, s4;
	s3 =	simm.s32 @!p0 $0x0  }
0xa: {  	s4 =	simm.s32 $0x1;
	s2 =	simm.s32 $0x0;
	s7 =	ssub.s32 s0, s3  }
0xb: {  	s9 =	sshrl.u32 s31, $0x1;
	[smem:$0x7FF] =	sst s2;
	s7 =	sshll.u32 s7, $0x11  }
0xc: {  	s5 =	sshrl.u32 s5, $0x3;
	s11 =	ssub.s32 s31, s9;
	s7 =	sor.u32 s8, s7  }
0xd: {  	_ =	strace $0x8000004D;
	s5 =	sadd.s32 s5, s6;
	s7 =	sshrl.u32 s7, $0x3  }
0xe: {  	s5 =	sadd.s32 $0x86C00, s5;
	s3 =	sadd.s32 $0x1400, s6;
	s10 =	sadd.s32 s7, s6  }
0xf: {  	s6 =	sadd.s32 $0x87400, s10;
	s7 =	sadd.s32 $0x87C00, s10;
	s8 =	sadd.s32 $0x88400, s10  }
0x10: {  	s9 =	sadd.s32 $0x88C00, s10;
	s10 =	smax.u32 s11, $0x1;
	s11 =	simm.s32 $0x3  }
.LBB2_1:
0x11: {  	[tilespmem:s2], [sflag:$0x3] =	stream.linear.gather [hbm4b:s5+s2], $0x200, $0x38;
	[tilespmem:$0xC200] =	vst v63  }
0x12: {  	_ =	swait.ge [sflag:s11], $0x200  }
0x13: {  	[sflag:s11] =	ssyncset.done $0x0  }
0x14: {  	[sflag:s11] =	ssyncadd.s32 $0xFFFFFE00  }
0x15: {  	[tilespmem:s13], [sflag:$0x1] =	stream.indirect.gather [hbm4b:s3+s12], $0x80, s2, s12, $0xb8;
	[tilespmem:$0xC200] =	vst v63  }
0x16: {  	_ = 	snop  }
0x17: {  	[tilespmem:s14], [sflag:$0x2] =	stream.indirect.gather [hbm4b:s3+s12], $0x80, s12, s12, $0xb8;
	[tilespmem:$0xC200] =	vst v63  }
0x18: {  	_ =	swait.ge [sflag:s4], $0x4000  }
0x19: {  	[sflag:s4] =	ssyncset.done $0x0  }
0x1a: {  	s20 =	simm.s32 $0x0;
	[sflag:s4] =	ssyncadd.s32 $0xFFFFC000  }
0x1b: {  	v0 =	vld [tilespmem:s20+$0x230]  }
0x1c: {  	v1 =	vld [tilespmem:s20+$0x200]  }
0x1d: {  	v2 =	vld [tilespmem:s20+$0x210]  }
0x1e: {  	s21 =	simm.s32 $0x200;
	v3 =	vld [tilespmem:s20+$0x220]  }
.LBB2_2:
0x1f: {  	p0 =	sne.s32 s21, $0xFE00  }
.Ltmp0:
0x20: {  	s22 =	sshra.s32 s21, $0x2;
	s21 =	sadd.s32 $0x200, s21;
	[tilespmem:s20+$0x8230] =	vst v0;
	(pc) =	sbr.rel @p0 .LBB2_2-.Ltmp0, $4  }
0x21: {  	v0 =	vld [tilespmem:s22+$0x230];
	[tilespmem:s20+$0x8200] =	vst v1  }
0x22: {  	v1 =	vld [tilespmem:s22+$0x200];
	[tilespmem:s20+$0x8210] =	vst v2  }
0x23: {  	v2 =	vld [tilespmem:s22+$0x210];
	[tilespmem:s20+$0x8220] =	vst v3;
	s20 =	smov.u32 s22  }
0x24: {  	v3 =	vld [tilespmem:s20+$0x220]  }
0x25: {  	_ = 	snop  }
0x26: {  	[tilespmem:s20+$0x8230] =	vst v0  }
0x27: {  	[tilespmem:s20+$0x8200] =	vst v1  }
0x28: {  	[tilespmem:s20+$0x8210] =	vst v2  }
0x29: {  	s31 =	simm.s32 $0x0;
	[tilespmem:s20+$0x8220] =	vst v3  }
0x2a: {  	[hbm4b:s6+s31] =	stream.linear.scatter [tilespmem:s15], [sflag:$0x3], $0x4000, $0x38;
	[tilespmem:$0xC200] =	vst v63  }
0x2b: {  	_ =	swait.ge [sflag:s11], $0x4000  }
0x2c: {  	[sflag:s11] =	ssyncset.done $0x0  }
0x2d: {  	[sflag:s11] =	ssyncadd.s32 $0xFFFFC000  }
0x2e: {  	[tilespmem:s13], [sflag:$0x1] =	stream.indirect.gather [hbm4b:s3+s12], $0x80, s16, s12, $0xb8;
	[tilespmem:$0xC200] =	vst v63  }
0x2f: {  	_ =	swait.ge [sflag:s17], $0x4000  }
0x30: {  	[sflag:s17] =	ssyncset.done $0x0  }
0x31: {  	s20 =	simm.s32 $0x0;
	[sflag:s17] =	ssyncadd.s32 $0xFFFFC000  }
0x32: {  	v0 =	vld [tilespmem:s20+$0x4230]  }
0x33: {  	v1 =	vld [tilespmem:s20+$0x4200]  }
0x34: {  	v2 =	vld [tilespmem:s20+$0x4210]  }
0x35: {  	s21 =	simm.s32 $0x200;
	v3 =	vld [tilespmem:s20+$0x4220]  }
.LBB2_4:
0x36: {  	p0 =	sne.s32 s21, $0xFE00  }
.Ltmp1:
0x37: {  	s22 =	sshra.s32 s21, $0x2;
	s21 =	sadd.s32 $0x200, s21;
	[tilespmem:s20+$0x8230] =	vst v0;
	(pc) =	sbr.rel @p0 .LBB2_4-.Ltmp1, $4  }
0x38: {  	v0 =	vld [tilespmem:s22+$0x4230];
	[tilespmem:s20+$0x8200] =	vst v1  }
0x39: {  	v1 =	vld [tilespmem:s22+$0x4200];
	[tilespmem:s20+$0x8210] =	vst v2  }
0x3a: {  	v2 =	vld [tilespmem:s22+$0x4210];
	[tilespmem:s20+$0x8220] =	vst v3;
	s20 =	smov.u32 s22  }
0x3b: {  	v3 =	vld [tilespmem:s20+$0x4220]  }
0x3c: {  	_ = 	snop  }
0x3d: {  	[tilespmem:s20+$0x8230] =	vst v0  }
0x3e: {  	[tilespmem:s20+$0x8200] =	vst v1  }
0x3f: {  	[tilespmem:s20+$0x8210] =	vst v2  }
0x40: {  	s31 =	simm.s32 $0x0;
	[tilespmem:s20+$0x8220] =	vst v3  }
0x41: {  	[hbm4b:s7+s31] =	stream.linear.scatter [tilespmem:s15], [sflag:$0x3], $0x4000, $0x38;
	[tilespmem:$0xC200] =	vst v63  }
0x42: {  	_ =	swait.ge [sflag:s11], $0x4000  }
0x43: {  	[sflag:s11] =	ssyncset.done $0x0  }
0x44: {  	[sflag:s11] =	ssyncadd.s32 $0xFFFFC000  }
0x45: {  	[tilespmem:s14], [sflag:$0x2] =	stream.indirect.gather [hbm4b:s3+s12], $0x80, s18, s12, $0xb8;
	[tilespmem:$0xC200] =	vst v63  }
0x46: {  	_ =	swait.ge [sflag:s4], $0x4000  }
0x47: {  	[sflag:s4] =	ssyncset.done $0x0  }
0x48: {  	s20 =	simm.s32 $0x0;
	[sflag:s4] =	ssyncadd.s32 $0xFFFFC000  }
0x49: {  	v0 =	vld [tilespmem:s20+$0x230]  }
0x4a: {  	v1 =	vld [tilespmem:s20+$0x200]  }
0x4b: {  	v2 =	vld [tilespmem:s20+$0x210]  }
0x4c: {  	s21 =	simm.s32 $0x200;
	v3 =	vld [tilespmem:s20+$0x220]  }
.LBB2_6:
0x4d: {  	p0 =	sne.s32 s21, $0xFE00  }
.Ltmp2:
0x4e: {  	s22 =	sshra.s32 s21, $0x2;
	s21 =	sadd.s32 $0x200, s21;
	[tilespmem:s20+$0x8230] =	vst v0;
	(pc) =	sbr.rel @p0 .LBB2_6-.Ltmp2, $4  }
0x4f: {  	v0 =	vld [tilespmem:s22+$0x230];
	[tilespmem:s20+$0x8200] =	vst v1  }
0x50: {  	v1 =	vld [tilespmem:s22+$0x200];
	[tilespmem:s20+$0x8210] =	vst v2  }
0x51: {  	v2 =	vld [tilespmem:s22+$0x210];
	[tilespmem:s20+$0x8220] =	vst v3;
	s20 =	smov.u32 s22  }
0x52: {  	v3 =	vld [tilespmem:s20+$0x220]  }
0x53: {  	_ = 	snop  }
0x54: {  	[tilespmem:s20+$0x8230] =	vst v0  }
0x55: {  	[tilespmem:s20+$0x8200] =	vst v1  }
0x56: {  	[tilespmem:s20+$0x8210] =	vst v2  }
0x57: {  	s31 =	simm.s32 $0x0;
	[tilespmem:s20+$0x8220] =	vst v3  }
0x58: {  	[hbm4b:s8+s31] =	stream.linear.scatter [tilespmem:s15], [sflag:$0x3], $0x4000, $0x38;
	[tilespmem:$0xC200] =	vst v63  }
0x59: {  	_ =	swait.ge [sflag:s11], $0x4000  }
0x5a: {  	[sflag:s11] =	ssyncset.done $0x0  }
0x5b: {  	[sflag:s11] =	ssyncadd.s32 $0xFFFFC000  }
0x5c: {  	_ =	swait.ge [sflag:s17], $0x4000  }
0x5d: {  	[sflag:s17] =	ssyncset.done $0x0  }
0x5e: {  	s20 =	simm.s32 $0x0;
	[sflag:s17] =	ssyncadd.s32 $0xFFFFC000  }
0x5f: {  	v0 =	vld [tilespmem:s20+$0x4230]  }
0x60: {  	v1 =	vld [tilespmem:s20+$0x4200]  }
0x61: {  	v2 =	vld [tilespmem:s20+$0x4210]  }
0x62: {  	s21 =	simm.s32 $0x200;
	v3 =	vld [tilespmem:s20+$0x4220]  }
.LBB2_8:
0x63: {  	p0 =	sne.s32 s21, $0xFE00  }
.Ltmp3:
0x64: {  	s22 =	sshra.s32 s21, $0x2;
	s21 =	sadd.s32 $0x200, s21;
	[tilespmem:s20+$0x8230] =	vst v0;
	(pc) =	sbr.rel @p0 .LBB2_8-.Ltmp3, $4  }
0x65: {  	v0 =	vld [tilespmem:s22+$0x4230];
	[tilespmem:s20+$0x8200] =	vst v1  }
0x66: {  	v1 =	vld [tilespmem:s22+$0x4200];
	[tilespmem:s20+$0x8210] =	vst v2  }
0x67: {  	v2 =	vld [tilespmem:s22+$0x4210];
	[tilespmem:s20+$0x8220] =	vst v3;
	s20 =	smov.u32 s22  }
0x68: {  	v3 =	vld [tilespmem:s20+$0x4220]  }
0x69: {  	_ = 	snop  }
0x6a: {  	[tilespmem:s20+$0x8230] =	vst v0  }
0x6b: {  	s19 =	sadd.s32 $0x1, s19;
	[tilespmem:s20+$0x8200] =	vst v1  }
0x6c: {  	p0 =	sne.s32 s19, s10;
	[tilespmem:s20+$0x8210] =	vst v2  }
.Ltmp4:
0x6d: {  	[tilespmem:s20+$0x8220] =	vst v3;
	(pc) =	sbr.rel @p0 .LBB2_1-.Ltmp4, $4  }
0x6e: {  	[hbm4b:s9+s2] =	stream.linear.scatter [tilespmem:s15], [sflag:$0x3], $0x4000, $0x38;
	[tilespmem:$0xC200] =	vst v63  }
0x6f: {  	_ =	swait.ge [sflag:s11], $0x4000  }
0x70: {  	[sflag:s11] =	ssyncset.done $0x0  }
0x71: {  	[sflag:s11] =	ssyncadd.s32 $0xFFFFC000  }
0x72: {  	_ =	sfence.sel $0x180000  }
0x73: {  	[bflag:$0x0] =	sbarrier.arrive $0xFFFF  }
0x74: {  	p0 =	sne.s32 s0, $0x0;
	_ =	strace $0x9000004D  }
0x75: {  	s0 =	sadd.s32 @!p0 $0x100000, s1;
	[bflag:$0x2] =	sbarrier.arrive $0xFFFF  }
0x76: {  	[sflag:s0] =	ssyncadd.tile.s32 @!p0 $0x1;
	_ =	shalt  }
.Lfunc_end2:
_tile_overlayer_lowered:
.L_overlay_start_2:
0x77: {  	(tag) =	ssettag $0x2  }
0x78: {  	s0 =	rddreg [dreg:$0x0];
	s2 =	stileid.u32  }
0x79: {  	s1 =	rddreg [dreg:$0x1];
	p0 =	sne.s32 s2, $0x0  }
0x7a: {  	s3 =	rddreg [dreg:$0x2];
	[bflag:$0x3] =	sbarrier.arrive $0xFFFF;
	s2 =	simm.s32 @!p0 $0x1C03  }
0x7b: {  	[timem:s3], [sflag:s2] =	dma.local @!p0 [hbm:s0], s1  }
0x7c: {  	s0 =	simm.s32 @!p0 $0x3  }
0x7d: {  	_ =	swait.ge @!p0 [sflag:s0], s1  }
0x7e: {  	s1 =	ssub.s32 @!p0 $0x0, s1;
	[sflag:s0] =	ssyncset.done @!p0 $0x0  }
0x7f: {  	[sflag:s0] =	ssyncadd.s32 @!p0 s1  }
0x80: {  	[bflag:$0x3] =	sbarrier.arrive $0xFFFF  }
0x81: {  	_ =	shalt  }

// kernel: kernel.19.cloned.1.call-start
scs
__scs_entry_jumppad:
0x0: {  	(pc) =	sbr.rel $0x88, $3  }
0x1: {  	(tag) =	ssettag $0x0;
	lr =	simm.s32 $0x1  }
0x2: {  	[smem:$0x3F9F] =	sst lr;
	_ =	strace $0xD0000000  }
0x3: {  	_ = 	snop  }
0x4: {  	_ = 	snop  }
0x5: {  	_ = 	snop  }
0x6: {  	_ = 	snop  }
0x7: {  	_ = 	snop  }
__scs_overlays_trampoline_lowered:
0x8: {  	[smem:$0x3FAE] =	sst s0  }
0x9: {  	[smem:$0x3FAF] =	sst s1  }
0xa: {  	[smem:$0x3FB0] =	sst s2  }
0xb: {  	[smem:$0x3FB1] =	sst s3  }
0xc: {  	[smem:$0x3FB2] =	sst s4  }
0xd: {  	[smem:$0x3FB3] =	sst s5  }
0xe: {  	[smem:$0x3FB4] =	sst s6  }
0xf: {  	[smem:$0x3FB5] =	sst s7  }
0x10: {  	[smem:$0x3FB6] =	sst s8  }
0x11: {  	[smem:$0x3FB7] =	sst s9;
	s0 =	simm.s32 @!p0 $0x0  }
0x12: {  	s1 =	sld [smem:$0x3F9D];
	s0 =	simm.s32 @p0 $0x1  }
0x13: {  	[smem:$0x3FB8] =	sst s0;
	s0 =	simm.s32 @!p1 $0x0  }
0x14: {  	s2 =	sld [smem:$0x3F9C];
	s0 =	simm.s32 @p1 $0x1  }
0x15: {  	[smem:$0x3FB9] =	sst s0;
	s0 =	simm.s32 @!p2 $0x0  }
0x16: {  	s3 =	sld [smem:$0x3FDB];
	s0 =	simm.s32 @p2 $0x1  }
0x17: {  	s4 =	simm.s32 $0x1BF5;
	[smem:$0x3FBB] =	sst s0  }
0x18: {  	s0 =	sld [smem:$0x3F9E];
	_ =	swait.ge [sflag:s4], $0x0  }
0x19: {  	s7 =	sld [smem:$0x3F9F]  }
0x1a: {  	s8 =	sadd.s32 $0xFFFFE003, lr  }
0x1b: {  	s9 =	sadd.s32 $0xFFFFFEF7, lr;
	s5 =	simm.s32 $0xFFFFFFFF;
	p2 =	slt.u32 s8, $0xFFFFF086  }
0x1c: {  	p1 =	slt.u32 s9, $0xF7A;
	s5 =	simm.s32 @!p2 $0x0  }
0x1d: {  	s5 =	simm.s32 @p1 $0x1;
	p0 =	seq.s32 s7, s2  }
0x1e: {  	s7 =	smul.u32 @!p0 $0xF7A, s2;
	p2 =	seq.s32 @!p0 s5, $0x0  }
0x1f: {  	s9 =	smul.u32 $0xF7A, s1;
	s8 =	simm.s32 @!p0 $0x1BF5;
	p2 =	por !p2, p0  }
0x20: {  	[sflag:s8] =	ssyncset.s32 @!p0 $0xFFFFF086;
	s6 =	sadd.s32 @!p0 s3, s7;
	s7 =	simm.s32 @!p0 $0x108  }
0x21: {  	s3 =	sadd.s32 s3, s9;
	s6 =	sadd.s32 @!p0 $0x88, s6;
	s7 =	simm.s32 @p2 $0x1082  }
0x22: {  	[simem:s7], [sflag:s8] =	dma.local @!p0 [hbm:s6], $0xF7A  }
0x23: {  	s9 =	sor.u32 $0xD0000000, s2;
	s6 =	simm.s32 $0x108;
	_ =	swait.ge @!p0 [sflag:s8], $0x0  }
0x24: {  	s3 =	sadd.s32 $0x88, s3;
	s6 =	simm.s32 @!p1 $0x1082;
	[sflag:s4] =	ssyncset.s32 $0xFFFFF086  }
0x25: {  	[simem:s6], [sflag:s4] =	dma.local [hbm:s3], $0xF7A  }
0x26: {  	[smem:$0x3F9F] =	sst s1;
	(tag) =	ssettag s2;
	_ =	strace s9  }
0x27: {  	s1 =	sld [smem:$0x3FAF]  }
0x28: {  	s2 =	sld [smem:$0x3FB0]  }
0x29: {  	s4 =	sld [smem:$0x3FB2]  }
0x2a: {  	p0 =	seq.s32 s5, $0x0;
	s5 =	sld [smem:$0x3FB3]  }
0x2b: {  	s6 =	sld [smem:$0x3FB4]  }
0x2c: {  	s7 =	sld [smem:$0x3FB5]  }
0x2d: {  	s3 =	simm.s32 $0x108;
	s8 =	sld [smem:$0x3FB6]  }
0x2e: {  	s3 =	simm.s32 @!p0 $0x1082;
	s9 =	sld [smem:$0x3FB7]  }
0x2f: {  	lr =	sadd.s32 s0, s3;
	s0 =	sld [smem:$0x3FAE]  }
0x30: {  	s3 =	sld [smem:$0x3FB1]  }
0x31: {  	[smem:$0x3FBA] =	sst s10  }
0x32: {  	s10 =	sld [smem:$0x3FB8];
	_ =	sdelay $0x3  }
0x33: {  	p0 =	seq.s32 s10, $0x1;
	s10 =	sld [smem:$0x3FBA];
	_ =	sdelay $0x3  }
0x34: {  	[smem:$0x3FBA] =	sst s10  }
0x35: {  	s10 =	sld [smem:$0x3FB9];
	_ =	sdelay $0x3  }
0x36: {  	p1 =	seq.s32 s10, $0x1;
	s10 =	sld [smem:$0x3FBA];
	_ =	sdelay $0x3  }
0x37: {  	[smem:$0x3FBA] =	sst s10  }
0x38: {  	s10 =	sld [smem:$0x3FBB]  }
0x39: {  	_ = 	snop;
	(pc) =	sbr.ind lr, $3  }
0x3a: {  	_ = 	snop  }
0x3b: {  	_ = 	snop  }
0x3c: {  	p2 =	seq.s32 s10, $0x1;
	s10 =	sld [smem:$0x3FBA]  }
0x3d: {  	_ =	shalt  }
0x3e: {  	_ =	shalt  }
0x3f: {  	_ =	shalt  }
0x40: {  	_ =	shalt  }
0x41: {  	_ =	shalt  }
0x42: {  	_ =	shalt  }
0x43: {  	_ =	shalt  }
0x44: {  	_ =	shalt  }
0x45: {  	_ =	shalt  }
0x46: {  	_ =	shalt  }
0x47: {  	_ =	shalt  }
0x48: {  	_ =	shalt  }
0x49: {  	_ =	shalt  }
0x4a: {  	_ =	shalt  }
0x4b: {  	_ =	shalt  }
0x4c: {  	_ =	shalt  }
0x4d: {  	_ =	shalt  }
0x4e: {  	_ =	shalt  }
0x4f: {  	_ =	shalt  }
0x50: {  	_ =	shalt  }
0x51: {  	_ =	shalt  }
0x52: {  	_ =	shalt  }
0x53: {  	_ =	shalt  }
0x54: {  	_ =	shalt  }
0x55: {  	_ =	shalt  }
0x56: {  	_ =	shalt  }
0x57: {  	_ =	shalt  }
0x58: {  	_ =	shalt  }
0x59: {  	_ =	shalt  }
0x5a: {  	_ =	shalt  }
0x5b: {  	_ =	shalt  }
0x5c: {  	_ =	shalt  }
0x5d: {  	_ =	shalt  }
0x5e: {  	_ =	shalt  }
0x5f: {  	_ =	shalt  }
0x60: {  	_ =	shalt  }
0x61: {  	_ =	shalt  }
0x62: {  	_ =	shalt  }
0x63: {  	_ =	shalt  }
0x64: {  	_ =	shalt  }
0x65: {  	_ =	shalt  }
0x66: {  	_ =	shalt  }
0x67: {  	_ =	shalt  }
0x68: {  	_ =	shalt  }
0x69: {  	_ =	shalt  }
0x6a: {  	_ =	shalt  }
0x6b: {  	_ =	shalt  }
0x6c: {  	_ =	shalt  }
0x6d: {  	_ =	shalt  }
0x6e: {  	_ =	shalt  }
0x6f: {  	_ =	shalt  }
0x70: {  	_ =	shalt  }
0x71: {  	_ =	shalt  }
0x72: {  	_ =	shalt  }
0x73: {  	_ =	shalt  }
0x74: {  	_ =	shalt  }
0x75: {  	_ =	shalt  }
0x76: {  	_ =	shalt  }
0x77: {  	_ =	shalt  }
0x78: {  	_ =	shalt  }
0x79: {  	_ =	shalt  }
0x7a: {  	_ =	shalt  }
0x7b: {  	_ =	shalt  }
0x7c: {  	_ =	shalt  }
0x7d: {  	_ =	shalt  }
0x7e: {  	_ =	shalt  }
0x7f: {  	_ =	shalt  }
0x80: {  	_ =	shalt  }
0x81: {  	_ =	shalt  }
0x82: {  	_ =	shalt  }
0x83: {  	_ =	shalt  }
0x84: {  	_ =	shalt  }
0x85: {  	_ =	shalt  }
0x86: {  	_ =	shalt  }
0x87: {  	_ =	shalt  }
.Lfunc_end0:
.L_simem_size_0:
called_computation.3_lowered:
.L_overlay_start_0:
0x88: {  	s2 =	sld [smem:$0x3FD9]  }
0x89: {  	s3 =	sld [smem:$0x3FFE];
	_ =	sdelay $0x1  }
0x8a: {  	s1 =	srdreg.scid  }
0x8b: {  	s0 =	sand.u32 $0x1, s1  }
0x8c: {  	s17 =	sshll.u32 s0, $0xA;
	s2 =	sadd.s32 s3, s2  }
0x8d: {  	s2 =	sadd.s32 s2, s17  }
0x8e: {  	[smem:$0x3FC6] =	sst s2  }
0x8f: {  	_ = 	snop  }
0x90: {  	s18 =	sld [smem:$0x3FD0];
	(tm) =	ssettm $0x1  }
0x91: {  	s19 =	sld [smem:$0x3FFB];
	_ =	sdelay $0x3  }
0x92: {  	_ =	strace s19  }
0x93: {  	s2 =	sld [smem:$0x3FFC];
	_ =	sdelay $0x3  }
0x94: {  	_ =	strace s2  }
0x95: {  	s2 =	sld [smem:$0x3FFD];
	_ =	sdelay $0x3  }
0x96: {  	_ =	strace s2  }
0x97: {  	_ =	strace $0x8FFFFFFF  }
0x98: {  	s20 =	sld [smem:$0x3FDB];
	_ =	sdelay $0x1  }
0x99: {  	s4 =	simm.s32 $_scs_section_size  }
0x9a: {  	s5 =	simm.s32 $_size__tile_overlayer_lowered;
	s6 =	simm.s32 $_tile_overlayer_lowered  }
0x9b: {  	s7 =	simm.s32 $0x1BFF;
	s21 =	sshll.u32 s6, $0x1;
	s4 =	sadd.s32 s4, s20  }
0x9c: {  	s22 =	simm.s32 $0x0;
	s5 =	sshll.u32 s5, $0x1;
	s6 =	sadd.s32 s21, s4  }
0x9d: {  	[timem:s22], [sflag:s7] =	dma.local [hbm:s6], s5  }
0x9e: {  	_ =	swait.ge [sflag:s7], s5  }
0x9f: {  	s5 =	ssub.s32 $0x0, s5;
	[sflag:s7] =	ssyncset.done $0x0  }
0xa0: {  	[sflag:s7] =	ssyncadd.s32 s5;
	_ =	sdelay $0x1  }
0xa1: {  	s23 =	simm.s32 $0x1B8B  }
0xa2: {  	_ =	swait.ge [sflag:s23], $0x1  }
0xa3: {  	[sflag:s23] =	ssyncset.done $0x0  }
0xa4: {  	[sflag:s23] =	ssyncadd.s32 $0xFFFFFFFF  }
0xa5: {  	s5 =	sld [smem:$0x0]  }
0xa6: {  	s6 =	sand.u32 $0xFFFFFFFE, s1  }
0xa7: {  	p0 =	sne.s32 s1, s6  }
0xa8: {  	s6 =	sshll.u32 @p0 s6, $0xE  }
0xa9: {  	s6 =	sadd.s32 @p0 $0x11B8D, s6;
	s7 =	sshll.u32 @p0 s5, $0x11  }
0xaa: {  	s6 =	sor.u32 @p0 s7, s6  }
0xab: {  	[sflag:s6] =	ssyncadd.remote.s32 @p0 $0x1;
	_ =	sdelay $0x1  }
0xac: {  	s6 =	simm.s32 @p0 $0x1B8D  }
0xad: {  	_ =	swait.eq @p0 [sflag:s6], $0x1  }
0xae: {  	[sflag:s6] =	ssyncadd.s32 @p0 $0xFFFFFFFF  }
0xaf: {  	s7 =	sshll.u32 @!p0 s1, $0xE  }
0xb0: {  	s7 =	sor.u32 @!p0 $0x4000, s7;
	s6 =	simm.s32 @!p0 $0x1B8D  }
0xb1: {  	s5 =	sshll.u32 @!p0 s5, $0x11;
	s7 =	sadd.s32 @!p0 $0x11B8D, s7;
	_ =	swait.eq @!p0 [sflag:s6], $0x1  }
0xb2: {  	s5 =	sor.u32 @!p0 s5, s7;
	[sflag:s6] =	ssyncadd.s32 @!p0 $0xFFFFFFFF  }
0xb3: {  	s25 =	simm.s32 $0x1B8E;
	s24 =	sld [smem:$0x3FFE];
	[sflag:s5] =	ssyncadd.remote.s32 @!p0 $0x1  }
0xb4: {  	s26 =	simm.s32 $execute0_lowered;
	[smem:$0x3FD2] =	sst s25  }
0xb5: {  	s6 =	sshll.u32 s26, $0x1;
	_ =	strace $0x8000004F;
	[dreg:$0x1] =	wrdreg $0xFFFFFFFF  }
0xb6: {  	s28 =	simm.s32 $_size_execute0_lowered;
	s4 =	sadd.s32 s4, s6;
	[dreg:$0x0] =	wrdreg $0x0  }
0xb7: {  	s6 =	sshll.u32 s28, $0x1;
	[dreg:$0x2] =	wrdreg s4  }
0xb8: {  	[dreg:$0x3] =	wrdreg s6  }
0xb9: {  	[dreg:$0x4] =	wrdreg $0xC0  }
0xba: {  	_ =	task [dreg:s22], $0x5FFFF  }
0xbb: {  	[dreg:$0x1] =	wrdreg $0xFFFFFFFF  }
0xbc: {  	[dreg:$0x0] =	wrdreg $0x60  }
0xbd: {  	[dreg:$0x2] =	wrdreg s24  }
0xbe: {  	[dreg:$0x3] =	wrdreg s18  }
0xbf: {  	[dreg:$0x4] =	wrdreg $0xC  }
0xc0: {  	_ =	task.clear_ibuf [dreg:s22], $0x5FFFF;
	_ =	strace $0x9000004F  }
0xc1: {  	s29 =	simm.s32 $0xC;
	_ =	strace $0x80000051  }
0xc2: {  	_ =	swait.ge [sflag:s29], $0x1  }
0xc3: {  	[sflag:s29] =	ssyncadd.s32 $0xFFFFFFFF  }
0xc4: {  	_ =	strace $0x90000051  }
0xc5: {  	_ =	sfence  }
0xc6: {  	s30 =	sld [smem:$0x0];
	_ =	sdelay $0x2  }
0xc7: {  	s31 =	sshll.u32 s1, $0xD;
	s1 =	sshrl.u32 s1, $0x2  }
0xc8: {  	s4 =	sand.u32 $0x4000, s31;
	s1 =	sadd.s32 s1, s30  }
0xc9: {  	s0 =	sor.u32 s4, s0;
	s1 =	sshll.u32 s1, $0x11  }
0xca: {  	s0 =	sor.u32 s1, s0  }
0xcb: {  	s0 =	sadd.s32 $0x8F2B, s0  }
0xcc: {  	[sflag:s0] =	ssyncadd.remote.s32 $0x1  }
0xcd: {  	_ =	sfence.sel $0xFFFF  }
0xce: {  	[dreg:$0x0] =	wrdreg $0xFFFFFFFF;
	(pc) =	sbr.abs _section_cstart, $3  }
0xcf: {  	[dreg:$0x1] =	wrdreg $0xFFFFFFFF  }
0xd0: {  	_ =	task.clear_ibuf [dreg:s22], $0x2FFFF;
	_ =	strace $0x9FFFFFFF  }
0xd1: {  	(tm) =	ssettm $0x7FFFFFFF  }
tec
execute0_lowered:
.L_overlay_start_1:
0x0: {  	(tag) =	ssettag $0x1  }
0x1: {  	s1 =	srdreg.scid  }
0x2: {  	s0 =	stileid.u32;
	s6 =	rddreg [dreg:$0x0]  }
0x3: {  	s7 =	rddreg [dreg:$0x1];
	s3 =	simm.s32 $0x1;
	s11 =	simm.s32 $0x3  }
0x4: {  	s12 =	simm.s32 $0x80;
	s13 =	simm.s32 $0x200;
	s4 =	sand.u32 $0x1, s1  }
0x5: {  	s14 =	simm.s32 $0x4200;
	s30 =	sshll.u32 s0, $0xA;
	s2 =	sshll.u32 s4, $0x9  }
0x6: {  	s15 =	simm.s32 $0x8200;
	s16 =	simm.s32 $0x100;
	s5 =	sor.u32 s2, s30  }
0x7: {  	s17 =	simm.s32 $0x2;
	p1 =	seq.s32 s4, $0x1;
	p0 =	seq.s32 s5, $0x0  }
0x8: {  	s18 =	simm.s32 $0x180;
	s19 =	simm.s32 $0x0;
	p0 =	por !p0, !p1  }
0x9: {  	s1 =	rddreg [dreg:$0x2];
	s9 =	sshll.u32 s4, $0x10;
	p0 =	por !p0, !p0  }
0xa: {  	s4 =	ssub.s32 $0x2, s4;
	s2 =	simm.s32 $0x0;
	s3 =	simm.s32 @!p0 $0x0  }
0xb: {  	s31 =	sshrl.u32 s4, $0x1;
	[smem:$0x7FF] =	sst s2;
	s3 =	ssub.s32 s0, s3  }
0xc: {  	s5 =	sshrl.u32 s5, $0x3;
	s10 =	ssub.s32 s4, s31;
	s8 =	sshll.u32 s3, $0x11  }
0xd: {  	_ =	strace $0x80000050;
	s10 =	smax.u32 s10, $0x1;
	s8 =	sor.u32 s9, s8  }
0xe: {  	s3 =	sadd.s32 $0x1400, s6;
	s6 =	sadd.s32 s5, s6;
	s8 =	sshrl.u32 s8, $0x3  }
0xf: {  	s5 =	simm.s32 $0x1;
	s6 =	sadd.s32 $0xC7400, s6;
	s4 =	sadd.s32 s7, s8  }
0x10: {  	s7 =	sadd.s32 $0x800, s4;
	s8 =	sadd.s32 $0x1000, s4;
	s9 =	sadd.s32 $0x1800, s4  }
.LBB2_1:
0x11: {  	[tilespmem:s2], [sflag:$0x3] =	stream.linear.gather [hbm4b:s6+s2], $0x200, $0x38;
	[tilespmem:$0xC200] =	vst v63  }
0x12: {  	_ =	swait.ge [sflag:s11], $0x200  }
0x13: {  	[sflag:s11] =	ssyncset.done $0x0  }
0x14: {  	[sflag:s11] =	ssyncadd.s32 $0xFFFFFE00  }
0x15: {  	[tilespmem:s13], [sflag:$0x1] =	stream.indirect.gather [hbm4b:s3+s12], $0x80, s2, s12, $0xb8;
	[tilespmem:$0xC200] =	vst v63  }
0x16: {  	_ = 	snop  }
0x17: {  	[tilespmem:s14], [sflag:$0x2] =	stream.indirect.gather [hbm4b:s3+s12], $0x80, s12, s12, $0xb8;
	[tilespmem:$0xC200] =	vst v63  }
0x18: {  	_ =	swait.ge [sflag:s5], $0x4000  }
0x19: {  	[sflag:s5] =	ssyncset.done $0x0  }
0x1a: {  	s20 =	simm.s32 $0x0;
	[sflag:s5] =	ssyncadd.s32 $0xFFFFC000  }
0x1b: {  	v0 =	vld [tilespmem:s20+$0x230]  }
0x1c: {  	v1 =	vld [tilespmem:s20+$0x200]  }
0x1d: {  	v2 =	vld [tilespmem:s20+$0x210]  }
0x1e: {  	s21 =	simm.s32 $0x200;
	v3 =	vld [tilespmem:s20+$0x220]  }
.LBB2_2:
0x1f: {  	p0 =	sne.s32 s21, $0xFE00  }
.Ltmp0:
0x20: {  	s22 =	sshra.s32 s21, $0x2;
	s21 =	sadd.s32 $0x200, s21;
	[tilespmem:s20+$0x8230] =	vst v0;
	(pc) =	sbr.rel @p0 .LBB2_2-.Ltmp0, $4  }
0x21: {  	v0 =	vld [tilespmem:s22+$0x230];
	[tilespmem:s20+$0x8200] =	vst v1  }
0x22: {  	v1 =	vld [tilespmem:s22+$0x200];
	[tilespmem:s20+$0x8210] =	vst v2  }
0x23: {  	v2 =	vld [tilespmem:s22+$0x210];
	[tilespmem:s20+$0x8220] =	vst v3;
	s20 =	smov.u32 s22  }
0x24: {  	v3 =	vld [tilespmem:s20+$0x220]  }
0x25: {  	_ = 	snop  }
0x26: {  	[tilespmem:s20+$0x8230] =	vst v0  }
0x27: {  	[tilespmem:s20+$0x8200] =	vst v1  }
0x28: {  	[tilespmem:s20+$0x8210] =	vst v2  }
0x29: {  	s31 =	simm.s32 $0x0;
	[tilespmem:s20+$0x8220] =	vst v3  }
0x2a: {  	[hbm4b:s4+s31] =	stream.linear.scatter [tilespmem:s15], [sflag:$0x3], $0x4000, $0x38;
	[tilespmem:$0xC200] =	vst v63  }
0x2b: {  	_ =	swait.ge [sflag:s11], $0x4000  }
0x2c: {  	[sflag:s11] =	ssyncset.done $0x0  }
0x2d: {  	[sflag:s11] =	ssyncadd.s32 $0xFFFFC000  }
0x2e: {  	[tilespmem:s13], [sflag:$0x1] =	stream.indirect.gather [hbm4b:s3+s12], $0x80, s16, s12, $0xb8;
	[tilespmem:$0xC200] =	vst v63  }
0x2f: {  	_ =	swait.ge [sflag:s17], $0x4000  }
0x30: {  	[sflag:s17] =	ssyncset.done $0x0  }
0x31: {  	s20 =	simm.s32 $0x0;
	[sflag:s17] =	ssyncadd.s32 $0xFFFFC000  }
0x32: {  	v0 =	vld [tilespmem:s20+$0x4230]  }
0x33: {  	v1 =	vld [tilespmem:s20+$0x4200]  }
0x34: {  	v2 =	vld [tilespmem:s20+$0x4210]  }
0x35: {  	s21 =	simm.s32 $0x200;
	v3 =	vld [tilespmem:s20+$0x4220]  }
.LBB2_4:
0x36: {  	p0 =	sne.s32 s21, $0xFE00  }
.Ltmp1:
0x37: {  	s22 =	sshra.s32 s21, $0x2;
	s21 =	sadd.s32 $0x200, s21;
	[tilespmem:s20+$0x8230] =	vst v0;
	(pc) =	sbr.rel @p0 .LBB2_4-.Ltmp1, $4  }
0x38: {  	v0 =	vld [tilespmem:s22+$0x4230];
	[tilespmem:s20+$0x8200] =	vst v1  }
0x39: {  	v1 =	vld [tilespmem:s22+$0x4200];
	[tilespmem:s20+$0x8210] =	vst v2  }
0x3a: {  	v2 =	vld [tilespmem:s22+$0x4210];
	[tilespmem:s20+$0x8220] =	vst v3;
	s20 =	smov.u32 s22  }
0x3b: {  	v3 =	vld [tilespmem:s20+$0x4220]  }
0x3c: {  	_ = 	snop  }
0x3d: {  	[tilespmem:s20+$0x8230] =	vst v0  }
0x3e: {  	[tilespmem:s20+$0x8200] =	vst v1  }
0x3f: {  	[tilespmem:s20+$0x8210] =	vst v2  }
0x40: {  	s31 =	simm.s32 $0x0;
	[tilespmem:s20+$0x8220] =	vst v3  }
0x41: {  	[hbm4b:s7+s31] =	stream.linear.scatter [tilespmem:s15], [sflag:$0x3], $0x4000, $0x38;
	[tilespmem:$0xC200] =	vst v63  }
0x42: {  	_ =	swait.ge [sflag:s11], $0x4000  }
0x43: {  	[sflag:s11] =	ssyncset.done $0x0  }
0x44: {  	[sflag:s11] =	ssyncadd.s32 $0xFFFFC000  }
0x45: {  	[tilespmem:s14], [sflag:$0x2] =	stream.indirect.gather [hbm4b:s3+s12], $0x80, s18, s12, $0xb8;
	[tilespmem:$0xC200] =	vst v63  }
0x46: {  	_ =	swait.ge [sflag:s5], $0x4000  }
0x47: {  	[sflag:s5] =	ssyncset.done $0x0  }
0x48: {  	s20 =	simm.s32 $0x0;
	[sflag:s5] =	ssyncadd.s32 $0xFFFFC000  }
0x49: {  	v0 =	vld [tilespmem:s20+$0x230]  }
0x4a: {  	v1 =	vld [tilespmem:s20+$0x200]  }
0x4b: {  	v2 =	vld [tilespmem:s20+$0x210]  }
0x4c: {  	s21 =	simm.s32 $0x200;
	v3 =	vld [tilespmem:s20+$0x220]  }
.LBB2_6:
0x4d: {  	p0 =	sne.s32 s21, $0xFE00  }
.Ltmp2:
0x4e: {  	s22 =	sshra.s32 s21, $0x2;
	s21 =	sadd.s32 $0x200, s21;
	[tilespmem:s20+$0x8230] =	vst v0;
	(pc) =	sbr.rel @p0 .LBB2_6-.Ltmp2, $4  }
0x4f: {  	v0 =	vld [tilespmem:s22+$0x230];
	[tilespmem:s20+$0x8200] =	vst v1  }
0x50: {  	v1 =	vld [tilespmem:s22+$0x200];
	[tilespmem:s20+$0x8210] =	vst v2  }
0x51: {  	v2 =	vld [tilespmem:s22+$0x210];
	[tilespmem:s20+$0x8220] =	vst v3;
	s20 =	smov.u32 s22  }
0x52: {  	v3 =	vld [tilespmem:s20+$0x220]  }
0x53: {  	_ = 	snop  }
0x54: {  	[tilespmem:s20+$0x8230] =	vst v0  }
0x55: {  	[tilespmem:s20+$0x8200] =	vst v1  }
0x56: {  	[tilespmem:s20+$0x8210] =	vst v2  }
0x57: {  	s31 =	simm.s32 $0x0;
	[tilespmem:s20+$0x8220] =	vst v3  }
0x58: {  	[hbm4b:s8+s31] =	stream.linear.scatter [tilespmem:s15], [sflag:$0x3], $0x4000, $0x38;
	[tilespmem:$0xC200] =	vst v63  }
0x59: {  	_ =	swait.ge [sflag:s11], $0x4000  }
0x5a: {  	[sflag:s11] =	ssyncset.done $0x0  }
0x5b: {  	[sflag:s11] =	ssyncadd.s32 $0xFFFFC000  }
0x5c: {  	_ =	swait.ge [sflag:s17], $0x4000  }
0x5d: {  	[sflag:s17] =	ssyncset.done $0x0  }
0x5e: {  	s20 =	simm.s32 $0x0;
	[sflag:s17] =	ssyncadd.s32 $0xFFFFC000  }
0x5f: {  	v0 =	vld [tilespmem:s20+$0x4230]  }
0x60: {  	v1 =	vld [tilespmem:s20+$0x4200]  }
0x61: {  	v2 =	vld [tilespmem:s20+$0x4210]  }
0x62: {  	s21 =	simm.s32 $0x200;
	v3 =	vld [tilespmem:s20+$0x4220]  }
.LBB2_8:
0x63: {  	p0 =	sne.s32 s21, $0xFE00  }
.Ltmp3:
0x64: {  	s22 =	sshra.s32 s21, $0x2;
	s21 =	sadd.s32 $0x200, s21;
	[tilespmem:s20+$0x8230] =	vst v0;
	(pc) =	sbr.rel @p0 .LBB2_8-.Ltmp3, $4  }
0x65: {  	v0 =	vld [tilespmem:s22+$0x4230];
	[tilespmem:s20+$0x8200] =	vst v1  }
0x66: {  	v1 =	vld [tilespmem:s22+$0x4200];
	[tilespmem:s20+$0x8210] =	vst v2  }
0x67: {  	v2 =	vld [tilespmem:s22+$0x4210];
	[tilespmem:s20+$0x8220] =	vst v3;
	s20 =	smov.u32 s22  }
0x68: {  	v3 =	vld [tilespmem:s20+$0x4220]  }
0x69: {  	_ = 	snop  }
0x6a: {  	[tilespmem:s20+$0x8230] =	vst v0  }
0x6b: {  	s19 =	sadd.s32 $0x1, s19;
	[tilespmem:s20+$0x8200] =	vst v1  }
0x6c: {  	p0 =	sne.s32 s19, s10;
	[tilespmem:s20+$0x8210] =	vst v2  }
.Ltmp4:
0x6d: {  	[tilespmem:s20+$0x8220] =	vst v3;
	(pc) =	sbr.rel @p0 .LBB2_1-.Ltmp4, $4  }
0x6e: {  	[hbm4b:s9+s2] =	stream.linear.scatter [tilespmem:s15], [sflag:$0x3], $0x4000, $0x38;
	[tilespmem:$0xC200] =	vst v63  }
0x6f: {  	_ =	swait.ge [sflag:s11], $0x4000  }
0x70: {  	[sflag:s11] =	ssyncset.done $0x0  }
0x71: {  	[sflag:s11] =	ssyncadd.s32 $0xFFFFC000  }
0x72: {  	_ =	sfence.sel $0x180000  }
0x73: {  	[bflag:$0x0] =	sbarrier.arrive $0xFFFF  }
0x74: {  	p0 =	sne.s32 s0, $0x0;
	_ =	strace $0x90000050  }
0x75: {  	s0 =	sadd.s32 @!p0 $0x100000, s1;
	[bflag:$0x2] =	sbarrier.arrive $0xFFFF  }
0x76: {  	[sflag:s0] =	ssyncadd.tile.s32 @!p0 $0x1;
	_ =	shalt  }
.Lfunc_end2:
_tile_overlayer_lowered:
.L_overlay_start_2:
0x77: {  	(tag) =	ssettag $0x2  }
0x78: {  	s0 =	rddreg [dreg:$0x0];
	s2 =	stileid.u32  }
0x79: {  	s1 =	rddreg [dreg:$0x1];
	p0 =	sne.s32 s2, $0x0  }
0x7a: {  	s3 =	rddreg [dreg:$0x2];
	[bflag:$0x3] =	sbarrier.arrive $0xFFFF;
	s2 =	simm.s32 @!p0 $0x1C03  }
0x7b: {  	[timem:s3], [sflag:s2] =	dma.local @!p0 [hbm:s0], s1  }
0x7c: {  	s0 =	simm.s32 @!p0 $0x3  }
0x7d: {  	_ =	swait.ge @!p0 [sflag:s0], s1  }
0x7e: {  	s1 =	ssub.s32 @!p0 $0x0, s1;
	[sflag:s0] =	ssyncset.done @!p0 $0x0  }
0x7f: {  	[sflag:s0] =	ssyncadd.s32 @!p0 s1  }
0x80: {  	[bflag:$0x3] =	sbarrier.arrive $0xFFFF  }
0x81: {  	_ =	shalt  }

</sc_bundles>
